<compile_context>
chip_gen: v7x
topology: tpu7x:2x2x1
jax: 0.10.2.dev20260603
libtpu: 0.0.44.dev20260713+nightly
codegen_flags: <defaults>
</compile_context>

<pallas_src>
import functools

import jax
import jax.numpy as jnp
from jax import lax
from jax.experimental import pallas as pl
from jax.experimental.pallas import tpu as pltpu
from jax.experimental.pallas import tpu_sc as plsc

NC = 2
NS = 16
NW = NC * NS
CH = 128
G = 64
BR = 1000
SPLIT = (160, 0)


def _round_up(a, b):
    return (a + b - 1) // b * b



def _sc_counts(dst, z128, npad, epad):
    epw = epad // NW
    rps = npad // NS
    mesh = plsc.VectorSubcoreMesh(core_axis_name="c", subcore_axis_name="s")

    nch = epw // CH

    def k_body(dst_h, z128_h, cnt_h, dstm, onesv, cnts, sem):
        c = lax.axis_index("c")
        s = lax.axis_index("s")
        wid = c * NS + s
        r0 = s * rps
        pltpu.sync_copy(z128_h.at[pl.ds(r0, rps)], cnts.at[pl.ds(r0, rps)])
        pltpu.sync_copy(dst_h.at[pl.ds(wid * nch, nch)], dstm)

        @pl.loop(0, CH)
        def _(j):
            @pl.loop(0, 128, step=16)
            def _(l):
                onesv[j, pl.ds(l, 16)] = jnp.full((16,), 1.0, jnp.float32)

        plsc.subcore_barrier()

        @pl.loop(0, nch)
        def _(i):
            pltpu.sync_copy(onesv, cnts.at[dstm.at[i]], add=True)

        plsc.subcore_barrier()
        pltpu.sync_copy(cnts.at[pl.ds(r0, rps)], cnt_h.at[c].at[pl.ds(r0, rps)])

    kern = pl.kernel(
        k_body,
        out_type=jax.ShapeDtypeStruct((NC, npad, 128), jnp.float32),
        mesh=mesh,
        scratch_types=[
            pltpu.VMEM((nch, CH), jnp.int32),
            pltpu.VMEM((CH, 128), jnp.float32),
            pltpu.VMEM_SHARED((npad, 128), jnp.float32),
            pltpu.SemaphoreType.DMA,
        ],
    )
    return kern(dst.reshape(epad // CH, CH), z128)


def _sc_sums(table, src, dst, z128, npad, epad):
    epw = epad // NW
    rps = npad // NS
    mesh = plsc.VectorSubcoreMesh(core_axis_name="c", subcore_axis_name="s")

    nctot = epad // (NS * CH)
    if nctot == SPLIT[0] + SPLIT[1]:
        nch0, nch1 = SPLIT
    else:
        nch0 = nch1 = nctot // 2
    PART = 40

    def k_body(table_h, src_h, dst_h, z128_h, sum_h,
               srcm, dstm, rows0, rows1, accs, sem0, sem1):
        rows = (rows0, rows1)
        sems = (sem0, sem1)
        c = lax.axis_index("c")
        s = lax.axis_index("s")

        def run_core(nch, base_chunk):
            sizes = []
            left = nch
            while left > 0:
                sizes.append(min(PART, left))
                left -= sizes[-1]
            off = 0
            for plen in sizes:
                base = base_chunk + s * nch + off
                off += plen
                ngrp = plen // 2
                pltpu.sync_copy(src_h.at[pl.ds(base, plen)],
                                srcm.at[pl.ds(0, plen)])
                pltpu.sync_copy(dst_h.at[pl.ds(base, plen)],
                                dstm.at[pl.ds(0, plen)])
                for b in range(2):
                    pltpu.async_copy(table_h.at[srcm.at[b]], rows[b], sems[b])

                @pl.loop(0, ngrp)
                def _(g):
                    ci = g * 2
                    for b in range(2):
                        pltpu.make_async_copy(table_h.at[srcm.at[ci + b]],
                                              rows[b], sems[b]).wait()
                        pltpu.sync_copy(rows[b], accs.at[dstm.at[ci + b]],
                                        add=True)

                        @pl.when(g < ngrp - 1)
                        def _():
                            pltpu.async_copy(table_h.at[srcm.at[ci + 2 + b]],
                                             rows[b], sems[b])

        rr = s * rps
        pltpu.sync_copy(z128_h.at[pl.ds(rr, rps)], accs.at[pl.ds(rr, rps)])
        plsc.subcore_barrier()

        @pl.when(c == 0)
        def _():
            run_core(nch0, 0)

        @pl.when(c == 1)
        def _():
            run_core(nch1, NS * nch0)

        plsc.subcore_barrier()
        pltpu.sync_copy(accs.at[pl.ds(rr, rps)], sum_h.at[c].at[pl.ds(rr, rps)])

    kern = pl.kernel(
        k_body,
        out_type=jax.ShapeDtypeStruct((NC, npad, 128), jnp.float32),
        mesh=mesh,
        scratch_types=[
            pltpu.VMEM((PART, CH), jnp.int32),
            pltpu.VMEM((PART, CH), jnp.int32),
            pltpu.VMEM((CH, 128), jnp.float32),
            pltpu.VMEM((CH, 128), jnp.float32),
            pltpu.VMEM_SHARED((npad, 128), jnp.float32),
            pltpu.SemaphoreType.DMA,
            pltpu.SemaphoreType.DMA,
        ],
    )
    return kern(table, src.reshape(epad // CH, CH),
                dst.reshape(epad // CH, CH), z128)



def _gelu_kernel(x_ref, o_ref):
    o_ref[...] = jax.nn.gelu(x_ref[...])


def _gelu_pallas(x):
    n, d = x.shape
    ng = n // BR
    return pl.pallas_call(
        _gelu_kernel,
        grid=(ng,),
        in_specs=[pl.BlockSpec((BR, d), lambda i: (i, 0))],
        out_specs=pl.BlockSpec((BR, d), lambda i: (i, 0)),
        out_shape=jax.ShapeDtypeStruct((n, d), jnp.float32),
    )(x)


def _x1_stats_kernel(sums_ref, cnts_ref, xg_ref, wl_ref, wr_ref, b_ref,
                     x1_ref, st_ref):
    i = pl.program_id(0)
    ssum = sums_ref[0] + sums_ref[1]
    cnt = cnts_ref[0, :, 0:1] + cnts_ref[1, :, 0:1]
    agg = ssum / jnp.maximum(cnt, 1.0)
    x1 = (jnp.dot(agg, wl_ref[...], preferred_element_type=jnp.float32)
          + jnp.dot(xg_ref[...], wr_ref[...], preferred_element_type=jnp.float32)
          + b_ref[...])
    x1_ref[...] = x1
    st = jnp.concatenate(
        [jnp.sum(x1, axis=0, keepdims=True),
         jnp.sum(x1 * x1, axis=0, keepdims=True)], axis=0)

    @pl.when(i == 0)
    def _():
        st_ref[...] = st

    @pl.when(i != 0)
    def _():
        st_ref[...] += st


def _x1_stats_pallas(sums, cnts, xg, wl, wr, b):
    n, d = xg.shape
    npad = sums.shape[1]
    ng = n // BR
    return pl.pallas_call(
        _x1_stats_kernel,
        grid=(ng,),
        in_specs=[
            pl.BlockSpec((NC, BR, 128), lambda i: (0, i, 0)),
            pl.BlockSpec((NC, BR, 128), lambda i: (0, i, 0)),
            pl.BlockSpec((BR, d), lambda i: (i, 0)),
            pl.BlockSpec((d, d), lambda i: (0, 0)),
            pl.BlockSpec((d, d), lambda i: (0, 0)),
            pl.BlockSpec((1, d), lambda i: (0, 0)),
        ],
        out_specs=[
            pl.BlockSpec((BR, d), lambda i: (i, 0)),
            pl.BlockSpec((2, d), lambda i: (0, 0)),
        ],
        out_shape=[
            jax.ShapeDtypeStruct((n, d), jnp.float32),
            jax.ShapeDtypeStruct((2, d), jnp.float32),
        ],
    )(sums, cnts, xg, wl, wr, b)


def _bn_gelu_kernel(nn, x1_ref, st_ref, g_ref, bt_ref, o_ref):
    mean = st_ref[0:1, :] / nn
    var = st_ref[1:2, :] / nn - mean * mean
    rstd = lax.rsqrt(var + 1e-5)
    o_ref[...] = jax.nn.gelu((x1_ref[...] - mean) * rstd * g_ref[...]
                             + bt_ref[...])


def _bn_gelu_pallas(x1, st, gamma, beta):
    n, d = x1.shape
    ng = n // BR
    return pl.pallas_call(
        functools.partial(_bn_gelu_kernel, float(n)),
        grid=(ng,),
        in_specs=[
            pl.BlockSpec((BR, d), lambda i: (i, 0)),
            pl.BlockSpec((2, d), lambda i: (0, 0)),
            pl.BlockSpec((1, d), lambda i: (0, 0)),
            pl.BlockSpec((1, d), lambda i: (0, 0)),
        ],
        out_specs=pl.BlockSpec((BR, d), lambda i: (i, 0)),
        out_shape=jax.ShapeDtypeStruct((n, d), jnp.float32),
    )(x1, st, gamma, beta)


def _xo_kernel(sums_ref, cnts_ref, h_ref, x1_ref, wl_ref, wr_ref, b_ref, o_ref):
    ssum = sums_ref[0] + sums_ref[1]
    cnt = cnts_ref[0, :, 0:1] + cnts_ref[1, :, 0:1]
    agg = ssum / jnp.maximum(cnt, 1.0)
    h2 = (jnp.dot(agg, wl_ref[...], preferred_element_type=jnp.float32)
          + jnp.dot(h_ref[...], wr_ref[...], preferred_element_type=jnp.float32)
          + b_ref[...])
    o_ref[...] = x1_ref[...] + h2


def _xo_pallas(sums, cnts, h, x1, wl, wr, b):
    n, d = h.shape
    ng = n // BR
    return pl.pallas_call(
        _xo_kernel,
        grid=(ng,),
        in_specs=[
            pl.BlockSpec((NC, BR, 128), lambda i: (0, i, 0)),
            pl.BlockSpec((NC, BR, 128), lambda i: (0, i, 0)),
            pl.BlockSpec((BR, d), lambda i: (i, 0)),
            pl.BlockSpec((BR, d), lambda i: (i, 0)),
            pl.BlockSpec((d, d), lambda i: (0, 0)),
            pl.BlockSpec((d, d), lambda i: (0, 0)),
            pl.BlockSpec((1, d), lambda i: (0, 0)),
        ],
        out_specs=pl.BlockSpec((BR, d), lambda i: (i, 0)),
        out_shape=jax.ShapeDtypeStruct((n, d), jnp.float32),
    )(sums, cnts, h, x1, wl, wr, b)


def _pool_kernel(ngrid, xo_ref, b_ref, wo_ref, bo_ref, o_ref,
                 acc_sum, acc_cnt, acc_min, acc_max):
    i = pl.program_id(0)

    @pl.when(i == 0)
    def _():
        acc_sum[...] = jnp.zeros_like(acc_sum)
        acc_cnt[...] = jnp.zeros_like(acc_cnt)
        acc_min[...] = jnp.full_like(acc_min, jnp.inf)
        acc_max[...] = jnp.full_like(acc_max, -jnp.inf)

    blk = xo_ref[...]
    bid = b_ref[...]
    g_lo = jnp.min(bid)
    g_hi = jnp.max(bid)
    giota = lax.broadcasted_iota(jnp.int32, (G, 1), 0)

    def body(g, carry):
        m = bid == g
        rowm = giota == g
        pmin = jnp.min(jnp.where(m, blk, jnp.inf), axis=0, keepdims=True)
        pmax = jnp.max(jnp.where(m, blk, -jnp.inf), axis=0, keepdims=True)
        psum = jnp.sum(jnp.where(m, blk, 0.0), axis=0, keepdims=True)
        pcnt = jnp.sum(m.astype(jnp.float32))
        acc_min[...] = jnp.where(rowm, jnp.minimum(acc_min[...], pmin), acc_min[...])
        acc_max[...] = jnp.where(rowm, jnp.maximum(acc_max[...], pmax), acc_max[...])
        acc_sum[...] = jnp.where(rowm, acc_sum[...] + psum, acc_sum[...])
        acc_cnt[...] = jnp.where(rowm, acc_cnt[...] + pcnt, acc_cnt[...])
        return carry

    lax.fori_loop(g_lo, g_hi + 1, body, 0)

    @pl.when(i == ngrid - 1)
    def _():
        mean = acc_sum[...] / jnp.maximum(acc_cnt[...], 1.0)
        pooled = jnp.concatenate([mean, acc_min[...], acc_max[...]], axis=1)
        o_ref[...] = (jnp.dot(pooled, wo_ref[...],
                              preferred_element_type=jnp.float32) + bo_ref[...])


def _pool_pallas(xo, batch2d, wo, bo):
    n, d = xo.shape
    ng = n // BR
    c = wo.shape[1]
    return pl.pallas_call(
        functools.partial(_pool_kernel, ng),
        grid=(ng,),
        in_specs=[
            pl.BlockSpec((BR, d), lambda i: (i, 0)),
            pl.BlockSpec((BR, 1), lambda i: (i, 0)),
            pl.BlockSpec((3 * d, c), lambda i: (0, 0)),
            pl.BlockSpec((1, c), lambda i: (0, 0)),
        ],
        out_specs=pl.BlockSpec((G, c), lambda i: (0, 0)),
        out_shape=jax.ShapeDtypeStruct((G, c), jnp.float32),
        scratch_shapes=[pltpu.VMEM((G, d), jnp.float32)] * 4,
    )(xo, batch2d, wo, bo)



def kernel(x, edge_index, batch, W1l, W1r, b1, gamma, beta, W2l, W2r, b2,
           Wout, bout):
    n, d = x.shape
    e = edge_index.shape[1]
    npad = _round_up(n + 1, NS * 8)
    epad = NS * CH * (SPLIT[0] + SPLIT[1])
    if epad < e:
        epad = _round_up(e, NW * 4 * CH)

    src = edge_index[0].astype(jnp.int32)
    dst = edge_index[1].astype(jnp.int32)
    if epad > e:
        src = jnp.concatenate([src, jnp.zeros((epad - e,), jnp.int32)])
        dst = jnp.concatenate([dst, jnp.full((epad - e,), npad - 1, jnp.int32)])

    z128 = jnp.zeros((npad, 128), jnp.float32)

    cnts1 = _sc_counts(dst, z128, npad, epad)
    xg = _gelu_pallas(x)
    sums1 = _sc_sums(xg, src, dst, z128, npad, epad)
    x1, st = _x1_stats_pallas(sums1, cnts1, xg, W1l.T, W1r.T,
                              b1.reshape(1, -1))
    h = _bn_gelu_pallas(x1, st, gamma.reshape(1, -1), beta.reshape(1, -1))
    sums2 = _sc_sums(h, src, dst, z128, npad, epad)
    xo = _xo_pallas(sums2, cnts1, h, x1, W2l.T, W2r.T, b2.reshape(1, -1))
    return _pool_pallas(xo, batch.reshape(-1, 1).astype(jnp.int32),
                        Wout.T, bout.reshape(1, -1))

# --- scband reference (transcript-rebuilt; emitter-appended) ---
"""Pipeline reference for scband-graph-level-gnn-generic-63788854280961 (READ-ONLY COPY).

The authoritative reference and input builder live on the scoring server;
editing this copy changes nothing except your own understanding.
"""

import jax, jax.numpy as jnp
import numpy as np

N = 10000
E = 320000
D = 128
H = 128
C = 2
G = 64


def setup_inputs(seed: int = 0) -> dict:
    key = jax.random.key(seed)
    ks = jax.random.split(key, 16)
    x = jax.random.normal(ks[0], (N, D), dtype=jnp.float32)
    edge_index = jax.random.randint(ks[1], (2, E), 0, N)
    batch = jnp.sort(jax.random.randint(ks[2], (N,), 0, G))
    s = 0.05
    W1l = jax.random.normal(ks[3], (H, D), dtype=jnp.float32) * s
    W1r = jax.random.normal(ks[4], (H, D), dtype=jnp.float32) * s
    b1 = jnp.zeros((H,), dtype=jnp.float32)
    gamma = jnp.ones((H,), dtype=jnp.float32)
    beta = jnp.zeros((H,), dtype=jnp.float32)
    W2l = jax.random.normal(ks[5], (H, H), dtype=jnp.float32) * s
    W2r = jax.random.normal(ks[6], (H, H), dtype=jnp.float32) * s
    b2 = jnp.zeros((H,), dtype=jnp.float32)
    Wout = jax.random.normal(ks[7], (C, 3 * H), dtype=jnp.float32) * s
    bout = jnp.zeros((C,), dtype=jnp.float32)
    return {"x": x, "edge_index": edge_index, "batch": batch,
            "W1l": W1l, "W1r": W1r, "b1": b1,
            "gamma": gamma, "beta": beta,
            "W2l": W2l, "W2r": W2r, "b2": b2,
            "Wout": Wout, "bout": bout}


def _sage(x, src, dst, Wl, Wr, b):
    # PyG SAGEConv with mean aggregation: lin_l(mean_j x_j) + lin_r(x_i) + bias
    msg = x[src]
    agg = jax.ops.segment_sum(msg, dst, num_segments=N)
    cnt = jax.ops.segment_sum(jnp.ones((src.shape[0], 1), x.dtype), dst, num_segments=N)
    agg = agg / jnp.clip(cnt, 1.0)
    return agg @ Wl.T + x @ Wr.T + b


def reference(x, edge_index, batch, W1l, W1r, b1, gamma, beta, W2l, W2r, b2, Wout, bout):
    src = edge_index[0]
    dst = edge_index[1]
    x = jax.nn.gelu(x)
    x1 = _sage(x, src, dst, W1l, W1r, b1)
    # BatchNorm1d (training-mode batch statistics over nodes)
    mean = jnp.mean(x1, axis=0)
    var = jnp.var(x1, axis=0)
    h = (x1 - mean) / jnp.sqrt(var + 1e-5) * gamma + beta
    h = jax.nn.gelu(h)
    h2 = _sage(h, src, dst, W2l, W2r, b2)
    xo = x1 + h2
    # MultiAggregation(['mean','min','max'], mode='cat') over graph batch ids
    s = jax.ops.segment_sum(xo, batch, num_segments=G)
    c = jax.ops.segment_sum(jnp.ones((N, 1), xo.dtype), batch, num_segments=G)
    p_mean = s / jnp.clip(c, 1.0)
    p_min = jax.ops.segment_min(xo, batch, num_segments=G)
    p_max = jax.ops.segment_max(xo, batch, num_segments=G)
    pooled = jnp.concatenate([p_mean, p_min, p_max], axis=1)
    return pooled @ Wout.T + bout

if __name__ == "__main__":
    import jax
    _d = setup_inputs()
    print(jax.jit(kernel)(*tuple(_d.values())))

</pallas_src>

<mosaic_0001>
#map = affine_map<(d0, d1) -> (0, 0)>
#map1 = affine_map<(d0, d1) -> (0, 0, 0)>
module attributes {stable_mosaic.version = 14 : i64} {
  func.func @k_body(%arg0: i32, %arg1: i32, %arg2: memref<2560x128xi32, #tpu.memory_space<hbm>>, %arg3: memref<10112x128xf32, #tpu.memory_space<hbm>>, %arg4: memref<2x10112x128xf32, #tpu.memory_space<hbm>>, %arg5: memref<80x128xi32, #tpu.memory_space<vmem>>, %arg6: memref<128x128xf32, #tpu.memory_space<vmem>>, %arg7: memref<10112x128xf32, #tpu.memory_space<vmem_shared>>, %arg8: memref<!tpu.dma_semaphore, #tpu.memory_space<semaphore_mem>>) attributes {dimension_semantics = [#tpu.dimension_semantics<core_parallel>, #tpu.dimension_semantics<subcore_parallel>], iteration_bounds = array<i64: 2, 16>, scalar_prefetch = 0 : i64, scratch_operands = 4 : i64, tpu.core_type = #tpu.core_type<sc_vector_subcore>, window_params = [{transform_indices = #map}, {transform_indices = #map}, {transform_indices = #map1}]} {
    %mul3A = arith.constant 16 : i32
    %mul3A_0 = arith.muli %arg0, %mul3A : i32
    %add3A = arith.addi %mul3A_0, %arg1 : i32
    %mul3A_1 = arith.constant 632 : i32
    %mul3A_2 = arith.muli %arg1, %mul3A_1 : i32
    "tpu.region"() ({
      %run_scoped3A = tpu.sem_alloc : memref<!tpu.dma_semaphore, #tpu.memory_space<semaphore_mem>>
      %dma_start3A = arith.constant 0 : i32
      %dma_start3A_15 = tpu.memref_slice %arg7[%mul3A_2, %dma_start3A] : memref<10112x128xf32, #tpu.memory_space<vmem_shared>> -> memref<632x128xf32, #tpu.memory_space<vmem_shared>>
      %dma_start3A_16 = arith.constant 0 : i32
      %dma_start3A_17 = tpu.memref_slice %arg3[%mul3A_2, %dma_start3A_16] : memref<10112x128xf32, #tpu.memory_space<hbm>> -> memref<632x128xf32, #tpu.memory_space<hbm>>
      tpu.enqueue_dma source(%dma_start3A_17 : memref<632x128xf32, #tpu.memory_space<hbm>>) target(%dma_start3A_15 : memref<632x128xf32, #tpu.memory_space<vmem_shared>>) target_semaphore(%run_scoped3A : memref<!tpu.dma_semaphore, #tpu.memory_space<semaphore_mem>>)
      %dma_wait3A = arith.constant 0 : i32
      %dma_wait3A_18 = tpu.memref_slice %arg7[%mul3A_2, %dma_wait3A] : memref<10112x128xf32, #tpu.memory_space<vmem_shared>> -> memref<632x128xf32, #tpu.memory_space<vmem_shared>>
      %dma_wait3A_19 = arith.constant 0 : i32
      %dma_wait3A_20 = tpu.memref_slice %arg3[%mul3A_2, %dma_wait3A_19] : memref<10112x128xf32, #tpu.memory_space<hbm>> -> memref<632x128xf32, #tpu.memory_space<hbm>>
      tpu.wait_dma2 semaphore(%run_scoped3A : memref<!tpu.dma_semaphore, #tpu.memory_space<semaphore_mem>>) src(%dma_wait3A_20 : memref<632x128xf32, #tpu.memory_space<hbm>>) dst(%dma_wait3A_18 : memref<632x128xf32, #tpu.memory_space<vmem_shared>>)
      tpu.yield
    }) : () -> ()
    %mul3A_3 = arith.constant 80 : i32
    %mul3A_4 = arith.muli %add3A, %mul3A_3 : i32
    "tpu.region"() ({
      %run_scoped3A = tpu.sem_alloc : memref<!tpu.dma_semaphore, #tpu.memory_space<semaphore_mem>>
      %dma_start3A = arith.constant 0 : i32
      %dma_start3A_15 = tpu.memref_slice %arg2[%mul3A_4, %dma_start3A] : memref<2560x128xi32, #tpu.memory_space<hbm>> -> memref<80x128xi32, #tpu.memory_space<hbm>>
      %dma_start3A_16 = arith.constant 0 : i32
      %dma_start3A_17 = tpu.memref_slice %arg2[%mul3A_4, %dma_start3A_16] : memref<2560x128xi32, #tpu.memory_space<hbm>> -> memref<80x128xi32, #tpu.memory_space<hbm>>
      tpu.enqueue_dma source(%dma_start3A_17 : memref<80x128xi32, #tpu.memory_space<hbm>>) target(%arg5 : memref<80x128xi32, #tpu.memory_space<vmem>>) target_semaphore(%run_scoped3A : memref<!tpu.dma_semaphore, #tpu.memory_space<semaphore_mem>>)
      %dma_wait3A = arith.constant 0 : i32
      %dma_wait3A_18 = tpu.memref_slice %arg2[%mul3A_4, %dma_wait3A] : memref<2560x128xi32, #tpu.memory_space<hbm>> -> memref<80x128xi32, #tpu.memory_space<hbm>>
      %dma_wait3A_19 = arith.constant 0 : i32
      %dma_wait3A_20 = tpu.memref_slice %arg2[%mul3A_4, %dma_wait3A_19] : memref<2560x128xi32, #tpu.memory_space<hbm>> -> memref<80x128xi32, #tpu.memory_space<hbm>>
      tpu.wait_dma2 semaphore(%run_scoped3A : memref<!tpu.dma_semaphore, #tpu.memory_space<semaphore_mem>>) src(%dma_wait3A_20 : memref<80x128xi32, #tpu.memory_space<hbm>>) dst(%arg5 : memref<80x128xi32, #tpu.memory_space<vmem>>)
      tpu.yield
    }) : () -> ()
    %scan3A = arith.constant 0 : i32
    %scan3A_5 = arith.constant 128 : i32
    %scan3A_6 = arith.addi %scan3A, %scan3A_5 : i32
    %scan3A_7 = arith.constant 1 : i32
    scf.for %scan3A_15 = %scan3A to %scan3A_6 step %scan3A_7  : i32 {
      %mul3A_16 = arith.constant 1 : i32
      %mul3A_17 = arith.muli %scan3A_15, %mul3A_16 : i32
      %add3A_18 = arith.constant 0 : i32
      %add3A_19 = arith.addi %add3A_18, %mul3A_17 : i32
      %scan3A_20 = arith.constant 0 : i32
      %scan3A_21 = arith.constant 8 : i32
      %scan3A_22 = arith.addi %scan3A_20, %scan3A_21 : i32
      %scan3A_23 = arith.constant 1 : i32
      scf.for %scan3A_25 = %scan3A_20 to %scan3A_22 step %scan3A_23  : i32 {
        %mul3A_26 = arith.constant 16 : i32
        %mul3A_27 = arith.muli %scan3A_25, %mul3A_26 : i32
        %add3A_28 = arith.constant 0 : i32
        %add3A_29 = arith.addi %add3A_28, %mul3A_27 : i32
        %broadcast_in_dim3A = arith.constant 1.000000e+00 : f32
        %broadcast_in_dim3A_30 = vector.broadcast %broadcast_in_dim3A : f32 to vector<16xf32>
        %swap3A = arith.index_cast %add3A_19 : i32 to index
        %swap3A_31 = arith.index_cast %add3A_29 : i32 to index
        %swap3A_32 = tpu.vector_load %arg6[%swap3A, %swap3A_31] {strides = array<i32>} : memref<128x128xf32, #tpu.memory_space<vmem>>, vector<1x16xf32>,
        %swap3A_33 = vector.shape_cast %swap3A_32 : vector<1x16xf32> to vector<16xf32>
        %swap3A_34 = vector.shape_cast %broadcast_in_dim3A_30 : vector<16xf32> to vector<1x16xf32>
        tpu.vector_store %arg6[%swap3A, %swap3A_31], %swap3A_34 {strides = array<i32>} : memref<128x128xf32, #tpu.memory_space<vmem>>, vector<1x16xf32>,
      }
      %scan3A_24 = arith.constant 8 : i32
    }
    %scan3A_8 = arith.constant 128 : i32
    %barrier3A = arith.constant 0 : index
    tpu.barrier barrier_id(%barrier3A)
    %scan3A_9 = arith.constant 0 : i32
    %scan3A_10 = arith.constant 80 : i32
    %scan3A_11 = arith.addi %scan3A_9, %scan3A_10 : i32
    %scan3A_12 = arith.constant 1 : i32
    scf.for %scan3A_15 = %scan3A_9 to %scan3A_11 step %scan3A_12  : i32 {
      %mul3A_16 = arith.constant 1 : i32
      %mul3A_17 = arith.muli %scan3A_15, %mul3A_16 : i32
      %add3A_18 = arith.constant 0 : i32
      %add3A_19 = arith.addi %add3A_18, %mul3A_17 : i32
      "tpu.region"() ({
        %run_scoped3A = tpu.sem_alloc : memref<!tpu.dma_semaphore, #tpu.memory_space<semaphore_mem>>
        %dma_start3A = arith.constant 0 : i32
        %dma_start3A_20 = tpu.memref_slice %arg5[%add3A_19, %dma_start3A] : memref<80x128xi32, #tpu.memory_space<vmem>> -> memref<1x128xi32, #tpu.memory_space<vmem>>
        %dma_start3A_21 = tpu.memref_squeeze %dma_start3A_20 : memref<1x128xi32, #tpu.memory_space<vmem>> -> memref<128xi32, #tpu.memory_space<vmem>>
        %dma_start3A_22 = arith.constant 0 : i32
        %dma_start3A_23 = arith.constant 0 : i32
        %dma_start3A_24 = tpu.memref_slice %arg7[%dma_start3A_22, %dma_start3A_23] : memref<10112x128xf32, #tpu.memory_space<vmem_shared>> -> memref<10112x128xf32, #tpu.memory_space<vmem_shared>>
        tpu.enqueue_indirect_dma source(%arg6 : memref<128x128xf32, #tpu.memory_space<vmem>>) target(%dma_start3A_24 : memref<10112x128xf32, #tpu.memory_space<vmem_shared>>) offsets(%dma_start3A_21 : memref<128xi32, #tpu.memory_space<vmem>>) semaphore(%run_scoped3A : memref<!tpu.dma_semaphore, #tpu.memory_space<semaphore_mem>>) {add = true}
        %dma_wait3A = arith.constant 0 : i32
        %dma_wait3A_25 = tpu.memref_slice %arg5[%add3A_19, %dma_wait3A] : memref<80x128xi32, #tpu.memory_space<vmem>> -> memref<1x128xi32, #tpu.memory_space<vmem>>
        %dma_wait3A_26 = tpu.memref_squeeze %dma_wait3A_25 : memref<1x128xi32, #tpu.memory_space<vmem>> -> memref<128xi32, #tpu.memory_space<vmem>>
        %dma_wait3A_27 = arith.constant 0 : i32
        %dma_wait3A_28 = arith.constant 0 : i32
        %dma_wait3A_29 = tpu.memref_slice %arg7[%dma_wait3A_27, %dma_wait3A_28] : memref<10112x128xf32, #tpu.memory_space<vmem_shared>> -> memref<10112x128xf32, #tpu.memory_space<vmem_shared>>
        tpu.wait_indirect_dma semaphore(%run_scoped3A : memref<!tpu.dma_semaphore, #tpu.memory_space<semaphore_mem>>) src(%arg6 : memref<128x128xf32, #tpu.memory_space<vmem>>) dst(%dma_wait3A_29 : memref<10112x128xf32, #tpu.memory_space<vmem_shared>>)
        tpu.yield
      }) : () -> ()
    }
    %scan3A_13 = arith.constant 80 : i32
    %barrier3A_14 = arith.constant 0 : index
    tpu.barrier barrier_id(%barrier3A_14)
    "tpu.region"() ({
      %run_scoped3A = tpu.sem_alloc : memref<!tpu.dma_semaphore, #tpu.memory_space<semaphore_mem>>
      %dma_start3A = arith.constant 0 : i32
      %dma_start3A_15 = arith.constant 0 : i32
      %dma_start3A_16 = tpu.memref_slice %arg4[%arg0, %dma_start3A, %dma_start3A_15] : memref<2x10112x128xf32, #tpu.memory_space<hbm>> -> memref<1x10112x128xf32, #tpu.memory_space<hbm>>
      %dma_start3A_17 = tpu.memref_squeeze %dma_start3A_16 : memref<1x10112x128xf32, #tpu.memory_space<hbm>> -> memref<10112x128xf32, #tpu.memory_space<hbm>>
      %dma_start3A_18 = arith.constant 0 : i32
      %dma_start3A_19 = tpu.memref_slice %dma_start3A_17[%mul3A_2, %dma_start3A_18] : memref<10112x128xf32, #tpu.memory_space<hbm>> -> memref<632x128xf32, #tpu.memory_space<hbm>>
      %dma_start3A_20 = arith.constant 0 : i32
      %dma_start3A_21 = tpu.memref_slice %arg7[%mul3A_2, %dma_start3A_20] : memref<10112x128xf32, #tpu.memory_space<vmem_shared>> -> memref<632x128xf32, #tpu.memory_space<vmem_shared>>
      tpu.enqueue_dma source(%dma_start3A_21 : memref<632x128xf32, #tpu.memory_space<vmem_shared>>) target(%dma_start3A_19 : memref<632x128xf32, #tpu.memory_space<hbm>>) target_semaphore(%run_scoped3A : memref<!tpu.dma_semaphore, #tpu.memory_space<semaphore_mem>>)
      %dma_wait3A = arith.constant 0 : i32
      %dma_wait3A_22 = arith.constant 0 : i32
      %dma_wait3A_23 = tpu.memref_slice %arg4[%arg0, %dma_wait3A, %dma_wait3A_22] : memref<2x10112x128xf32, #tpu.memory_space<hbm>> -> memref<1x10112x128xf32, #tpu.memory_space<hbm>>
      %dma_wait3A_24 = tpu.memref_squeeze %dma_wait3A_23 : memref<1x10112x128xf32, #tpu.memory_space<hbm>> -> memref<10112x128xf32, #tpu.memory_space<hbm>>
      %dma_wait3A_25 = arith.constant 0 : i32
      %dma_wait3A_26 = tpu.memref_slice %dma_wait3A_24[%mul3A_2, %dma_wait3A_25] : memref<10112x128xf32, #tpu.memory_space<hbm>> -> memref<632x128xf32, #tpu.memory_space<hbm>>
      %dma_wait3A_27 = arith.constant 0 : i32
      %dma_wait3A_28 = tpu.memref_slice %arg7[%mul3A_2, %dma_wait3A_27] : memref<10112x128xf32, #tpu.memory_space<vmem_shared>> -> memref<632x128xf32, #tpu.memory_space<vmem_shared>>
      tpu.wait_dma2 semaphore(%run_scoped3A : memref<!tpu.dma_semaphore, #tpu.memory_space<semaphore_mem>>) src(%dma_wait3A_28 : memref<632x128xf32, #tpu.memory_space<vmem_shared>>) dst(%dma_wait3A_26 : memref<632x128xf32, #tpu.memory_space<hbm>>)
      tpu.yield
    }) : () -> ()
    return
  }
}

#map = affine_map<(d0, d1) -> (0, 0)>
#map1 = affine_map<(d0, d1) -> (0, 0, 0)>
module attributes {stable_mosaic.version = 14 : i64} {
  func.func @k_body(%arg0: i32, %arg1: i32, %arg2: memref<10000x128xf32, #tpu.memory_space<hbm>>, %arg3: memref<2560x128xi32, #tpu.memory_space<hbm>>, %arg4: memref<2560x128xi32, #tpu.memory_space<hbm>>, %arg5: memref<10112x128xf32, #tpu.memory_space<hbm>>, %arg6: memref<2x10112x128xf32, #tpu.memory_space<hbm>>, %arg7: memref<40x128xi32, #tpu.memory_space<vmem>>, %arg8: memref<40x128xi32, #tpu.memory_space<vmem>>, %arg9: memref<128x128xf32, #tpu.memory_space<vmem>>, %arg10: memref<128x128xf32, #tpu.memory_space<vmem>>, %arg11: memref<10112x128xf32, #tpu.memory_space<vmem_shared>>, %arg12: memref<!tpu.dma_semaphore, #tpu.memory_space<semaphore_mem>>, %arg13: memref<!tpu.dma_semaphore, #tpu.memory_space<semaphore_mem>>) attributes {dimension_semantics = [#tpu.dimension_semantics<core_parallel>, #tpu.dimension_semantics<subcore_parallel>], iteration_bounds = array<i64: 2, 16>, scalar_prefetch = 0 : i64, scratch_operands = 7 : i64, tpu.core_type = #tpu.core_type<sc_vector_subcore>, window_params = [{transform_indices = #map}, {transform_indices = #map}, {transform_indices = #map}, {transform_indices = #map}, {transform_indices = #map1}]} {
    %mul3A = arith.constant 632 : i32
    %mul3A_0 = arith.muli %arg1, %mul3A : i32
    "tpu.region"() ({
      %run_scoped3A = tpu.sem_alloc : memref<!tpu.dma_semaphore, #tpu.memory_space<semaphore_mem>>
      %dma_start3A = arith.constant 0 : i32
      %dma_start3A_9 = tpu.memref_slice %arg11[%mul3A_0, %dma_start3A] : memref<10112x128xf32, #tpu.memory_space<vmem_shared>> -> memref<632x128xf32, #tpu.memory_space<vmem_shared>>
      %dma_start3A_10 = arith.constant 0 : i32
      %dma_start3A_11 = tpu.memref_slice %arg5[%mul3A_0, %dma_start3A_10] : memref<10112x128xf32, #tpu.memory_space<hbm>> -> memref<632x128xf32, #tpu.memory_space<hbm>>
      tpu.enqueue_dma source(%dma_start3A_11 : memref<632x128xf32, #tpu.memory_space<hbm>>) target(%dma_start3A_9 : memref<632x128xf32, #tpu.memory_space<vmem_shared>>) target_semaphore(%run_scoped3A : memref<!tpu.dma_semaphore, #tpu.memory_space<semaphore_mem>>)
      %dma_wait3A = arith.constant 0 : i32
      %dma_wait3A_12 = tpu.memref_slice %arg11[%mul3A_0, %dma_wait3A] : memref<10112x128xf32, #tpu.memory_space<vmem_shared>> -> memref<632x128xf32, #tpu.memory_space<vmem_shared>>
      %dma_wait3A_13 = arith.constant 0 : i32
      %dma_wait3A_14 = tpu.memref_slice %arg5[%mul3A_0, %dma_wait3A_13] : memref<10112x128xf32, #tpu.memory_space<hbm>> -> memref<632x128xf32, #tpu.memory_space<hbm>>
      tpu.wait_dma2 semaphore(%run_scoped3A : memref<!tpu.dma_semaphore, #tpu.memory_space<semaphore_mem>>) src(%dma_wait3A_14 : memref<632x128xf32, #tpu.memory_space<hbm>>) dst(%dma_wait3A_12 : memref<632x128xf32, #tpu.memory_space<vmem_shared>>)
      tpu.yield
    }) : () -> ()
    %barrier3A = arith.constant 0 : index
    tpu.barrier barrier_id(%barrier3A)
    %eq3A = arith.constant 0 : i32
    %eq3A_1 = arith.cmpi eq, %arg0, %eq3A : i32
    %convert_element_type3A = arith.extui %eq3A_1 : i1 to i32
    %cond3A = arith.constant 0 : i32
    %cond3A_2 = arith.cmpi ne, %convert_element_type3A, %cond3A : i32
    scf.if %cond3A_2 {
      %mul3A_9 = arith.constant 160 : i32
      %mul3A_10 = arith.muli %arg1, %mul3A_9 : i32
      %add3A = arith.constant 0 : i32
      %add3A_11 = arith.addi %add3A, %mul3A_10 : i32
      %add3A_12 = arith.constant 0 : i32
      %add3A_13 = arith.addi %add3A_11, %add3A_12 : i32
      "tpu.region"() ({
        %run_scoped3A = tpu.sem_alloc : memref<!tpu.dma_semaphore, #tpu.memory_space<semaphore_mem>>
        %dma_start3A_106 = arith.constant 0 : i32
        %dma_start3A_107 = arith.constant 0 : i32
        %dma_start3A_108 = tpu.memref_slice %arg7[%dma_start3A_106, %dma_start3A_107] : memref<40x128xi32, #tpu.memory_space<vmem>> -> memref<40x128xi32, #tpu.memory_space<vmem>>
        %dma_start3A_109 = arith.constant 0 : i32
        %dma_start3A_110 = tpu.memref_slice %arg3[%add3A_13, %dma_start3A_109] : memref<2560x128xi32, #tpu.memory_space<hbm>> -> memref<40x128xi32, #tpu.memory_space<hbm>>
        %dma_start3A_111 = arith.constant 0 : i32
        %dma_start3A_112 = arith.constant 0 : i32
        %dma_start3A_113 = tpu.memref_slice %arg7[%dma_start3A_111, %dma_start3A_112] : memref<40x128xi32, #tpu.memory_space<vmem>> -> memref<40x128xi32, #tpu.memory_space<vmem>>
        %dma_start3A_114 = arith.constant 0 : i32
        %dma_start3A_115 = tpu.memref_slice %arg3[%add3A_13, %dma_start3A_114] : memref<2560x128xi32, #tpu.memory_space<hbm>> -> memref<40x128xi32, #tpu.memory_space<hbm>>
        tpu.enqueue_dma source(%dma_start3A_115 : memref<40x128xi32, #tpu.memory_space<hbm>>) target(%dma_start3A_113 : memref<40x128xi32, #tpu.memory_space<vmem>>) target_semaphore(%run_scoped3A : memref<!tpu.dma_semaphore, #tpu.memory_space<semaphore_mem>>)
        %dma_wait3A = arith.constant 0 : i32
        %dma_wait3A_116 = arith.constant 0 : i32
        %dma_wait3A_117 = tpu.memref_slice %arg7[%dma_wait3A, %dma_wait3A_116] : memref<40x128xi32, #tpu.memory_space<vmem>> -> memref<40x128xi32, #tpu.memory_space<vmem>>
        %dma_wait3A_118 = arith.constant 0 : i32
        %dma_wait3A_119 = tpu.memref_slice %arg3[%add3A_13, %dma_wait3A_118] : memref<2560x128xi32, #tpu.memory_space<hbm>> -> memref<40x128xi32, #tpu.memory_space<hbm>>
        %dma_wait3A_120 = arith.constant 0 : i32
        %dma_wait3A_121 = arith.constant 0 : i32
        %dma_wait3A_122 = tpu.memref_slice %arg7[%dma_wait3A_120, %dma_wait3A_121] : memref<40x128xi32, #tpu.memory_space<vmem>> -> memref<40x128xi32, #tpu.memory_space<vmem>>
        %dma_wait3A_123 = arith.constant 0 : i32
        %dma_wait3A_124 = tpu.memref_slice %arg3[%add3A_13, %dma_wait3A_123] : memref<2560x128xi32, #tpu.memory_space<hbm>> -> memref<40x128xi32, #tpu.memory_space<hbm>>
        tpu.wait_dma2 semaphore(%run_scoped3A : memref<!tpu.dma_semaphore, #tpu.memory_space<semaphore_mem>>) src(%dma_wait3A_124 : memref<40x128xi32, #tpu.memory_space<hbm>>) dst(%dma_wait3A_122 : memref<40x128xi32, #tpu.memory_space<vmem>>)
        tpu.yield
      }) : () -> ()
      "tpu.region"() ({
        %run_scoped3A = tpu.sem_alloc : memref<!tpu.dma_semaphore, #tpu.memory_space<semaphore_mem>>
        %dma_start3A_106 = arith.constant 0 : i32
        %dma_start3A_107 = arith.constant 0 : i32
        %dma_start3A_108 = tpu.memref_slice %arg8[%dma_start3A_106, %dma_start3A_107] : memref<40x128xi32, #tpu.memory_space<vmem>> -> memref<40x128xi32, #tpu.memory_space<vmem>>
        %dma_start3A_109 = arith.constant 0 : i32
        %dma_start3A_110 = tpu.memref_slice %arg4[%add3A_13, %dma_start3A_109] : memref<2560x128xi32, #tpu.memory_space<hbm>> -> memref<40x128xi32, #tpu.memory_space<hbm>>
        %dma_start3A_111 = arith.constant 0 : i32
        %dma_start3A_112 = arith.constant 0 : i32
        %dma_start3A_113 = tpu.memref_slice %arg8[%dma_start3A_111, %dma_start3A_112] : memref<40x128xi32, #tpu.memory_space<vmem>> -> memref<40x128xi32, #tpu.memory_space<vmem>>
        %dma_start3A_114 = arith.constant 0 : i32
        %dma_start3A_115 = tpu.memref_slice %arg4[%add3A_13, %dma_start3A_114] : memref<2560x128xi32, #tpu.memory_space<hbm>> -> memref<40x128xi32, #tpu.memory_space<hbm>>
        tpu.enqueue_dma source(%dma_start3A_115 : memref<40x128xi32, #tpu.memory_space<hbm>>) target(%dma_start3A_113 : memref<40x128xi32, #tpu.memory_space<vmem>>) target_semaphore(%run_scoped3A : memref<!tpu.dma_semaphore, #tpu.memory_space<semaphore_mem>>)
        %dma_wait3A = arith.constant 0 : i32
        %dma_wait3A_116 = arith.constant 0 : i32
        %dma_wait3A_117 = tpu.memref_slice %arg8[%dma_wait3A, %dma_wait3A_116] : memref<40x128xi32, #tpu.memory_space<vmem>> -> memref<40x128xi32, #tpu.memory_space<vmem>>
        %dma_wait3A_118 = arith.constant 0 : i32
        %dma_wait3A_119 = tpu.memref_slice %arg4[%add3A_13, %dma_wait3A_118] : memref<2560x128xi32, #tpu.memory_space<hbm>> -> memref<40x128xi32, #tpu.memory_space<hbm>>
        %dma_wait3A_120 = arith.constant 0 : i32
        %dma_wait3A_121 = arith.constant 0 : i32
        %dma_wait3A_122 = tpu.memref_slice %arg8[%dma_wait3A_120, %dma_wait3A_121] : memref<40x128xi32, #tpu.memory_space<vmem>> -> memref<40x128xi32, #tpu.memory_space<vmem>>
        %dma_wait3A_123 = arith.constant 0 : i32
        %dma_wait3A_124 = tpu.memref_slice %arg4[%add3A_13, %dma_wait3A_123] : memref<2560x128xi32, #tpu.memory_space<hbm>> -> memref<40x128xi32, #tpu.memory_space<hbm>>
        tpu.wait_dma2 semaphore(%run_scoped3A : memref<!tpu.dma_semaphore, #tpu.memory_space<semaphore_mem>>) src(%dma_wait3A_124 : memref<40x128xi32, #tpu.memory_space<hbm>>) dst(%dma_wait3A_122 : memref<40x128xi32, #tpu.memory_space<vmem>>)
        tpu.yield
      }) : () -> ()
      %dma_start3A = arith.constant 0 : i32
      %dma_start3A_14 = arith.constant 0 : i32
      %dma_start3A_15 = tpu.memref_slice %arg7[%dma_start3A, %dma_start3A_14] : memref<40x128xi32, #tpu.memory_space<vmem>> -> memref<1x128xi32, #tpu.memory_space<vmem>>
      %dma_start3A_16 = tpu.memref_squeeze %dma_start3A_15 : memref<1x128xi32, #tpu.memory_space<vmem>> -> memref<128xi32, #tpu.memory_space<vmem>>
      %dma_start3A_17 = arith.constant 0 : i32
      %dma_start3A_18 = arith.constant 0 : i32
      %dma_start3A_19 = tpu.memref_slice %arg2[%dma_start3A_17, %dma_start3A_18] : memref<10000x128xf32, #tpu.memory_space<hbm>> -> memref<10000x128xf32, #tpu.memory_space<hbm>>
      tpu.enqueue_indirect_dma source(%dma_start3A_19 : memref<10000x128xf32, #tpu.memory_space<hbm>>) target(%arg9 : memref<128x128xf32, #tpu.memory_space<vmem>>) offsets(%dma_start3A_16 : memref<128xi32, #tpu.memory_space<vmem>>) semaphore(%arg12 : memref<!tpu.dma_semaphore, #tpu.memory_space<semaphore_mem>>)
      %dma_start3A_20 = arith.constant 1 : i32
      %dma_start3A_21 = arith.constant 0 : i32
      %dma_start3A_22 = tpu.memref_slice %arg7[%dma_start3A_20, %dma_start3A_21] : memref<40x128xi32, #tpu.memory_space<vmem>> -> memref<1x128xi32, #tpu.memory_space<vmem>>
      %dma_start3A_23 = tpu.memref_squeeze %dma_start3A_22 : memref<1x128xi32, #tpu.memory_space<vmem>> -> memref<128xi32, #tpu.memory_space<vmem>>
      %dma_start3A_24 = arith.constant 0 : i32
      %dma_start3A_25 = arith.constant 0 : i32
      %dma_start3A_26 = tpu.memref_slice %arg2[%dma_start3A_24, %dma_start3A_25] : memref<10000x128xf32, #tpu.memory_space<hbm>> -> memref<10000x128xf32, #tpu.memory_space<hbm>>
      tpu.enqueue_indirect_dma source(%dma_start3A_26 : memref<10000x128xf32, #tpu.memory_space<hbm>>) target(%arg10 : memref<128x128xf32, #tpu.memory_space<vmem>>) offsets(%dma_start3A_23 : memref<128xi32, #tpu.memory_space<vmem>>) semaphore(%arg13 : memref<!tpu.dma_semaphore, #tpu.memory_space<semaphore_mem>>)
      %scan3A = arith.constant 0 : i32
      %scan3A_27 = arith.constant 20 : i32
      %scan3A_28 = arith.addi %scan3A, %scan3A_27 : i32
      %scan3A_29 = arith.constant 1 : i32
      scf.for %scan3A_106 = %scan3A to %scan3A_28 step %scan3A_29  : i32 {
        %mul3A_107 = arith.constant 1 : i32
        %mul3A_108 = arith.muli %scan3A_106, %mul3A_107 : i32
        %add3A_109 = arith.constant 0 : i32
        %add3A_110 = arith.addi %add3A_109, %mul3A_108 : i32
        %mul3A_111 = arith.constant 2 : i32
        %mul3A_112 = arith.muli %add3A_110, %mul3A_111 : i32
        %add3A_113 = arith.constant 0 : i32
        %add3A_114 = arith.addi %mul3A_112, %add3A_113 : i32
        %dma_wait3A = arith.constant 0 : i32
        %dma_wait3A_115 = tpu.memref_slice %arg7[%add3A_114, %dma_wait3A] : memref<40x128xi32, #tpu.memory_space<vmem>> -> memref<1x128xi32, #tpu.memory_space<vmem>>
        %dma_wait3A_116 = tpu.memref_squeeze %dma_wait3A_115 : memref<1x128xi32, #tpu.memory_space<vmem>> -> memref<128xi32, #tpu.memory_space<vmem>>
        %dma_wait3A_117 = arith.constant 0 : i32
        %dma_wait3A_118 = arith.constant 0 : i32
        %dma_wait3A_119 = tpu.memref_slice %arg2[%dma_wait3A_117, %dma_wait3A_118] : memref<10000x128xf32, #tpu.memory_space<hbm>> -> memref<10000x128xf32, #tpu.memory_space<hbm>>
        tpu.wait_indirect_dma semaphore(%arg12 : memref<!tpu.dma_semaphore, #tpu.memory_space<semaphore_mem>>) src(%dma_wait3A_119 : memref<10000x128xf32, #tpu.memory_space<hbm>>) dst(%arg9 : memref<128x128xf32, #tpu.memory_space<vmem>>)
        %add3A_120 = arith.constant 0 : i32
        %add3A_121 = arith.addi %mul3A_112, %add3A_120 : i32
        "tpu.region"() ({
          %run_scoped3A = tpu.sem_alloc : memref<!tpu.dma_semaphore, #tpu.memory_space<semaphore_mem>>
          %dma_start3A_141 = arith.constant 0 : i32
          %dma_start3A_142 = tpu.memref_slice %arg8[%add3A_121, %dma_start3A_141] : memref<40x128xi32, #tpu.memory_space<vmem>> -> memref<1x128xi32, #tpu.memory_space<vmem>>
          %dma_start3A_143 = tpu.memref_squeeze %dma_start3A_142 : memref<1x128xi32, #tpu.memory_space<vmem>> -> memref<128xi32, #tpu.memory_space<vmem>>
          %dma_start3A_144 = arith.constant 0 : i32
          %dma_start3A_145 = arith.constant 0 : i32
          %dma_start3A_146 = tpu.memref_slice %arg11[%dma_start3A_144, %dma_start3A_145] : memref<10112x128xf32, #tpu.memory_space<vmem_shared>> -> memref<10112x128xf32, #tpu.memory_space<vmem_shared>>
          tpu.enqueue_indirect_dma source(%arg9 : memref<128x128xf32, #tpu.memory_space<vmem>>) target(%dma_start3A_146 : memref<10112x128xf32, #tpu.memory_space<vmem_shared>>) offsets(%dma_start3A_143 : memref<128xi32, #tpu.memory_space<vmem>>) semaphore(%run_scoped3A : memref<!tpu.dma_semaphore, #tpu.memory_space<semaphore_mem>>) {add = true}
          %dma_wait3A_147 = arith.constant 0 : i32
          %dma_wait3A_148 = tpu.memref_slice %arg8[%add3A_121, %dma_wait3A_147] : memref<40x128xi32, #tpu.memory_space<vmem>> -> memref<1x128xi32, #tpu.memory_space<vmem>>
          %dma_wait3A_149 = tpu.memref_squeeze %dma_wait3A_148 : memref<1x128xi32, #tpu.memory_space<vmem>> -> memref<128xi32, #tpu.memory_space<vmem>>
          %dma_wait3A_150 = arith.constant 0 : i32
          %dma_wait3A_151 = arith.constant 0 : i32
          %dma_wait3A_152 = tpu.memref_slice %arg11[%dma_wait3A_150, %dma_wait3A_151] : memref<10112x128xf32, #tpu.memory_space<vmem_shared>> -> memref<10112x128xf32, #tpu.memory_space<vmem_shared>>
          tpu.wait_indirect_dma semaphore(%run_scoped3A : memref<!tpu.dma_semaphore, #tpu.memory_space<semaphore_mem>>) src(%arg9 : memref<128x128xf32, #tpu.memory_space<vmem>>) dst(%dma_wait3A_152 : memref<10112x128xf32, #tpu.memory_space<vmem_shared>>)
          tpu.yield
        }) : () -> ()
        %lt3A = arith.constant 19 : i32
        %lt3A_122 = arith.cmpi slt, %add3A_110, %lt3A : i32
        %convert_element_type3A_123 = arith.extui %lt3A_122 : i1 to i32
        %cond3A_124 = arith.constant 0 : i32
        %cond3A_125 = arith.cmpi ne, %convert_element_type3A_123, %cond3A_124 : i32
        scf.if %cond3A_125 {
          %add3A_141 = arith.constant 2 : i32
          %add3A_142 = arith.addi %mul3A_112, %add3A_141 : i32
          %add3A_143 = arith.constant 0 : i32
          %add3A_144 = arith.addi %add3A_142, %add3A_143 : i32
          %dma_start3A_145 = arith.constant 0 : i32
          %dma_start3A_146 = tpu.memref_slice %arg7[%add3A_144, %dma_start3A_145] : memref<40x128xi32, #tpu.memory_space<vmem>> -> memref<1x128xi32, #tpu.memory_space<vmem>>
          %dma_start3A_147 = tpu.memref_squeeze %dma_start3A_146 : memref<1x128xi32, #tpu.memory_space<vmem>> -> memref<128xi32, #tpu.memory_space<vmem>>
          %dma_start3A_148 = arith.constant 0 : i32
          %dma_start3A_149 = arith.constant 0 : i32
          %dma_start3A_150 = tpu.memref_slice %arg2[%dma_start3A_148, %dma_start3A_149] : memref<10000x128xf32, #tpu.memory_space<hbm>> -> memref<10000x128xf32, #tpu.memory_space<hbm>>
          tpu.enqueue_indirect_dma source(%dma_start3A_150 : memref<10000x128xf32, #tpu.memory_space<hbm>>) target(%arg9 : memref<128x128xf32, #tpu.memory_space<vmem>>) offsets(%dma_start3A_147 : memref<128xi32, #tpu.memory_space<vmem>>) semaphore(%arg12 : memref<!tpu.dma_semaphore, #tpu.memory_space<semaphore_mem>>)
        } else {
        }
        %add3A_126 = arith.constant 1 : i32
        %add3A_127 = arith.addi %mul3A_112, %add3A_126 : i32
        %dma_wait3A_128 = arith.constant 0 : i32
        %dma_wait3A_129 = tpu.memref_slice %arg7[%add3A_127, %dma_wait3A_128] : memref<40x128xi32, #tpu.memory_space<vmem>> -> memref<1x128xi32, #tpu.memory_space<vmem>>
        %dma_wait3A_130 = tpu.memref_squeeze %dma_wait3A_129 : memref<1x128xi32, #tpu.memory_space<vmem>> -> memref<128xi32, #tpu.memory_space<vmem>>
        %dma_wait3A_131 = arith.constant 0 : i32
        %dma_wait3A_132 = arith.constant 0 : i32
        %dma_wait3A_133 = tpu.memref_slice %arg2[%dma_wait3A_131, %dma_wait3A_132] : memref<10000x128xf32, #tpu.memory_space<hbm>> -> memref<10000x128xf32, #tpu.memory_space<hbm>>
        tpu.wait_indirect_dma semaphore(%arg13 : memref<!tpu.dma_semaphore, #tpu.memory_space<semaphore_mem>>) src(%dma_wait3A_133 : memref<10000x128xf32, #tpu.memory_space<hbm>>) dst(%arg10 : memref<128x128xf32, #tpu.memory_space<vmem>>)
        %add3A_134 = arith.constant 1 : i32
        %add3A_135 = arith.addi %mul3A_112, %add3A_134 : i32
        "tpu.region"() ({
          %run_scoped3A = tpu.sem_alloc : memref<!tpu.dma_semaphore, #tpu.memory_space<semaphore_mem>>
          %dma_start3A_141 = arith.constant 0 : i32
          %dma_start3A_142 = tpu.memref_slice %arg8[%add3A_135, %dma_start3A_141] : memref<40x128xi32, #tpu.memory_space<vmem>> -> memref<1x128xi32, #tpu.memory_space<vmem>>
          %dma_start3A_143 = tpu.memref_squeeze %dma_start3A_142 : memref<1x128xi32, #tpu.memory_space<vmem>> -> memref<128xi32, #tpu.memory_space<vmem>>
          %dma_start3A_144 = arith.constant 0 : i32
          %dma_start3A_145 = arith.constant 0 : i32
          %dma_start3A_146 = tpu.memref_slice %arg11[%dma_start3A_144, %dma_start3A_145] : memref<10112x128xf32, #tpu.memory_space<vmem_shared>> -> memref<10112x128xf32, #tpu.memory_space<vmem_shared>>
          tpu.enqueue_indirect_dma source(%arg10 : memref<128x128xf32, #tpu.memory_space<vmem>>) target(%dma_start3A_146 : memref<10112x128xf32, #tpu.memory_space<vmem_shared>>) offsets(%dma_start3A_143 : memref<128xi32, #tpu.memory_space<vmem>>) semaphore(%run_scoped3A : memref<!tpu.dma_semaphore, #tpu.memory_space<semaphore_mem>>) {add = true}
          %dma_wait3A_147 = arith.constant 0 : i32
          %dma_wait3A_148 = tpu.memref_slice %arg8[%add3A_135, %dma_wait3A_147] : memref<40x128xi32, #tpu.memory_space<vmem>> -> memref<1x128xi32, #tpu.memory_space<vmem>>
          %dma_wait3A_149 = tpu.memref_squeeze %dma_wait3A_148 : memref<1x128xi32, #tpu.memory_space<vmem>> -> memref<128xi32, #tpu.memory_space<vmem>>
          %dma_wait3A_150 = arith.constant 0 : i32
          %dma_wait3A_151 = arith.constant 0 : i32
          %dma_wait3A_152 = tpu.memref_slice %arg11[%dma_wait3A_150, %dma_wait3A_151] : memref<10112x128xf32, #tpu.memory_space<vmem_shared>> -> memref<10112x128xf32, #tpu.memory_space<vmem_shared>>
          tpu.wait_indirect_dma semaphore(%run_scoped3A : memref<!tpu.dma_semaphore, #tpu.memory_space<semaphore_mem>>) src(%arg10 : memref<128x128xf32, #tpu.memory_space<vmem>>) dst(%dma_wait3A_152 : memref<10112x128xf32, #tpu.memory_space<vmem_shared>>)
          tpu.yield
        }) : () -> ()
        %lt3A_136 = arith.constant 19 : i32
        %lt3A_137 = arith.cmpi slt, %add3A_110, %lt3A_136 : i32
        %convert_element_type3A_138 = arith.extui %lt3A_137 : i1 to i32
        %cond3A_139 = arith.constant 0 : i32
        %cond3A_140 = arith.cmpi ne, %convert_element_type3A_138, %cond3A_139 : i32
        scf.if %cond3A_140 {
          %add3A_141 = arith.constant 2 : i32
          %add3A_142 = arith.addi %mul3A_112, %add3A_141 : i32
          %add3A_143 = arith.constant 1 : i32
          %add3A_144 = arith.addi %add3A_142, %add3A_143 : i32
          %dma_start3A_145 = arith.constant 0 : i32
          %dma_start3A_146 = tpu.memref_slice %arg7[%add3A_144, %dma_start3A_145] : memref<40x128xi32, #tpu.memory_space<vmem>> -> memref<1x128xi32, #tpu.memory_space<vmem>>
          %dma_start3A_147 = tpu.memref_squeeze %dma_start3A_146 : memref<1x128xi32, #tpu.memory_space<vmem>> -> memref<128xi32, #tpu.memory_space<vmem>>
          %dma_start3A_148 = arith.constant 0 : i32
          %dma_start3A_149 = arith.constant 0 : i32
          %dma_start3A_150 = tpu.memref_slice %arg2[%dma_start3A_148, %dma_start3A_149] : memref<10000x128xf32, #tpu.memory_space<hbm>> -> memref<10000x128xf32, #tpu.memory_space<hbm>>
          tpu.enqueue_indirect_dma source(%dma_start3A_150 : memref<10000x128xf32, #tpu.memory_space<hbm>>) target(%arg10 : memref<128x128xf32, #tpu.memory_space<vmem>>) offsets(%dma_start3A_147 : memref<128xi32, #tpu.memory_space<vmem>>) semaphore(%arg13 : memref<!tpu.dma_semaphore, #tpu.memory_space<semaphore_mem>>)
        } else {
        }
      }
      %scan3A_30 = arith.constant 20 : i32
      %mul3A_31 = arith.constant 160 : i32
      %mul3A_32 = arith.muli %arg1, %mul3A_31 : i32
      %add3A_33 = arith.constant 0 : i32
      %add3A_34 = arith.addi %add3A_33, %mul3A_32 : i32
      %add3A_35 = arith.constant 40 : i32
      %add3A_36 = arith.addi %add3A_34, %add3A_35 : i32
      "tpu.region"() ({
        %run_scoped3A = tpu.sem_alloc : memref<!tpu.dma_semaphore, #tpu.memory_space<semaphore_mem>>
        %dma_start3A_106 = arith.constant 0 : i32
        %dma_start3A_107 = arith.constant 0 : i32
        %dma_start3A_108 = tpu.memref_slice %arg7[%dma_start3A_106, %dma_start3A_107] : memref<40x128xi32, #tpu.memory_space<vmem>> -> memref<40x128xi32, #tpu.memory_space<vmem>>
        %dma_start3A_109 = arith.constant 0 : i32
        %dma_start3A_110 = tpu.memref_slice %arg3[%add3A_36, %dma_start3A_109] : memref<2560x128xi32, #tpu.memory_space<hbm>> -> memref<40x128xi32, #tpu.memory_space<hbm>>
        %dma_start3A_111 = arith.constant 0 : i32
        %dma_start3A_112 = arith.constant 0 : i32
        %dma_start3A_113 = tpu.memref_slice %arg7[%dma_start3A_111, %dma_start3A_112] : memref<40x128xi32, #tpu.memory_space<vmem>> -> memref<40x128xi32, #tpu.memory_space<vmem>>
        %dma_start3A_114 = arith.constant 0 : i32
        %dma_start3A_115 = tpu.memref_slice %arg3[%add3A_36, %dma_start3A_114] : memref<2560x128xi32, #tpu.memory_space<hbm>> -> memref<40x128xi32, #tpu.memory_space<hbm>>
        tpu.enqueue_dma source(%dma_start3A_115 : memref<40x128xi32, #tpu.memory_space<hbm>>) target(%dma_start3A_113 : memref<40x128xi32, #tpu.memory_space<vmem>>) target_semaphore(%run_scoped3A : memref<!tpu.dma_semaphore, #tpu.memory_space<semaphore_mem>>)
        %dma_wait3A = arith.constant 0 : i32
        %dma_wait3A_116 = arith.constant 0 : i32
        %dma_wait3A_117 = tpu.memref_slice %arg7[%dma_wait3A, %dma_wait3A_116] : memref<40x128xi32, #tpu.memory_space<vmem>> -> memref<40x128xi32, #tpu.memory_space<vmem>>
        %dma_wait3A_118 = arith.constant 0 : i32
        %dma_wait3A_119 = tpu.memref_slice %arg3[%add3A_36, %dma_wait3A_118] : memref<2560x128xi32, #tpu.memory_space<hbm>> -> memref<40x128xi32, #tpu.memory_space<hbm>>
        %dma_wait3A_120 = arith.constant 0 : i32
        %dma_wait3A_121 = arith.constant 0 : i32
        %dma_wait3A_122 = tpu.memref_slice %arg7[%dma_wait3A_120, %dma_wait3A_121] : memref<40x128xi32, #tpu.memory_space<vmem>> -> memref<40x128xi32, #tpu.memory_space<vmem>>
        %dma_wait3A_123 = arith.constant 0 : i32
        %dma_wait3A_124 = tpu.memref_slice %arg3[%add3A_36, %dma_wait3A_123] : memref<2560x128xi32, #tpu.memory_space<hbm>> -> memref<40x128xi32, #tpu.memory_space<hbm>>
        tpu.wait_dma2 semaphore(%run_scoped3A : memref<!tpu.dma_semaphore, #tpu.memory_space<semaphore_mem>>) src(%dma_wait3A_124 : memref<40x128xi32, #tpu.memory_space<hbm>>) dst(%dma_wait3A_122 : memref<40x128xi32, #tpu.memory_space<vmem>>)
        tpu.yield
      }) : () -> ()
      "tpu.region"() ({
        %run_scoped3A = tpu.sem_alloc : memref<!tpu.dma_semaphore, #tpu.memory_space<semaphore_mem>>
        %dma_start3A_106 = arith.constant 0 : i32
        %dma_start3A_107 = arith.constant 0 : i32
        %dma_start3A_108 = tpu.memref_slice %arg8[%dma_start3A_106, %dma_start3A_107] : memref<40x128xi32, #tpu.memory_space<vmem>> -> memref<40x128xi32, #tpu.memory_space<vmem>>
        %dma_start3A_109 = arith.constant 0 : i32
        %dma_start3A_110 = tpu.memref_slice %arg4[%add3A_36, %dma_start3A_109] : memref<2560x128xi32, #tpu.memory_space<hbm>> -> memref<40x128xi32, #tpu.memory_space<hbm>>
        %dma_start3A_111 = arith.constant 0 : i32
        %dma_start3A_112 = arith.constant 0 : i32
        %dma_start3A_113 = tpu.memref_slice %arg8[%dma_start3A_111, %dma_start3A_112] : memref<40x128xi32, #tpu.memory_space<vmem>> -> memref<40x128xi32, #tpu.memory_space<vmem>>
        %dma_start3A_114 = arith.constant 0 : i32
        %dma_start3A_115 = tpu.memref_slice %arg4[%add3A_36, %dma_start3A_114] : memref<2560x128xi32, #tpu.memory_space<hbm>> -> memref<40x128xi32, #tpu.memory_space<hbm>>
        tpu.enqueue_dma source(%dma_start3A_115 : memref<40x128xi32, #tpu.memory_space<hbm>>) target(%dma_start3A_113 : memref<40x128xi32, #tpu.memory_space<vmem>>) target_semaphore(%run_scoped3A : memref<!tpu.dma_semaphore, #tpu.memory_space<semaphore_mem>>)
        %dma_wait3A = arith.constant 0 : i32
        %dma_wait3A_116 = arith.constant 0 : i32
        %dma_wait3A_117 = tpu.memref_slice %arg8[%dma_wait3A, %dma_wait3A_116] : memref<40x128xi32, #tpu.memory_space<vmem>> -> memref<40x128xi32, #tpu.memory_space<vmem>>
        %dma_wait3A_118 = arith.constant 0 : i32
        %dma_wait3A_119 = tpu.memref_slice %arg4[%add3A_36, %dma_wait3A_118] : memref<2560x128xi32, #tpu.memory_space<hbm>> -> memref<40x128xi32, #tpu.memory_space<hbm>>
        %dma_wait3A_120 = arith.constant 0 : i32
        %dma_wait3A_121 = arith.constant 0 : i32
        %dma_wait3A_122 = tpu.memref_slice %arg8[%dma_wait3A_120, %dma_wait3A_121] : memref<40x128xi32, #tpu.memory_space<vmem>> -> memref<40x128xi32, #tpu.memory_space<vmem>>
        %dma_wait3A_123 = arith.constant 0 : i32
        %dma_wait3A_124 = tpu.memref_slice %arg4[%add3A_36, %dma_wait3A_123] : memref<2560x128xi32, #tpu.memory_space<hbm>> -> memref<40x128xi32, #tpu.memory_space<hbm>>
        tpu.wait_dma2 semaphore(%run_scoped3A : memref<!tpu.dma_semaphore, #tpu.memory_space<semaphore_mem>>) src(%dma_wait3A_124 : memref<40x128xi32, #tpu.memory_space<hbm>>) dst(%dma_wait3A_122 : memref<40x128xi32, #tpu.memory_space<vmem>>)
        tpu.yield
      }) : () -> ()
      %dma_start3A_37 = arith.constant 0 : i32
      %dma_start3A_38 = arith.constant 0 : i32
      %dma_start3A_39 = tpu.memref_slice %arg7[%dma_start3A_37, %dma_start3A_38] : memref<40x128xi32, #tpu.memory_space<vmem>> -> memref<1x128xi32, #tpu.memory_space<vmem>>
      %dma_start3A_40 = tpu.memref_squeeze %dma_start3A_39 : memref<1x128xi32, #tpu.memory_space<vmem>> -> memref<128xi32, #tpu.memory_space<vmem>>
      %dma_start3A_41 = arith.constant 0 : i32
      %dma_start3A_42 = arith.constant 0 : i32
      %dma_start3A_43 = tpu.memref_slice %arg2[%dma_start3A_41, %dma_start3A_42] : memref<10000x128xf32, #tpu.memory_space<hbm>> -> memref<10000x128xf32, #tpu.memory_space<hbm>>
      tpu.enqueue_indirect_dma source(%dma_start3A_43 : memref<10000x128xf32, #tpu.memory_space<hbm>>) target(%arg9 : memref<128x128xf32, #tpu.memory_space<vmem>>) offsets(%dma_start3A_40 : memref<128xi32, #tpu.memory_space<vmem>>) semaphore(%arg12 : memref<!tpu.dma_semaphore, #tpu.memory_space<semaphore_mem>>)
      %dma_start3A_44 = arith.constant 1 : i32
      %dma_start3A_45 = arith.constant 0 : i32
      %dma_start3A_46 = tpu.memref_slice %arg7[%dma_start3A_44, %dma_start3A_45] : memref<40x128xi32, #tpu.memory_space<vmem>> -> memref<1x128xi32, #tpu.memory_space<vmem>>
      %dma_start3A_47 = tpu.memref_squeeze %dma_start3A_46 : memref<1x128xi32, #tpu.memory_space<vmem>> -> memref<128xi32, #tpu.memory_space<vmem>>
      %dma_start3A_48 = arith.constant 0 : i32
      %dma_start3A_49 = arith.constant 0 : i32
      %dma_start3A_50 = tpu.memref_slice %arg2[%dma_start3A_48, %dma_start3A_49] : memref<10000x128xf32, #tpu.memory_space<hbm>> -> memref<10000x128xf32, #tpu.memory_space<hbm>>
      tpu.enqueue_indirect_dma source(%dma_start3A_50 : memref<10000x128xf32, #tpu.memory_space<hbm>>) target(%arg10 : memref<128x128xf32, #tpu.memory_space<vmem>>) offsets(%dma_start3A_47 : memref<128xi32, #tpu.memory_space<vmem>>) semaphore(%arg13 : memref<!tpu.dma_semaphore, #tpu.memory_space<semaphore_mem>>)
      %scan3A_51 = arith.constant 0 : i32
      %scan3A_52 = arith.constant 20 : i32
      %scan3A_53 = arith.addi %scan3A_51, %scan3A_52 : i32
      %scan3A_54 = arith.constant 1 : i32
      scf.for %scan3A_106 = %scan3A_51 to %scan3A_53 step %scan3A_54  : i32 {
        %mul3A_107 = arith.constant 1 : i32
        %mul3A_108 = arith.muli %scan3A_106, %mul3A_107 : i32
        %add3A_109 = arith.constant 0 : i32
        %add3A_110 = arith.addi %add3A_109, %mul3A_108 : i32
        %mul3A_111 = arith.constant 2 : i32
        %mul3A_112 = arith.muli %add3A_110, %mul3A_111 : i32
        %add3A_113 = arith.constant 0 : i32
        %add3A_114 = arith.addi %mul3A_112, %add3A_113 : i32
        %dma_wait3A = arith.constant 0 : i32
        %dma_wait3A_115 = tpu.memref_slice %arg7[%add3A_114, %dma_wait3A] : memref<40x128xi32, #tpu.memory_space<vmem>> -> memref<1x128xi32, #tpu.memory_space<vmem>>
        %dma_wait3A_116 = tpu.memref_squeeze %dma_wait3A_115 : memref<1x128xi32, #tpu.memory_space<vmem>> -> memref<128xi32, #tpu.memory_space<vmem>>
        %dma_wait3A_117 = arith.constant 0 : i32
        %dma_wait3A_118 = arith.constant 0 : i32
        %dma_wait3A_119 = tpu.memref_slice %arg2[%dma_wait3A_117, %dma_wait3A_118] : memref<10000x128xf32, #tpu.memory_space<hbm>> -> memref<10000x128xf32, #tpu.memory_space<hbm>>
        tpu.wait_indirect_dma semaphore(%arg12 : memref<!tpu.dma_semaphore, #tpu.memory_space<semaphore_mem>>) src(%dma_wait3A_119 : memref<10000x128xf32, #tpu.memory_space<hbm>>) dst(%arg9 : memref<128x128xf32, #tpu.memory_space<vmem>>)
        %add3A_120 = arith.constant 0 : i32
        %add3A_121 = arith.addi %mul3A_112, %add3A_120 : i32
        "tpu.region"() ({
          %run_scoped3A = tpu.sem_alloc : memref<!tpu.dma_semaphore, #tpu.memory_space<semaphore_mem>>
          %dma_start3A_141 = arith.constant 0 : i32
          %dma_start3A_142 = tpu.memref_slice %arg8[%add3A_121, %dma_start3A_141] : memref<40x128xi32, #tpu.memory_space<vmem>> -> memref<1x128xi32, #tpu.memory_space<vmem>>
          %dma_start3A_143 = tpu.memref_squeeze %dma_start3A_142 : memref<1x128xi32, #tpu.memory_space<vmem>> -> memref<128xi32, #tpu.memory_space<vmem>>
          %dma_start3A_144 = arith.constant 0 : i32
          %dma_start3A_145 = arith.constant 0 : i32
          %dma_start3A_146 = tpu.memref_slice %arg11[%dma_start3A_144, %dma_start3A_145] : memref<10112x128xf32, #tpu.memory_space<vmem_shared>> -> memref<10112x128xf32, #tpu.memory_space<vmem_shared>>
          tpu.enqueue_indirect_dma source(%arg9 : memref<128x128xf32, #tpu.memory_space<vmem>>) target(%dma_start3A_146 : memref<10112x128xf32, #tpu.memory_space<vmem_shared>>) offsets(%dma_start3A_143 : memref<128xi32, #tpu.memory_space<vmem>>) semaphore(%run_scoped3A : memref<!tpu.dma_semaphore, #tpu.memory_space<semaphore_mem>>) {add = true}
          %dma_wait3A_147 = arith.constant 0 : i32
          %dma_wait3A_148 = tpu.memref_slice %arg8[%add3A_121, %dma_wait3A_147] : memref<40x128xi32, #tpu.memory_space<vmem>> -> memref<1x128xi32, #tpu.memory_space<vmem>>
          %dma_wait3A_149 = tpu.memref_squeeze %dma_wait3A_148 : memref<1x128xi32, #tpu.memory_space<vmem>> -> memref<128xi32, #tpu.memory_space<vmem>>
          %dma_wait3A_150 = arith.constant 0 : i32
          %dma_wait3A_151 = arith.constant 0 : i32
          %dma_wait3A_152 = tpu.memref_slice %arg11[%dma_wait3A_150, %dma_wait3A_151] : memref<10112x128xf32, #tpu.memory_space<vmem_shared>> -> memref<10112x128xf32, #tpu.memory_space<vmem_shared>>
          tpu.wait_indirect_dma semaphore(%run_scoped3A : memref<!tpu.dma_semaphore, #tpu.memory_space<semaphore_mem>>) src(%arg9 : memref<128x128xf32, #tpu.memory_space<vmem>>) dst(%dma_wait3A_152 : memref<10112x128xf32, #tpu.memory_space<vmem_shared>>)
          tpu.yield
        }) : () -> ()
        %lt3A = arith.constant 19 : i32
        %lt3A_122 = arith.cmpi slt, %add3A_110, %lt3A : i32
        %convert_element_type3A_123 = arith.extui %lt3A_122 : i1 to i32
        %cond3A_124 = arith.constant 0 : i32
        %cond3A_125 = arith.cmpi ne, %convert_element_type3A_123, %cond3A_124 : i32
        scf.if %cond3A_125 {
          %add3A_141 = arith.constant 2 : i32
          %add3A_142 = arith.addi %mul3A_112, %add3A_141 : i32
          %add3A_143 = arith.constant 0 : i32
          %add3A_144 = arith.addi %add3A_142, %add3A_143 : i32
          %dma_start3A_145 = arith.constant 0 : i32
          %dma_start3A_146 = tpu.memref_slice %arg7[%add3A_144, %dma_start3A_145] : memref<40x128xi32, #tpu.memory_space<vmem>> -> memref<1x128xi32, #tpu.memory_space<vmem>>
          %dma_start3A_147 = tpu.memref_squeeze %dma_start3A_146 : memref<1x128xi32, #tpu.memory_space<vmem>> -> memref<128xi32, #tpu.memory_space<vmem>>
          %dma_start3A_148 = arith.constant 0 : i32
          %dma_start3A_149 = arith.constant 0 : i32
          %dma_start3A_150 = tpu.memref_slice %arg2[%dma_start3A_148, %dma_start3A_149] : memref<10000x128xf32, #tpu.memory_space<hbm>> -> memref<10000x128xf32, #tpu.memory_space<hbm>>
          tpu.enqueue_indirect_dma source(%dma_start3A_150 : memref<10000x128xf32, #tpu.memory_space<hbm>>) target(%arg9 : memref<128x128xf32, #tpu.memory_space<vmem>>) offsets(%dma_start3A_147 : memref<128xi32, #tpu.memory_space<vmem>>) semaphore(%arg12 : memref<!tpu.dma_semaphore, #tpu.memory_space<semaphore_mem>>)
        } else {
        }
        %add3A_126 = arith.constant 1 : i32
        %add3A_127 = arith.addi %mul3A_112, %add3A_126 : i32
        %dma_wait3A_128 = arith.constant 0 : i32
        %dma_wait3A_129 = tpu.memref_slice %arg7[%add3A_127, %dma_wait3A_128] : memref<40x128xi32, #tpu.memory_space<vmem>> -> memref<1x128xi32, #tpu.memory_space<vmem>>
        %dma_wait3A_130 = tpu.memref_squeeze %dma_wait3A_129 : memref<1x128xi32, #tpu.memory_space<vmem>> -> memref<128xi32, #tpu.memory_space<vmem>>
        %dma_wait3A_131 = arith.constant 0 : i32
        %dma_wait3A_132 = arith.constant 0 : i32
        %dma_wait3A_133 = tpu.memref_slice %arg2[%dma_wait3A_131, %dma_wait3A_132] : memref<10000x128xf32, #tpu.memory_space<hbm>> -> memref<10000x128xf32, #tpu.memory_space<hbm>>
        tpu.wait_indirect_dma semaphore(%arg13 : memref<!tpu.dma_semaphore, #tpu.memory_space<semaphore_mem>>) src(%dma_wait3A_133 : memref<10000x128xf32, #tpu.memory_space<hbm>>) dst(%arg10 : memref<128x128xf32, #tpu.memory_space<vmem>>)
        %add3A_134 = arith.constant 1 : i32
        %add3A_135 = arith.addi %mul3A_112, %add3A_134 : i32
        "tpu.region"() ({
          %run_scoped3A = tpu.sem_alloc : memref<!tpu.dma_semaphore, #tpu.memory_space<semaphore_mem>>
          %dma_start3A_141 = arith.constant 0 : i32
          %dma_start3A_142 = tpu.memref_slice %arg8[%add3A_135, %dma_start3A_141] : memref<40x128xi32, #tpu.memory_space<vmem>> -> memref<1x128xi32, #tpu.memory_space<vmem>>
          %dma_start3A_143 = tpu.memref_squeeze %dma_start3A_142 : memref<1x128xi32, #tpu.memory_space<vmem>> -> memref<128xi32, #tpu.memory_space<vmem>>
          %dma_start3A_144 = arith.constant 0 : i32
          %dma_start3A_145 = arith.constant 0 : i32
          %dma_start3A_146 = tpu.memref_slice %arg11[%dma_start3A_144, %dma_start3A_145] : memref<10112x128xf32, #tpu.memory_space<vmem_shared>> -> memref<10112x128xf32, #tpu.memory_space<vmem_shared>>
          tpu.enqueue_indirect_dma source(%arg10 : memref<128x128xf32, #tpu.memory_space<vmem>>) target(%dma_start3A_146 : memref<10112x128xf32, #tpu.memory_space<vmem_shared>>) offsets(%dma_start3A_143 : memref<128xi32, #tpu.memory_space<vmem>>) semaphore(%run_scoped3A : memref<!tpu.dma_semaphore, #tpu.memory_space<semaphore_mem>>) {add = true}
          %dma_wait3A_147 = arith.constant 0 : i32
          %dma_wait3A_148 = tpu.memref_slice %arg8[%add3A_135, %dma_wait3A_147] : memref<40x128xi32, #tpu.memory_space<vmem>> -> memref<1x128xi32, #tpu.memory_space<vmem>>
          %dma_wait3A_149 = tpu.memref_squeeze %dma_wait3A_148 : memref<1x128xi32, #tpu.memory_space<vmem>> -> memref<128xi32, #tpu.memory_space<vmem>>
          %dma_wait3A_150 = arith.constant 0 : i32
          %dma_wait3A_151 = arith.constant 0 : i32
          %dma_wait3A_152 = tpu.memref_slice %arg11[%dma_wait3A_150, %dma_wait3A_151] : memref<10112x128xf32, #tpu.memory_space<vmem_shared>> -> memref<10112x128xf32, #tpu.memory_space<vmem_shared>>
          tpu.wait_indirect_dma semaphore(%run_scoped3A : memref<!tpu.dma_semaphore, #tpu.memory_space<semaphore_mem>>) src(%arg10 : memref<128x128xf32, #tpu.memory_space<vmem>>) dst(%dma_wait3A_152 : memref<10112x128xf32, #tpu.memory_space<vmem_shared>>)
          tpu.yield
        }) : () -> ()
        %lt3A_136 = arith.constant 19 : i32
        %lt3A_137 = arith.cmpi slt, %add3A_110, %lt3A_136 : i32
        %convert_element_type3A_138 = arith.extui %lt3A_137 : i1 to i32
        %cond3A_139 = arith.constant 0 : i32
        %cond3A_140 = arith.cmpi ne, %convert_element_type3A_138, %cond3A_139 : i32
        scf.if %cond3A_140 {
          %add3A_141 = arith.constant 2 : i32
          %add3A_142 = arith.addi %mul3A_112, %add3A_141 : i32
          %add3A_143 = arith.constant 1 : i32
          %add3A_144 = arith.addi %add3A_142, %add3A_143 : i32
          %dma_start3A_145 = arith.constant 0 : i32
          %dma_start3A_146 = tpu.memref_slice %arg7[%add3A_144, %dma_start3A_145] : memref<40x128xi32, #tpu.memory_space<vmem>> -> memref<1x128xi32, #tpu.memory_space<vmem>>
          %dma_start3A_147 = tpu.memref_squeeze %dma_start3A_146 : memref<1x128xi32, #tpu.memory_space<vmem>> -> memref<128xi32, #tpu.memory_space<vmem>>
          %dma_start3A_148 = arith.constant 0 : i32
          %dma_start3A_149 = arith.constant 0 : i32
          %dma_start3A_150 = tpu.memref_slice %arg2[%dma_start3A_148, %dma_start3A_149] : memref<10000x128xf32, #tpu.memory_space<hbm>> -> memref<10000x128xf32, #tpu.memory_space<hbm>>
          tpu.enqueue_indirect_dma source(%dma_start3A_150 : memref<10000x128xf32, #tpu.memory_space<hbm>>) target(%arg10 : memref<128x128xf32, #tpu.memory_space<vmem>>) offsets(%dma_start3A_147 : memref<128xi32, #tpu.memory_space<vmem>>) semaphore(%arg13 : memref<!tpu.dma_semaphore, #tpu.memory_space<semaphore_mem>>)
        } else {
        }
      }
      %scan3A_55 = arith.constant 20 : i32
      %mul3A_56 = arith.constant 160 : i32
      %mul3A_57 = arith.muli %arg1, %mul3A_56 : i32
      %add3A_58 = arith.constant 0 : i32
      %add3A_59 = arith.addi %add3A_58, %mul3A_57 : i32
      %add3A_60 = arith.constant 80 : i32
      %add3A_61 = arith.addi %add3A_59, %add3A_60 : i32
      "tpu.region"() ({
        %run_scoped3A = tpu.sem_alloc : memref<!tpu.dma_semaphore, #tpu.memory_space<semaphore_mem>>
        %dma_start3A_106 = arith.constant 0 : i32
        %dma_start3A_107 = arith.constant 0 : i32
        %dma_start3A_108 = tpu.memref_slice %arg7[%dma_start3A_106, %dma_start3A_107] : memref<40x128xi32, #tpu.memory_space<vmem>> -> memref<40x128xi32, #tpu.memory_space<vmem>>
        %dma_start3A_109 = arith.constant 0 : i32
        %dma_start3A_110 = tpu.memref_slice %arg3[%add3A_61, %dma_start3A_109] : memref<2560x128xi32, #tpu.memory_space<hbm>> -> memref<40x128xi32, #tpu.memory_space<hbm>>
        %dma_start3A_111 = arith.constant 0 : i32
        %dma_start3A_112 = arith.constant 0 : i32
        %dma_start3A_113 = tpu.memref_slice %arg7[%dma_start3A_111, %dma_start3A_112] : memref<40x128xi32, #tpu.memory_space<vmem>> -> memref<40x128xi32, #tpu.memory_space<vmem>>
        %dma_start3A_114 = arith.constant 0 : i32
        %dma_start3A_115 = tpu.memref_slice %arg3[%add3A_61, %dma_start3A_114] : memref<2560x128xi32, #tpu.memory_space<hbm>> -> memref<40x128xi32, #tpu.memory_space<hbm>>
        tpu.enqueue_dma source(%dma_start3A_115 : memref<40x128xi32, #tpu.memory_space<hbm>>) target(%dma_start3A_113 : memref<40x128xi32, #tpu.memory_space<vmem>>) target_semaphore(%run_scoped3A : memref<!tpu.dma_semaphore, #tpu.memory_space<semaphore_mem>>)
        %dma_wait3A = arith.constant 0 : i32
        %dma_wait3A_116 = arith.constant 0 : i32
        %dma_wait3A_117 = tpu.memref_slice %arg7[%dma_wait3A, %dma_wait3A_116] : memref<40x128xi32, #tpu.memory_space<vmem>> -> memref<40x128xi32, #tpu.memory_space<vmem>>
        %dma_wait3A_118 = arith.constant 0 : i32
        %dma_wait3A_119 = tpu.memref_slice %arg3[%add3A_61, %dma_wait3A_118] : memref<2560x128xi32, #tpu.memory_space<hbm>> -> memref<40x128xi32, #tpu.memory_space<hbm>>
        %dma_wait3A_120 = arith.constant 0 : i32
        %dma_wait3A_121 = arith.constant 0 : i32
        %dma_wait3A_122 = tpu.memref_slice %arg7[%dma_wait3A_120, %dma_wait3A_121] : memref<40x128xi32, #tpu.memory_space<vmem>> -> memref<40x128xi32, #tpu.memory_space<vmem>>
        %dma_wait3A_123 = arith.constant 0 : i32
        %dma_wait3A_124 = tpu.memref_slice %arg3[%add3A_61, %dma_wait3A_123] : memref<2560x128xi32, #tpu.memory_space<hbm>> -> memref<40x128xi32, #tpu.memory_space<hbm>>
        tpu.wait_dma2 semaphore(%run_scoped3A : memref<!tpu.dma_semaphore, #tpu.memory_space<semaphore_mem>>) src(%dma_wait3A_124 : memref<40x128xi32, #tpu.memory_space<hbm>>) dst(%dma_wait3A_122 : memref<40x128xi32, #tpu.memory_space<vmem>>)
        tpu.yield
      }) : () -> ()
      "tpu.region"() ({
        %run_scoped3A = tpu.sem_alloc : memref<!tpu.dma_semaphore, #tpu.memory_space<semaphore_mem>>
        %dma_start3A_106 = arith.constant 0 : i32
        %dma_start3A_107 = arith.constant 0 : i32
        %dma_start3A_108 = tpu.memref_slice %arg8[%dma_start3A_106, %dma_start3A_107] : memref<40x128xi32, #tpu.memory_space<vmem>> -> memref<40x128xi32, #tpu.memory_space<vmem>>
        %dma_start3A_109 = arith.constant 0 : i32
        %dma_start3A_110 = tpu.memref_slice %arg4[%add3A_61, %dma_start3A_109] : memref<2560x128xi32, #tpu.memory_space<hbm>> -> memref<40x128xi32, #tpu.memory_space<hbm>>
        %dma_start3A_111 = arith.constant 0 : i32
        %dma_start3A_112 = arith.constant 0 : i32
        %dma_start3A_113 = tpu.memref_slice %arg8[%dma_start3A_111, %dma_start3A_112] : memref<40x128xi32, #tpu.memory_space<vmem>> -> memref<40x128xi32, #tpu.memory_space<vmem>>
        %dma_start3A_114 = arith.constant 0 : i32
        %dma_start3A_115 = tpu.memref_slice %arg4[%add3A_61, %dma_start3A_114] : memref<2560x128xi32, #tpu.memory_space<hbm>> -> memref<40x128xi32, #tpu.memory_space<hbm>>
        tpu.enqueue_dma source(%dma_start3A_115 : memref<40x128xi32, #tpu.memory_space<hbm>>) target(%dma_start3A_113 : memref<40x128xi32, #tpu.memory_space<vmem>>) target_semaphore(%run_scoped3A : memref<!tpu.dma_semaphore, #tpu.memory_space<semaphore_mem>>)
        %dma_wait3A = arith.constant 0 : i32
        %dma_wait3A_116 = arith.constant 0 : i32
        %dma_wait3A_117 = tpu.memref_slice %arg8[%dma_wait3A, %dma_wait3A_116] : memref<40x128xi32, #tpu.memory_space<vmem>> -> memref<40x128xi32, #tpu.memory_space<vmem>>
        %dma_wait3A_118 = arith.constant 0 : i32
        %dma_wait3A_119 = tpu.memref_slice %arg4[%add3A_61, %dma_wait3A_118] : memref<2560x128xi32, #tpu.memory_space<hbm>> -> memref<40x128xi32, #tpu.memory_space<hbm>>
        %dma_wait3A_120 = arith.constant 0 : i32
        %dma_wait3A_121 = arith.constant 0 : i32
        %dma_wait3A_122 = tpu.memref_slice %arg8[%dma_wait3A_120, %dma_wait3A_121] : memref<40x128xi32, #tpu.memory_space<vmem>> -> memref<40x128xi32, #tpu.memory_space<vmem>>
        %dma_wait3A_123 = arith.constant 0 : i32
        %dma_wait3A_124 = tpu.memref_slice %arg4[%add3A_61, %dma_wait3A_123] : memref<2560x128xi32, #tpu.memory_space<hbm>> -> memref<40x128xi32, #tpu.memory_space<hbm>>
        tpu.wait_dma2 semaphore(%run_scoped3A : memref<!tpu.dma_semaphore, #tpu.memory_space<semaphore_mem>>) src(%dma_wait3A_124 : memref<40x128xi32, #tpu.memory_space<hbm>>) dst(%dma_wait3A_122 : memref<40x128xi32, #tpu.memory_space<vmem>>)
        tpu.yield
      }) : () -> ()
      %dma_start3A_62 = arith.constant 0 : i32
      %dma_start3A_63 = arith.constant 0 : i32
      %dma_start3A_64 = tpu.memref_slice %arg7[%dma_start3A_62, %dma_start3A_63] : memref<40x128xi32, #tpu.memory_space<vmem>> -> memref<1x128xi32, #tpu.memory_space<vmem>>
      %dma_start3A_65 = tpu.memref_squeeze %dma_start3A_64 : memref<1x128xi32, #tpu.memory_space<vmem>> -> memref<128xi32, #tpu.memory_space<vmem>>
      %dma_start3A_66 = arith.constant 0 : i32
      %dma_start3A_67 = arith.constant 0 : i32
      %dma_start3A_68 = tpu.memref_slice %arg2[%dma_start3A_66, %dma_start3A_67] : memref<10000x128xf32, #tpu.memory_space<hbm>> -> memref<10000x128xf32, #tpu.memory_space<hbm>>
      tpu.enqueue_indirect_dma source(%dma_start3A_68 : memref<10000x128xf32, #tpu.memory_space<hbm>>) target(%arg9 : memref<128x128xf32, #tpu.memory_space<vmem>>) offsets(%dma_start3A_65 : memref<128xi32, #tpu.memory_space<vmem>>) semaphore(%arg12 : memref<!tpu.dma_semaphore, #tpu.memory_space<semaphore_mem>>)
      %dma_start3A_69 = arith.constant 1 : i32
      %dma_start3A_70 = arith.constant 0 : i32
      %dma_start3A_71 = tpu.memref_slice %arg7[%dma_start3A_69, %dma_start3A_70] : memref<40x128xi32, #tpu.memory_space<vmem>> -> memref<1x128xi32, #tpu.memory_space<vmem>>
      %dma_start3A_72 = tpu.memref_squeeze %dma_start3A_71 : memref<1x128xi32, #tpu.memory_space<vmem>> -> memref<128xi32, #tpu.memory_space<vmem>>
      %dma_start3A_73 = arith.constant 0 : i32
      %dma_start3A_74 = arith.constant 0 : i32
      %dma_start3A_75 = tpu.memref_slice %arg2[%dma_start3A_73, %dma_start3A_74] : memref<10000x128xf32, #tpu.memory_space<hbm>> -> memref<10000x128xf32, #tpu.memory_space<hbm>>
      tpu.enqueue_indirect_dma source(%dma_start3A_75 : memref<10000x128xf32, #tpu.memory_space<hbm>>) target(%arg10 : memref<128x128xf32, #tpu.memory_space<vmem>>) offsets(%dma_start3A_72 : memref<128xi32, #tpu.memory_space<vmem>>) semaphore(%arg13 : memref<!tpu.dma_semaphore, #tpu.memory_space<semaphore_mem>>)
      %scan3A_76 = arith.constant 0 : i32
      %scan3A_77 = arith.constant 20 : i32
      %scan3A_78 = arith.addi %scan3A_76, %scan3A_77 : i32
      %scan3A_79 = arith.constant 1 : i32
      scf.for %scan3A_106 = %scan3A_76 to %scan3A_78 step %scan3A_79  : i32 {
        %mul3A_107 = arith.constant 1 : i32
        %mul3A_108 = arith.muli %scan3A_106, %mul3A_107 : i32
        %add3A_109 = arith.constant 0 : i32
        %add3A_110 = arith.addi %add3A_109, %mul3A_108 : i32
        %mul3A_111 = arith.constant 2 : i32
        %mul3A_112 = arith.muli %add3A_110, %mul3A_111 : i32
        %add3A_113 = arith.constant 0 : i32
        %add3A_114 = arith.addi %mul3A_112, %add3A_113 : i32
        %dma_wait3A = arith.constant 0 : i32
        %dma_wait3A_115 = tpu.memref_slice %arg7[%add3A_114, %dma_wait3A] : memref<40x128xi32, #tpu.memory_space<vmem>> -> memref<1x128xi32, #tpu.memory_space<vmem>>
        %dma_wait3A_116 = tpu.memref_squeeze %dma_wait3A_115 : memref<1x128xi32, #tpu.memory_space<vmem>> -> memref<128xi32, #tpu.memory_space<vmem>>
        %dma_wait3A_117 = arith.constant 0 : i32
        %dma_wait3A_118 = arith.constant 0 : i32
        %dma_wait3A_119 = tpu.memref_slice %arg2[%dma_wait3A_117, %dma_wait3A_118] : memref<10000x128xf32, #tpu.memory_space<hbm>> -> memref<10000x128xf32, #tpu.memory_space<hbm>>
        tpu.wait_indirect_dma semaphore(%arg12 : memref<!tpu.dma_semaphore, #tpu.memory_space<semaphore_mem>>) src(%dma_wait3A_119 : memref<10000x128xf32, #tpu.memory_space<hbm>>) dst(%arg9 : memref<128x128xf32, #tpu.memory_space<vmem>>)
        %add3A_120 = arith.constant 0 : i32
        %add3A_121 = arith.addi %mul3A_112, %add3A_120 : i32
        "tpu.region"() ({
          %run_scoped3A = tpu.sem_alloc : memref<!tpu.dma_semaphore, #tpu.memory_space<semaphore_mem>>
          %dma_start3A_141 = arith.constant 0 : i32
          %dma_start3A_142 = tpu.memref_slice %arg8[%add3A_121, %dma_start3A_141] : memref<40x128xi32, #tpu.memory_space<vmem>> -> memref<1x128xi32, #tpu.memory_space<vmem>>
          %dma_start3A_143 = tpu.memref_squeeze %dma_start3A_142 : memref<1x128xi32, #tpu.memory_space<vmem>> -> memref<128xi32, #tpu.memory_space<vmem>>
          %dma_start3A_144 = arith.constant 0 : i32
          %dma_start3A_145 = arith.constant 0 : i32
          %dma_start3A_146 = tpu.memref_slice %arg11[%dma_start3A_144, %dma_start3A_145] : memref<10112x128xf32, #tpu.memory_space<vmem_shared>> -> memref<10112x128xf32, #tpu.memory_space<vmem_shared>>
          tpu.enqueue_indirect_dma source(%arg9 : memref<128x128xf32, #tpu.memory_space<vmem>>) target(%dma_start3A_146 : memref<10112x128xf32, #tpu.memory_space<vmem_shared>>) offsets(%dma_start3A_143 : memref<128xi32, #tpu.memory_space<vmem>>) semaphore(%run_scoped3A : memref<!tpu.dma_semaphore, #tpu.memory_space<semaphore_mem>>) {add = true}
          %dma_wait3A_147 = arith.constant 0 : i32
          %dma_wait3A_148 = tpu.memref_slice %arg8[%add3A_121, %dma_wait3A_147] : memref<40x128xi32, #tpu.memory_space<vmem>> -> memref<1x128xi32, #tpu.memory_space<vmem>>
          %dma_wait3A_149 = tpu.memref_squeeze %dma_wait3A_148 : memref<1x128xi32, #tpu.memory_space<vmem>> -> memref<128xi32, #tpu.memory_space<vmem>>
          %dma_wait3A_150 = arith.constant 0 : i32
          %dma_wait3A_151 = arith.constant 0 : i32
          %dma_wait3A_152 = tpu.memref_slice %arg11[%dma_wait3A_150, %dma_wait3A_151] : memref<10112x128xf32, #tpu.memory_space<vmem_shared>> -> memref<10112x128xf32, #tpu.memory_space<vmem_shared>>
          tpu.wait_indirect_dma semaphore(%run_scoped3A : memref<!tpu.dma_semaphore, #tpu.memory_space<semaphore_mem>>) src(%arg9 : memref<128x128xf32, #tpu.memory_space<vmem>>) dst(%dma_wait3A_152 : memref<10112x128xf32, #tpu.memory_space<vmem_shared>>)
          tpu.yield
        }) : () -> ()
        %lt3A = arith.constant 19 : i32
        %lt3A_122 = arith.cmpi slt, %add3A_110, %lt3A : i32
        %convert_element_type3A_123 = arith.extui %lt3A_122 : i1 to i32
        %cond3A_124 = arith.constant 0 : i32
        %cond3A_125 = arith.cmpi ne, %convert_element_type3A_123, %cond3A_124 : i32
        scf.if %cond3A_125 {
          %add3A_141 = arith.constant 2 : i32
          %add3A_142 = arith.addi %mul3A_112, %add3A_141 : i32
          %add3A_143 = arith.constant 0 : i32
          %add3A_144 = arith.addi %add3A_142, %add3A_143 : i32
          %dma_start3A_145 = arith.constant 0 : i32
          %dma_start3A_146 = tpu.memref_slice %arg7[%add3A_144, %dma_start3A_145] : memref<40x128xi32, #tpu.memory_space<vmem>> -> memref<1x128xi32, #tpu.memory_space<vmem>>
          %dma_start3A_147 = tpu.memref_squeeze %dma_start3A_146 : memref<1x128xi32, #tpu.memory_space<vmem>> -> memref<128xi32, #tpu.memory_space<vmem>>
          %dma_start3A_148 = arith.constant 0 : i32
          %dma_start3A_149 = arith.constant 0 : i32
          %dma_start3A_150 = tpu.memref_slice %arg2[%dma_start3A_148, %dma_start3A_149] : memref<10000x128xf32, #tpu.memory_space<hbm>> -> memref<10000x128xf32, #tpu.memory_space<hbm>>
          tpu.enqueue_indirect_dma source(%dma_start3A_150 : memref<10000x128xf32, #tpu.memory_space<hbm>>) target(%arg9 : memref<128x128xf32, #tpu.memory_space<vmem>>) offsets(%dma_start3A_147 : memref<128xi32, #tpu.memory_space<vmem>>) semaphore(%arg12 : memref<!tpu.dma_semaphore, #tpu.memory_space<semaphore_mem>>)
        } else {
        }
        %add3A_126 = arith.constant 1 : i32
        %add3A_127 = arith.addi %mul3A_112, %add3A_126 : i32
        %dma_wait3A_128 = arith.constant 0 : i32
        %dma_wait3A_129 = tpu.memref_slice %arg7[%add3A_127, %dma_wait3A_128] : memref<40x128xi32, #tpu.memory_space<vmem>> -> memref<1x128xi32, #tpu.memory_space<vmem>>
        %dma_wait3A_130 = tpu.memref_squeeze %dma_wait3A_129 : memref<1x128xi32, #tpu.memory_space<vmem>> -> memref<128xi32, #tpu.memory_space<vmem>>
        %dma_wait3A_131 = arith.constant 0 : i32
        %dma_wait3A_132 = arith.constant 0 : i32
        %dma_wait3A_133 = tpu.memref_slice %arg2[%dma_wait3A_131, %dma_wait3A_132] : memref<10000x128xf32, #tpu.memory_space<hbm>> -> memref<10000x128xf32, #tpu.memory_space<hbm>>
        tpu.wait_indirect_dma semaphore(%arg13 : memref<!tpu.dma_semaphore, #tpu.memory_space<semaphore_mem>>) src(%dma_wait3A_133 : memref<10000x128xf32, #tpu.memory_space<hbm>>) dst(%arg10 : memref<128x128xf32, #tpu.memory_space<vmem>>)
        %add3A_134 = arith.constant 1 : i32
        %add3A_135 = arith.addi %mul3A_112, %add3A_134 : i32
        "tpu.region"() ({
          %run_scoped3A = tpu.sem_alloc : memref<!tpu.dma_semaphore, #tpu.memory_space<semaphore_mem>>
          %dma_start3A_141 = arith.constant 0 : i32
          %dma_start3A_142 = tpu.memref_slice %arg8[%add3A_135, %dma_start3A_141] : memref<40x128xi32, #tpu.memory_space<vmem>> -> memref<1x128xi32, #tpu.memory_space<vmem>>
          %dma_start3A_143 = tpu.memref_squeeze %dma_start3A_142 : memref<1x128xi32, #tpu.memory_space<vmem>> -> memref<128xi32, #tpu.memory_space<vmem>>
          %dma_start3A_144 = arith.constant 0 : i32
          %dma_start3A_145 = arith.constant 0 : i32
          %dma_start3A_146 = tpu.memref_slice %arg11[%dma_start3A_144, %dma_start3A_145] : memref<10112x128xf32, #tpu.memory_space<vmem_shared>> -> memref<10112x128xf32, #tpu.memory_space<vmem_shared>>
          tpu.enqueue_indirect_dma source(%arg10 : memref<128x128xf32, #tpu.memory_space<vmem>>) target(%dma_start3A_146 : memref<10112x128xf32, #tpu.memory_space<vmem_shared>>) offsets(%dma_start3A_143 : memref<128xi32, #tpu.memory_space<vmem>>) semaphore(%run_scoped3A : memref<!tpu.dma_semaphore, #tpu.memory_space<semaphore_mem>>) {add = true}
          %dma_wait3A_147 = arith.constant 0 : i32
          %dma_wait3A_148 = tpu.memref_slice %arg8[%add3A_135, %dma_wait3A_147] : memref<40x128xi32, #tpu.memory_space<vmem>> -> memref<1x128xi32, #tpu.memory_space<vmem>>
          %dma_wait3A_149 = tpu.memref_squeeze %dma_wait3A_148 : memref<1x128xi32, #tpu.memory_space<vmem>> -> memref<128xi32, #tpu.memory_space<vmem>>
          %dma_wait3A_150 = arith.constant 0 : i32
          %dma_wait3A_151 = arith.constant 0 : i32
          %dma_wait3A_152 = tpu.memref_slice %arg11[%dma_wait3A_150, %dma_wait3A_151] : memref<10112x128xf32, #tpu.memory_space<vmem_shared>> -> memref<10112x128xf32, #tpu.memory_space<vmem_shared>>
          tpu.wait_indirect_dma semaphore(%run_scoped3A : memref<!tpu.dma_semaphore, #tpu.memory_space<semaphore_mem>>) src(%arg10 : memref<128x128xf32, #tpu.memory_space<vmem>>) dst(%dma_wait3A_152 : memref<10112x128xf32, #tpu.memory_space<vmem_shared>>)
          tpu.yield
        }) : () -> ()
        %lt3A_136 = arith.constant 19 : i32
        %lt3A_137 = arith.cmpi slt, %add3A_110, %lt3A_136 : i32
        %convert_element_type3A_138 = arith.extui %lt3A_137 : i1 to i32
        %cond3A_139 = arith.constant 0 : i32
        %cond3A_140 = arith.cmpi ne, %convert_element_type3A_138, %cond3A_139 : i32
        scf.if %cond3A_140 {
          %add3A_141 = arith.constant 2 : i32
          %add3A_142 = arith.addi %mul3A_112, %add3A_141 : i32
          %add3A_143 = arith.constant 1 : i32
          %add3A_144 = arith.addi %add3A_142, %add3A_143 : i32
          %dma_start3A_145 = arith.constant 0 : i32
          %dma_start3A_146 = tpu.memref_slice %arg7[%add3A_144, %dma_start3A_145] : memref<40x128xi32, #tpu.memory_space<vmem>> -> memref<1x128xi32, #tpu.memory_space<vmem>>
          %dma_start3A_147 = tpu.memref_squeeze %dma_start3A_146 : memref<1x128xi32, #tpu.memory_space<vmem>> -> memref<128xi32, #tpu.memory_space<vmem>>
          %dma_start3A_148 = arith.constant 0 : i32
          %dma_start3A_149 = arith.constant 0 : i32
          %dma_start3A_150 = tpu.memref_slice %arg2[%dma_start3A_148, %dma_start3A_149] : memref<10000x128xf32, #tpu.memory_space<hbm>> -> memref<10000x128xf32, #tpu.memory_space<hbm>>
          tpu.enqueue_indirect_dma source(%dma_start3A_150 : memref<10000x128xf32, #tpu.memory_space<hbm>>) target(%arg10 : memref<128x128xf32, #tpu.memory_space<vmem>>) offsets(%dma_start3A_147 : memref<128xi32, #tpu.memory_space<vmem>>) semaphore(%arg13 : memref<!tpu.dma_semaphore, #tpu.memory_space<semaphore_mem>>)
        } else {
        }
      }
      %scan3A_80 = arith.constant 20 : i32
      %mul3A_81 = arith.constant 160 : i32
      %mul3A_82 = arith.muli %arg1, %mul3A_81 : i32
      %add3A_83 = arith.constant 0 : i32
      %add3A_84 = arith.addi %add3A_83, %mul3A_82 : i32
      %add3A_85 = arith.constant 120 : i32
      %add3A_86 = arith.addi %add3A_84, %add3A_85 : i32
      "tpu.region"() ({
        %run_scoped3A = tpu.sem_alloc : memref<!tpu.dma_semaphore, #tpu.memory_space<semaphore_mem>>
        %dma_start3A_106 = arith.constant 0 : i32
        %dma_start3A_107 = arith.constant 0 : i32
        %dma_start3A_108 = tpu.memref_slice %arg7[%dma_start3A_106, %dma_start3A_107] : memref<40x128xi32, #tpu.memory_space<vmem>> -> memref<40x128xi32, #tpu.memory_space<vmem>>
        %dma_start3A_109 = arith.constant 0 : i32
        %dma_start3A_110 = tpu.memref_slice %arg3[%add3A_86, %dma_start3A_109] : memref<2560x128xi32, #tpu.memory_space<hbm>> -> memref<40x128xi32, #tpu.memory_space<hbm>>
        %dma_start3A_111 = arith.constant 0 : i32
        %dma_start3A_112 = arith.constant 0 : i32
        %dma_start3A_113 = tpu.memref_slice %arg7[%dma_start3A_111, %dma_start3A_112] : memref<40x128xi32, #tpu.memory_space<vmem>> -> memref<40x128xi32, #tpu.memory_space<vmem>>
        %dma_start3A_114 = arith.constant 0 : i32
        %dma_start3A_115 = tpu.memref_slice %arg3[%add3A_86, %dma_start3A_114] : memref<2560x128xi32, #tpu.memory_space<hbm>> -> memref<40x128xi32, #tpu.memory_space<hbm>>
        tpu.enqueue_dma source(%dma_start3A_115 : memref<40x128xi32, #tpu.memory_space<hbm>>) target(%dma_start3A_113 : memref<40x128xi32, #tpu.memory_space<vmem>>) target_semaphore(%run_scoped3A : memref<!tpu.dma_semaphore, #tpu.memory_space<semaphore_mem>>)
        %dma_wait3A = arith.constant 0 : i32
        %dma_wait3A_116 = arith.constant 0 : i32
        %dma_wait3A_117 = tpu.memref_slice %arg7[%dma_wait3A, %dma_wait3A_116] : memref<40x128xi32, #tpu.memory_space<vmem>> -> memref<40x128xi32, #tpu.memory_space<vmem>>
        %dma_wait3A_118 = arith.constant 0 : i32
        %dma_wait3A_119 = tpu.memref_slice %arg3[%add3A_86, %dma_wait3A_118] : memref<2560x128xi32, #tpu.memory_space<hbm>> -> memref<40x128xi32, #tpu.memory_space<hbm>>
        %dma_wait3A_120 = arith.constant 0 : i32
        %dma_wait3A_121 = arith.constant 0 : i32
        %dma_wait3A_122 = tpu.memref_slice %arg7[%dma_wait3A_120, %dma_wait3A_121] : memref<40x128xi32, #tpu.memory_space<vmem>> -> memref<40x128xi32, #tpu.memory_space<vmem>>
        %dma_wait3A_123 = arith.constant 0 : i32
        %dma_wait3A_124 = tpu.memref_slice %arg3[%add3A_86, %dma_wait3A_123] : memref<2560x128xi32, #tpu.memory_space<hbm>> -> memref<40x128xi32, #tpu.memory_space<hbm>>
        tpu.wait_dma2 semaphore(%run_scoped3A : memref<!tpu.dma_semaphore, #tpu.memory_space<semaphore_mem>>) src(%dma_wait3A_124 : memref<40x128xi32, #tpu.memory_space<hbm>>) dst(%dma_wait3A_122 : memref<40x128xi32, #tpu.memory_space<vmem>>)
        tpu.yield
      }) : () -> ()
      "tpu.region"() ({
        %run_scoped3A = tpu.sem_alloc : memref<!tpu.dma_semaphore, #tpu.memory_space<semaphore_mem>>
        %dma_start3A_106 = arith.constant 0 : i32
        %dma_start3A_107 = arith.constant 0 : i32
        %dma_start3A_108 = tpu.memref_slice %arg8[%dma_start3A_106, %dma_start3A_107] : memref<40x128xi32, #tpu.memory_space<vmem>> -> memref<40x128xi32, #tpu.memory_space<vmem>>
        %dma_start3A_109 = arith.constant 0 : i32
        %dma_start3A_110 = tpu.memref_slice %arg4[%add3A_86, %dma_start3A_109] : memref<2560x128xi32, #tpu.memory_space<hbm>> -> memref<40x128xi32, #tpu.memory_space<hbm>>
        %dma_start3A_111 = arith.constant 0 : i32
        %dma_start3A_112 = arith.constant 0 : i32
        %dma_start3A_113 = tpu.memref_slice %arg8[%dma_start3A_111, %dma_start3A_112] : memref<40x128xi32, #tpu.memory_space<vmem>> -> memref<40x128xi32, #tpu.memory_space<vmem>>
        %dma_start3A_114 = arith.constant 0 : i32
        %dma_start3A_115 = tpu.memref_slice %arg4[%add3A_86, %dma_start3A_114] : memref<2560x128xi32, #tpu.memory_space<hbm>> -> memref<40x128xi32, #tpu.memory_space<hbm>>
        tpu.enqueue_dma source(%dma_start3A_115 : memref<40x128xi32, #tpu.memory_space<hbm>>) target(%dma_start3A_113 : memref<40x128xi32, #tpu.memory_space<vmem>>) target_semaphore(%run_scoped3A : memref<!tpu.dma_semaphore, #tpu.memory_space<semaphore_mem>>)
        %dma_wait3A = arith.constant 0 : i32
        %dma_wait3A_116 = arith.constant 0 : i32
        %dma_wait3A_117 = tpu.memref_slice %arg8[%dma_wait3A, %dma_wait3A_116] : memref<40x128xi32, #tpu.memory_space<vmem>> -> memref<40x128xi32, #tpu.memory_space<vmem>>
        %dma_wait3A_118 = arith.constant 0 : i32
        %dma_wait3A_119 = tpu.memref_slice %arg4[%add3A_86, %dma_wait3A_118] : memref<2560x128xi32, #tpu.memory_space<hbm>> -> memref<40x128xi32, #tpu.memory_space<hbm>>
        %dma_wait3A_120 = arith.constant 0 : i32
        %dma_wait3A_121 = arith.constant 0 : i32
        %dma_wait3A_122 = tpu.memref_slice %arg8[%dma_wait3A_120, %dma_wait3A_121] : memref<40x128xi32, #tpu.memory_space<vmem>> -> memref<40x128xi32, #tpu.memory_space<vmem>>
        %dma_wait3A_123 = arith.constant 0 : i32
        %dma_wait3A_124 = tpu.memref_slice %arg4[%add3A_86, %dma_wait3A_123] : memref<2560x128xi32, #tpu.memory_space<hbm>> -> memref<40x128xi32, #tpu.memory_space<hbm>>
        tpu.wait_dma2 semaphore(%run_scoped3A : memref<!tpu.dma_semaphore, #tpu.memory_space<semaphore_mem>>) src(%dma_wait3A_124 : memref<40x128xi32, #tpu.memory_space<hbm>>) dst(%dma_wait3A_122 : memref<40x128xi32, #tpu.memory_space<vmem>>)
        tpu.yield
      }) : () -> ()
      %dma_start3A_87 = arith.constant 0 : i32
      %dma_start3A_88 = arith.constant 0 : i32
      %dma_start3A_89 = tpu.memref_slice %arg7[%dma_start3A_87, %dma_start3A_88] : memref<40x128xi32, #tpu.memory_space<vmem>> -> memref<1x128xi32, #tpu.memory_space<vmem>>
      %dma_start3A_90 = tpu.memref_squeeze %dma_start3A_89 : memref<1x128xi32, #tpu.memory_space<vmem>> -> memref<128xi32, #tpu.memory_space<vmem>>
      %dma_start3A_91 = arith.constant 0 : i32
      %dma_start3A_92 = arith.constant 0 : i32
      %dma_start3A_93 = tpu.memref_slice %arg2[%dma_start3A_91, %dma_start3A_92] : memref<10000x128xf32, #tpu.memory_space<hbm>> -> memref<10000x128xf32, #tpu.memory_space<hbm>>
      tpu.enqueue_indirect_dma source(%dma_start3A_93 : memref<10000x128xf32, #tpu.memory_space<hbm>>) target(%arg9 : memref<128x128xf32, #tpu.memory_space<vmem>>) offsets(%dma_start3A_90 : memref<128xi32, #tpu.memory_space<vmem>>) semaphore(%arg12 : memref<!tpu.dma_semaphore, #tpu.memory_space<semaphore_mem>>)
      %dma_start3A_94 = arith.constant 1 : i32
      %dma_start3A_95 = arith.constant 0 : i32
      %dma_start3A_96 = tpu.memref_slice %arg7[%dma_start3A_94, %dma_start3A_95] : memref<40x128xi32, #tpu.memory_space<vmem>> -> memref<1x128xi32, #tpu.memory_space<vmem>>
      %dma_start3A_97 = tpu.memref_squeeze %dma_start3A_96 : memref<1x128xi32, #tpu.memory_space<vmem>> -> memref<128xi32, #tpu.memory_space<vmem>>
      %dma_start3A_98 = arith.constant 0 : i32
      %dma_start3A_99 = arith.constant 0 : i32
      %dma_start3A_100 = tpu.memref_slice %arg2[%dma_start3A_98, %dma_start3A_99] : memref<10000x128xf32, #tpu.memory_space<hbm>> -> memref<10000x128xf32, #tpu.memory_space<hbm>>
      tpu.enqueue_indirect_dma source(%dma_start3A_100 : memref<10000x128xf32, #tpu.memory_space<hbm>>) target(%arg10 : memref<128x128xf32, #tpu.memory_space<vmem>>) offsets(%dma_start3A_97 : memref<128xi32, #tpu.memory_space<vmem>>) semaphore(%arg13 : memref<!tpu.dma_semaphore, #tpu.memory_space<semaphore_mem>>)
      %scan3A_101 = arith.constant 0 : i32
      %scan3A_102 = arith.constant 20 : i32
      %scan3A_103 = arith.addi %scan3A_101, %scan3A_102 : i32
      %scan3A_104 = arith.constant 1 : i32
      scf.for %scan3A_106 = %scan3A_101 to %scan3A_103 step %scan3A_104  : i32 {
        %mul3A_107 = arith.constant 1 : i32
        %mul3A_108 = arith.muli %scan3A_106, %mul3A_107 : i32
        %add3A_109 = arith.constant 0 : i32
        %add3A_110 = arith.addi %add3A_109, %mul3A_108 : i32
        %mul3A_111 = arith.constant 2 : i32
        %mul3A_112 = arith.muli %add3A_110, %mul3A_111 : i32
        %add3A_113 = arith.constant 0 : i32
        %add3A_114 = arith.addi %mul3A_112, %add3A_113 : i32
        %dma_wait3A = arith.constant 0 : i32
        %dma_wait3A_115 = tpu.memref_slice %arg7[%add3A_114, %dma_wait3A] : memref<40x128xi32, #tpu.memory_space<vmem>> -> memref<1x128xi32, #tpu.memory_space<vmem>>
        %dma_wait3A_116 = tpu.memref_squeeze %dma_wait3A_115 : memref<1x128xi32, #tpu.memory_space<vmem>> -> memref<128xi32, #tpu.memory_space<vmem>>
        %dma_wait3A_117 = arith.constant 0 : i32
        %dma_wait3A_118 = arith.constant 0 : i32
        %dma_wait3A_119 = tpu.memref_slice %arg2[%dma_wait3A_117, %dma_wait3A_118] : memref<10000x128xf32, #tpu.memory_space<hbm>> -> memref<10000x128xf32, #tpu.memory_space<hbm>>
        tpu.wait_indirect_dma semaphore(%arg12 : memref<!tpu.dma_semaphore, #tpu.memory_space<semaphore_mem>>) src(%dma_wait3A_119 : memref<10000x128xf32, #tpu.memory_space<hbm>>) dst(%arg9 : memref<128x128xf32, #tpu.memory_space<vmem>>)
        %add3A_120 = arith.constant 0 : i32
        %add3A_121 = arith.addi %mul3A_112, %add3A_120 : i32
        "tpu.region"() ({
          %run_scoped3A = tpu.sem_alloc : memref<!tpu.dma_semaphore, #tpu.memory_space<semaphore_mem>>
          %dma_start3A_141 = arith.constant 0 : i32
          %dma_start3A_142 = tpu.memref_slice %arg8[%add3A_121, %dma_start3A_141] : memref<40x128xi32, #tpu.memory_space<vmem>> -> memref<1x128xi32, #tpu.memory_space<vmem>>
          %dma_start3A_143 = tpu.memref_squeeze %dma_start3A_142 : memref<1x128xi32, #tpu.memory_space<vmem>> -> memref<128xi32, #tpu.memory_space<vmem>>
          %dma_start3A_144 = arith.constant 0 : i32
          %dma_start3A_145 = arith.constant 0 : i32
          %dma_start3A_146 = tpu.memref_slice %arg11[%dma_start3A_144, %dma_start3A_145] : memref<10112x128xf32, #tpu.memory_space<vmem_shared>> -> memref<10112x128xf32, #tpu.memory_space<vmem_shared>>
          tpu.enqueue_indirect_dma source(%arg9 : memref<128x128xf32, #tpu.memory_space<vmem>>) target(%dma_start3A_146 : memref<10112x128xf32, #tpu.memory_space<vmem_shared>>) offsets(%dma_start3A_143 : memref<128xi32, #tpu.memory_space<vmem>>) semaphore(%run_scoped3A : memref<!tpu.dma_semaphore, #tpu.memory_space<semaphore_mem>>) {add = true}
          %dma_wait3A_147 = arith.constant 0 : i32
          %dma_wait3A_148 = tpu.memref_slice %arg8[%add3A_121, %dma_wait3A_147] : memref<40x128xi32, #tpu.memory_space<vmem>> -> memref<1x128xi32, #tpu.memory_space<vmem>>
          %dma_wait3A_149 = tpu.memref_squeeze %dma_wait3A_148 : memref<1x128xi32, #tpu.memory_space<vmem>> -> memref<128xi32, #tpu.memory_space<vmem>>
          %dma_wait3A_150 = arith.constant 0 : i32
          %dma_wait3A_151 = arith.constant 0 : i32
          %dma_wait3A_152 = tpu.memref_slice %arg11[%dma_wait3A_150, %dma_wait3A_151] : memref<10112x128xf32, #tpu.memory_space<vmem_shared>> -> memref<10112x128xf32, #tpu.memory_space<vmem_shared>>
          tpu.wait_indirect_dma semaphore(%run_scoped3A : memref<!tpu.dma_semaphore, #tpu.memory_space<semaphore_mem>>) src(%arg9 : memref<128x128xf32, #tpu.memory_space<vmem>>) dst(%dma_wait3A_152 : memref<10112x128xf32, #tpu.memory_space<vmem_shared>>)
          tpu.yield
        }) : () -> ()
        %lt3A = arith.constant 19 : i32
        %lt3A_122 = arith.cmpi slt, %add3A_110, %lt3A : i32
        %convert_element_type3A_123 = arith.extui %lt3A_122 : i1 to i32
        %cond3A_124 = arith.constant 0 : i32
        %cond3A_125 = arith.cmpi ne, %convert_element_type3A_123, %cond3A_124 : i32
        scf.if %cond3A_125 {
          %add3A_141 = arith.constant 2 : i32
          %add3A_142 = arith.addi %mul3A_112, %add3A_141 : i32
          %add3A_143 = arith.constant 0 : i32
          %add3A_144 = arith.addi %add3A_142, %add3A_143 : i32
          %dma_start3A_145 = arith.constant 0 : i32
          %dma_start3A_146 = tpu.memref_slice %arg7[%add3A_144, %dma_start3A_145] : memref<40x128xi32, #tpu.memory_space<vmem>> -> memref<1x128xi32, #tpu.memory_space<vmem>>
          %dma_start3A_147 = tpu.memref_squeeze %dma_start3A_146 : memref<1x128xi32, #tpu.memory_space<vmem>> -> memref<128xi32, #tpu.memory_space<vmem>>
          %dma_start3A_148 = arith.constant 0 : i32
          %dma_start3A_149 = arith.constant 0 : i32
          %dma_start3A_150 = tpu.memref_slice %arg2[%dma_start3A_148, %dma_start3A_149] : memref<10000x128xf32, #tpu.memory_space<hbm>> -> memref<10000x128xf32, #tpu.memory_space<hbm>>
          tpu.enqueue_indirect_dma source(%dma_start3A_150 : memref<10000x128xf32, #tpu.memory_space<hbm>>) target(%arg9 : memref<128x128xf32, #tpu.memory_space<vmem>>) offsets(%dma_start3A_147 : memref<128xi32, #tpu.memory_space<vmem>>) semaphore(%arg12 : memref<!tpu.dma_semaphore, #tpu.memory_space<semaphore_mem>>)
        } else {
        }
        %add3A_126 = arith.constant 1 : i32
        %add3A_127 = arith.addi %mul3A_112, %add3A_126 : i32
        %dma_wait3A_128 = arith.constant 0 : i32
        %dma_wait3A_129 = tpu.memref_slice %arg7[%add3A_127, %dma_wait3A_128] : memref<40x128xi32, #tpu.memory_space<vmem>> -> memref<1x128xi32, #tpu.memory_space<vmem>>
        %dma_wait3A_130 = tpu.memref_squeeze %dma_wait3A_129 : memref<1x128xi32, #tpu.memory_space<vmem>> -> memref<128xi32, #tpu.memory_space<vmem>>
        %dma_wait3A_131 = arith.constant 0 : i32
        %dma_wait3A_132 = arith.constant 0 : i32
        %dma_wait3A_133 = tpu.memref_slice %arg2[%dma_wait3A_131, %dma_wait3A_132] : memref<10000x128xf32, #tpu.memory_space<hbm>> -> memref<10000x128xf32, #tpu.memory_space<hbm>>
        tpu.wait_indirect_dma semaphore(%arg13 : memref<!tpu.dma_semaphore, #tpu.memory_space<semaphore_mem>>) src(%dma_wait3A_133 : memref<10000x128xf32, #tpu.memory_space<hbm>>) dst(%arg10 : memref<128x128xf32, #tpu.memory_space<vmem>>)
        %add3A_134 = arith.constant 1 : i32
        %add3A_135 = arith.addi %mul3A_112, %add3A_134 : i32
        "tpu.region"() ({
          %run_scoped3A = tpu.sem_alloc : memref<!tpu.dma_semaphore, #tpu.memory_space<semaphore_mem>>
          %dma_start3A_141 = arith.constant 0 : i32
          %dma_start3A_142 = tpu.memref_slice %arg8[%add3A_135, %dma_start3A_141] : memref<40x128xi32, #tpu.memory_space<vmem>> -> memref<1x128xi32, #tpu.memory_space<vmem>>
          %dma_start3A_143 = tpu.memref_squeeze %dma_start3A_142 : memref<1x128xi32, #tpu.memory_space<vmem>> -> memref<128xi32, #tpu.memory_space<vmem>>
          %dma_start3A_144 = arith.constant 0 : i32
          %dma_start3A_145 = arith.constant 0 : i32
          %dma_start3A_146 = tpu.memref_slice %arg11[%dma_start3A_144, %dma_start3A_145] : memref<10112x128xf32, #tpu.memory_space<vmem_shared>> -> memref<10112x128xf32, #tpu.memory_space<vmem_shared>>
          tpu.enqueue_indirect_dma source(%arg10 : memref<128x128xf32, #tpu.memory_space<vmem>>) target(%dma_start3A_146 : memref<10112x128xf32, #tpu.memory_space<vmem_shared>>) offsets(%dma_start3A_143 : memref<128xi32, #tpu.memory_space<vmem>>) semaphore(%run_scoped3A : memref<!tpu.dma_semaphore, #tpu.memory_space<semaphore_mem>>) {add = true}
          %dma_wait3A_147 = arith.constant 0 : i32
          %dma_wait3A_148 = tpu.memref_slice %arg8[%add3A_135, %dma_wait3A_147] : memref<40x128xi32, #tpu.memory_space<vmem>> -> memref<1x128xi32, #tpu.memory_space<vmem>>
          %dma_wait3A_149 = tpu.memref_squeeze %dma_wait3A_148 : memref<1x128xi32, #tpu.memory_space<vmem>> -> memref<128xi32, #tpu.memory_space<vmem>>
          %dma_wait3A_150 = arith.constant 0 : i32
          %dma_wait3A_151 = arith.constant 0 : i32
          %dma_wait3A_152 = tpu.memref_slice %arg11[%dma_wait3A_150, %dma_wait3A_151] : memref<10112x128xf32, #tpu.memory_space<vmem_shared>> -> memref<10112x128xf32, #tpu.memory_space<vmem_shared>>
          tpu.wait_indirect_dma semaphore(%run_scoped3A : memref<!tpu.dma_semaphore, #tpu.memory_space<semaphore_mem>>) src(%arg10 : memref<128x128xf32, #tpu.memory_space<vmem>>) dst(%dma_wait3A_152 : memref<10112x128xf32, #tpu.memory_space<vmem_shared>>)
          tpu.yield
        }) : () -> ()
        %lt3A_136 = arith.constant 19 : i32
        %lt3A_137 = arith.cmpi slt, %add3A_110, %lt3A_136 : i32
        %convert_element_type3A_138 = arith.extui %lt3A_137 : i1 to i32
        %cond3A_139 = arith.constant 0 : i32
        %cond3A_140 = arith.cmpi ne, %convert_element_type3A_138, %cond3A_139 : i32
        scf.if %cond3A_140 {
          %add3A_141 = arith.constant 2 : i32
          %add3A_142 = arith.addi %mul3A_112, %add3A_141 : i32
          %add3A_143 = arith.constant 1 : i32
          %add3A_144 = arith.addi %add3A_142, %add3A_143 : i32
          %dma_start3A_145 = arith.constant 0 : i32
          %dma_start3A_146 = tpu.memref_slice %arg7[%add3A_144, %dma_start3A_145] : memref<40x128xi32, #tpu.memory_space<vmem>> -> memref<1x128xi32, #tpu.memory_space<vmem>>
          %dma_start3A_147 = tpu.memref_squeeze %dma_start3A_146 : memref<1x128xi32, #tpu.memory_space<vmem>> -> memref<128xi32, #tpu.memory_space<vmem>>
          %dma_start3A_148 = arith.constant 0 : i32
          %dma_start3A_149 = arith.constant 0 : i32
          %dma_start3A_150 = tpu.memref_slice %arg2[%dma_start3A_148, %dma_start3A_149] : memref<10000x128xf32, #tpu.memory_space<hbm>> -> memref<10000x128xf32, #tpu.memory_space<hbm>>
          tpu.enqueue_indirect_dma source(%dma_start3A_150 : memref<10000x128xf32, #tpu.memory_space<hbm>>) target(%arg10 : memref<128x128xf32, #tpu.memory_space<vmem>>) offsets(%dma_start3A_147 : memref<128xi32, #tpu.memory_space<vmem>>) semaphore(%arg13 : memref<!tpu.dma_semaphore, #tpu.memory_space<semaphore_mem>>)
        } else {
        }
      }
      %scan3A_105 = arith.constant 20 : i32
    } else {
    }
    %eq3A_3 = arith.constant 1 : i32
    %eq3A_4 = arith.cmpi eq, %arg0, %eq3A_3 : i32
    %convert_element_type3A_5 = arith.extui %eq3A_4 : i1 to i32
    %cond3A_6 = arith.constant 0 : i32
    %cond3A_7 = arith.cmpi ne, %convert_element_type3A_5, %cond3A_6 : i32
    scf.if %cond3A_7 {
    } else {
    }
    %barrier3A_8 = arith.constant 0 : index
    tpu.barrier barrier_id(%barrier3A_8)
    "tpu.region"() ({
      %run_scoped3A = tpu.sem_alloc : memref<!tpu.dma_semaphore, #tpu.memory_space<semaphore_mem>>
      %dma_start3A = arith.constant 0 : i32
      %dma_start3A_9 = arith.constant 0 : i32
      %dma_start3A_10 = tpu.memref_slice %arg6[%arg0, %dma_start3A, %dma_start3A_9] : memref<2x10112x128xf32, #tpu.memory_space<hbm>> -> memref<1x10112x128xf32, #tpu.memory_space<hbm>>
      %dma_start3A_11 = tpu.memref_squeeze %dma_start3A_10 : memref<1x10112x128xf32, #tpu.memory_space<hbm>> -> memref<10112x128xf32, #tpu.memory_space<hbm>>
      %dma_start3A_12 = arith.constant 0 : i32
      %dma_start3A_13 = tpu.memref_slice %dma_start3A_11[%mul3A_0, %dma_start3A_12] : memref<10112x128xf32, #tpu.memory_space<hbm>> -> memref<632x128xf32, #tpu.memory_space<hbm>>
      %dma_start3A_14 = arith.constant 0 : i32
      %dma_start3A_15 = tpu.memref_slice %arg11[%mul3A_0, %dma_start3A_14] : memref<10112x128xf32, #tpu.memory_space<vmem_shared>> -> memref<632x128xf32, #tpu.memory_space<vmem_shared>>
      tpu.enqueue_dma source(%dma_start3A_15 : memref<632x128xf32, #tpu.memory_space<vmem_shared>>) target(%dma_start3A_13 : memref<632x128xf32, #tpu.memory_space<hbm>>) target_semaphore(%run_scoped3A : memref<!tpu.dma_semaphore, #tpu.memory_space<semaphore_mem>>)
      %dma_wait3A = arith.constant 0 : i32
      %dma_wait3A_16 = arith.constant 0 : i32
      %dma_wait3A_17 = tpu.memref_slice %arg6[%arg0, %dma_wait3A, %dma_wait3A_16] : memref<2x10112x128xf32, #tpu.memory_space<hbm>> -> memref<1x10112x128xf32, #tpu.memory_space<hbm>>
      %dma_wait3A_18 = tpu.memref_squeeze %dma_wait3A_17 : memref<1x10112x128xf32, #tpu.memory_space<hbm>> -> memref<10112x128xf32, #tpu.memory_space<hbm>>
      %dma_wait3A_19 = arith.constant 0 : i32
      %dma_wait3A_20 = tpu.memref_slice %dma_wait3A_18[%mul3A_0, %dma_wait3A_19] : memref<10112x128xf32, #tpu.memory_space<hbm>> -> memref<632x128xf32, #tpu.memory_space<hbm>>
      %dma_wait3A_21 = arith.constant 0 : i32
      %dma_wait3A_22 = tpu.memref_slice %arg11[%mul3A_0, %dma_wait3A_21] : memref<10112x128xf32, #tpu.memory_space<vmem_shared>> -> memref<632x128xf32, #tpu.memory_space<vmem_shared>>
      tpu.wait_dma2 semaphore(%run_scoped3A : memref<!tpu.dma_semaphore, #tpu.memory_space<semaphore_mem>>) src(%dma_wait3A_22 : memref<632x128xf32, #tpu.memory_space<vmem_shared>>) dst(%dma_wait3A_20 : memref<632x128xf32, #tpu.memory_space<hbm>>)
      tpu.yield
    }) : () -> ()
    return
  }
}

#map = affine_map<(d0, d1) -> (0, 0)>
#map1 = affine_map<(d0, d1) -> (0, 0, 0)>
module attributes {stable_mosaic.version = 14 : i64} {
  func.func @k_body(%arg0: i32, %arg1: i32, %arg2: memref<10000x128xf32, #tpu.memory_space<hbm>>, %arg3: memref<2560x128xi32, #tpu.memory_space<hbm>>, %arg4: memref<2560x128xi32, #tpu.memory_space<hbm>>, %arg5: memref<10112x128xf32, #tpu.memory_space<hbm>>, %arg6: memref<2x10112x128xf32, #tpu.memory_space<hbm>>, %arg7: memref<40x128xi32, #tpu.memory_space<vmem>>, %arg8: memref<40x128xi32, #tpu.memory_space<vmem>>, %arg9: memref<128x128xf32, #tpu.memory_space<vmem>>, %arg10: memref<128x128xf32, #tpu.memory_space<vmem>>, %arg11: memref<10112x128xf32, #tpu.memory_space<vmem_shared>>, %arg12: memref<!tpu.dma_semaphore, #tpu.memory_space<semaphore_mem>>, %arg13: memref<!tpu.dma_semaphore, #tpu.memory_space<semaphore_mem>>) attributes {dimension_semantics = [#tpu.dimension_semantics<core_parallel>, #tpu.dimension_semantics<subcore_parallel>], iteration_bounds = array<i64: 2, 16>, scalar_prefetch = 0 : i64, scratch_operands = 7 : i64, tpu.core_type = #tpu.core_type<sc_vector_subcore>, window_params = [{transform_indices = #map}, {transform_indices = #map}, {transform_indices = #map}, {transform_indices = #map}, {transform_indices = #map1}]} {
    %mul3A = arith.constant 632 : i32
    %mul3A_0 = arith.muli %arg1, %mul3A : i32
    "tpu.region"() ({
      %run_scoped3A = tpu.sem_alloc : memref<!tpu.dma_semaphore, #tpu.memory_space<semaphore_mem>>
      %dma_start3A = arith.constant 0 : i32
      %dma_start3A_9 = tpu.memref_slice %arg11[%mul3A_0, %dma_start3A] : memref<10112x128xf32, #tpu.memory_space<vmem_shared>> -> memref<632x128xf32, #tpu.memory_space<vmem_shared>>
      %dma_start3A_10 = arith.constant 0 : i32
      %dma_start3A_11 = tpu.memref_slice %arg5[%mul3A_0, %dma_start3A_10] : memref<10112x128xf32, #tpu.memory_space<hbm>> -> memref<632x128xf32, #tpu.memory_space<hbm>>
      tpu.enqueue_dma source(%dma_start3A_11 : memref<632x128xf32, #tpu.memory_space<hbm>>) target(%dma_start3A_9 : memref<632x128xf32, #tpu.memory_space<vmem_shared>>) target_semaphore(%run_scoped3A : memref<!tpu.dma_semaphore, #tpu.memory_space<semaphore_mem>>)
      %dma_wait3A = arith.constant 0 : i32
      %dma_wait3A_12 = tpu.memref_slice %arg11[%mul3A_0, %dma_wait3A] : memref<10112x128xf32, #tpu.memory_space<vmem_shared>> -> memref<632x128xf32, #tpu.memory_space<vmem_shared>>
      %dma_wait3A_13 = arith.constant 0 : i32
      %dma_wait3A_14 = tpu.memref_slice %arg5[%mul3A_0, %dma_wait3A_13] : memref<10112x128xf32, #tpu.memory_space<hbm>> -> memref<632x128xf32, #tpu.memory_space<hbm>>
      tpu.wait_dma2 semaphore(%run_scoped3A : memref<!tpu.dma_semaphore, #tpu.memory_space<semaphore_mem>>) src(%dma_wait3A_14 : memref<632x128xf32, #tpu.memory_space<hbm>>) dst(%dma_wait3A_12 : memref<632x128xf32, #tpu.memory_space<vmem_shared>>)
      tpu.yield
    }) : () -> ()
    %barrier3A = arith.constant 0 : index
    tpu.barrier barrier_id(%barrier3A)
    %eq3A = arith.constant 0 : i32
    %eq3A_1 = arith.cmpi eq, %arg0, %eq3A : i32
    %convert_element_type3A = arith.extui %eq3A_1 : i1 to i32
    %cond3A = arith.constant 0 : i32
    %cond3A_2 = arith.cmpi ne, %convert_element_type3A, %cond3A : i32
    scf.if %cond3A_2 {
      %mul3A_9 = arith.constant 160 : i32
      %mul3A_10 = arith.muli %arg1, %mul3A_9 : i32
      %add3A = arith.constant 0 : i32
      %add3A_11 = arith.addi %add3A, %mul3A_10 : i32
      %add3A_12 = arith.constant 0 : i32
      %add3A_13 = arith.addi %add3A_11, %add3A_12 : i32
      "tpu.region"() ({
        %run_scoped3A = tpu.sem_alloc : memref<!tpu.dma_semaphore, #tpu.memory_space<semaphore_mem>>
        %dma_start3A_106 = arith.constant 0 : i32
        %dma_start3A_107 = arith.constant 0 : i32
        %dma_start3A_108 = tpu.memref_slice %arg7[%dma_start3A_106, %dma_start3A_107] : memref<40x128xi32, #tpu.memory_space<vmem>> -> memref<40x128xi32, #tpu.memory_space<vmem>>
        %dma_start3A_109 = arith.constant 0 : i32
        %dma_start3A_110 = tpu.memref_slice %arg3[%add3A_13, %dma_start3A_109] : memref<2560x128xi32, #tpu.memory_space<hbm>> -> memref<40x128xi32, #tpu.memory_space<hbm>>
        %dma_start3A_111 = arith.constant 0 : i32
        %dma_start3A_112 = arith.constant 0 : i32
        %dma_start3A_113 = tpu.memref_slice %arg7[%dma_start3A_111, %dma_start3A_112] : memref<40x128xi32, #tpu.memory_space<vmem>> -> memref<40x128xi32, #tpu.memory_space<vmem>>
        %dma_start3A_114 = arith.constant 0 : i32
        %dma_start3A_115 = tpu.memref_slice %arg3[%add3A_13, %dma_start3A_114] : memref<2560x128xi32, #tpu.memory_space<hbm>> -> memref<40x128xi32, #tpu.memory_space<hbm>>
        tpu.enqueue_dma source(%dma_start3A_115 : memref<40x128xi32, #tpu.memory_space<hbm>>) target(%dma_start3A_113 : memref<40x128xi32, #tpu.memory_space<vmem>>) target_semaphore(%run_scoped3A : memref<!tpu.dma_semaphore, #tpu.memory_space<semaphore_mem>>)
        %dma_wait3A = arith.constant 0 : i32
        %dma_wait3A_116 = arith.constant 0 : i32
        %dma_wait3A_117 = tpu.memref_slice %arg7[%dma_wait3A, %dma_wait3A_116] : memref<40x128xi32, #tpu.memory_space<vmem>> -> memref<40x128xi32, #tpu.memory_space<vmem>>
        %dma_wait3A_118 = arith.constant 0 : i32
        %dma_wait3A_119 = tpu.memref_slice %arg3[%add3A_13, %dma_wait3A_118] : memref<2560x128xi32, #tpu.memory_space<hbm>> -> memref<40x128xi32, #tpu.memory_space<hbm>>
        %dma_wait3A_120 = arith.constant 0 : i32
        %dma_wait3A_121 = arith.constant 0 : i32
        %dma_wait3A_122 = tpu.memref_slice %arg7[%dma_wait3A_120, %dma_wait3A_121] : memref<40x128xi32, #tpu.memory_space<vmem>> -> memref<40x128xi32, #tpu.memory_space<vmem>>
        %dma_wait3A_123 = arith.constant 0 : i32
        %dma_wait3A_124 = tpu.memref_slice %arg3[%add3A_13, %dma_wait3A_123] : memref<2560x128xi32, #tpu.memory_space<hbm>> -> memref<40x128xi32, #tpu.memory_space<hbm>>
        tpu.wait_dma2 semaphore(%run_scoped3A : memref<!tpu.dma_semaphore, #tpu.memory_space<semaphore_mem>>) src(%dma_wait3A_124 : memref<40x128xi32, #tpu.memory_space<hbm>>) dst(%dma_wait3A_122 : memref<40x128xi32, #tpu.memory_space<vmem>>)
        tpu.yield
      }) : () -> ()
      "tpu.region"() ({
        %run_scoped3A = tpu.sem_alloc : memref<!tpu.dma_semaphore, #tpu.memory_space<semaphore_mem>>
        %dma_start3A_106 = arith.constant 0 : i32
        %dma_start3A_107 = arith.constant 0 : i32
        %dma_start3A_108 = tpu.memref_slice %arg8[%dma_start3A_106, %dma_start3A_107] : memref<40x128xi32, #tpu.memory_space<vmem>> -> memref<40x128xi32, #tpu.memory_space<vmem>>
        %dma_start3A_109 = arith.constant 0 : i32
        %dma_start3A_110 = tpu.memref_slice %arg4[%add3A_13, %dma_start3A_109] : memref<2560x128xi32, #tpu.memory_space<hbm>> -> memref<40x128xi32, #tpu.memory_space<hbm>>
        %dma_start3A_111 = arith.constant 0 : i32
        %dma_start3A_112 = arith.constant 0 : i32
        %dma_start3A_113 = tpu.memref_slice %arg8[%dma_start3A_111, %dma_start3A_112] : memref<40x128xi32, #tpu.memory_space<vmem>> -> memref<40x128xi32, #tpu.memory_space<vmem>>
        %dma_start3A_114 = arith.constant 0 : i32
        %dma_start3A_115 = tpu.memref_slice %arg4[%add3A_13, %dma_start3A_114] : memref<2560x128xi32, #tpu.memory_space<hbm>> -> memref<40x128xi32, #tpu.memory_space<hbm>>
        tpu.enqueue_dma source(%dma_start3A_115 : memref<40x128xi32, #tpu.memory_space<hbm>>) target(%dma_start3A_113 : memref<40x128xi32, #tpu.memory_space<vmem>>) target_semaphore(%run_scoped3A : memref<!tpu.dma_semaphore, #tpu.memory_space<semaphore_mem>>)
        %dma_wait3A = arith.constant 0 : i32
        %dma_wait3A_116 = arith.constant 0 : i32
        %dma_wait3A_117 = tpu.memref_slice %arg8[%dma_wait3A, %dma_wait3A_116] : memref<40x128xi32, #tpu.memory_space<vmem>> -> memref<40x128xi32, #tpu.memory_space<vmem>>
        %dma_wait3A_118 = arith.constant 0 : i32
        %dma_wait3A_119 = tpu.memref_slice %arg4[%add3A_13, %dma_wait3A_118] : memref<2560x128xi32, #tpu.memory_space<hbm>> -> memref<40x128xi32, #tpu.memory_space<hbm>>
        %dma_wait3A_120 = arith.constant 0 : i32
        %dma_wait3A_121 = arith.constant 0 : i32
        %dma_wait3A_122 = tpu.memref_slice %arg8[%dma_wait3A_120, %dma_wait3A_121] : memref<40x128xi32, #tpu.memory_space<vmem>> -> memref<40x128xi32, #tpu.memory_space<vmem>>
        %dma_wait3A_123 = arith.constant 0 : i32
        %dma_wait3A_124 = tpu.memref_slice %arg4[%add3A_13, %dma_wait3A_123] : memref<2560x128xi32, #tpu.memory_space<hbm>> -> memref<40x128xi32, #tpu.memory_space<hbm>>
        tpu.wait_dma2 semaphore(%run_scoped3A : memref<!tpu.dma_semaphore, #tpu.memory_space<semaphore_mem>>) src(%dma_wait3A_124 : memref<40x128xi32, #tpu.memory_space<hbm>>) dst(%dma_wait3A_122 : memref<40x128xi32, #tpu.memory_space<vmem>>)
        tpu.yield
      }) : () -> ()
      %dma_start3A = arith.constant 0 : i32
      %dma_start3A_14 = arith.constant 0 : i32
      %dma_start3A_15 = tpu.memref_slice %arg7[%dma_start3A, %dma_start3A_14] : memref<40x128xi32, #tpu.memory_space<vmem>> -> memref<1x128xi32, #tpu.memory_space<vmem>>
      %dma_start3A_16 = tpu.memref_squeeze %dma_start3A_15 : memref<1x128xi32, #tpu.memory_space<vmem>> -> memref<128xi32, #tpu.memory_space<vmem>>
      %dma_start3A_17 = arith.constant 0 : i32
      %dma_start3A_18 = arith.constant 0 : i32
      %dma_start3A_19 = tpu.memref_slice %arg2[%dma_start3A_17, %dma_start3A_18] : memref<10000x128xf32, #tpu.memory_space<hbm>> -> memref<10000x128xf32, #tpu.memory_space<hbm>>
      tpu.enqueue_indirect_dma source(%dma_start3A_19 : memref<10000x128xf32, #tpu.memory_space<hbm>>) target(%arg9 : memref<128x128xf32, #tpu.memory_space<vmem>>) offsets(%dma_start3A_16 : memref<128xi32, #tpu.memory_space<vmem>>) semaphore(%arg12 : memref<!tpu.dma_semaphore, #tpu.memory_space<semaphore_mem>>)
      %dma_start3A_20 = arith.constant 1 : i32
      %dma_start3A_21 = arith.constant 0 : i32
      %dma_start3A_22 = tpu.memref_slice %arg7[%dma_start3A_20, %dma_start3A_21] : memref<40x128xi32, #tpu.memory_space<vmem>> -> memref<1x128xi32, #tpu.memory_space<vmem>>
      %dma_start3A_23 = tpu.memref_squeeze %dma_start3A_22 : memref<1x128xi32, #tpu.memory_space<vmem>> -> memref<128xi32, #tpu.memory_space<vmem>>
      %dma_start3A_24 = arith.constant 0 : i32
      %dma_start3A_25 = arith.constant 0 : i32
      %dma_start3A_26 = tpu.memref_slice %arg2[%dma_start3A_24, %dma_start3A_25] : memref<10000x128xf32, #tpu.memory_space<hbm>> -> memref<10000x128xf32, #tpu.memory_space<hbm>>
      tpu.enqueue_indirect_dma source(%dma_start3A_26 : memref<10000x128xf32, #tpu.memory_space<hbm>>) target(%arg10 : memref<128x128xf32, #tpu.memory_space<vmem>>) offsets(%dma_start3A_23 : memref<128xi32, #tpu.memory_space<vmem>>) semaphore(%arg13 : memref<!tpu.dma_semaphore, #tpu.memory_space<semaphore_mem>>)
      %scan3A = arith.constant 0 : i32
      %scan3A_27 = arith.constant 20 : i32
      %scan3A_28 = arith.addi %scan3A, %scan3A_27 : i32
      %scan3A_29 = arith.constant 1 : i32
      scf.for %scan3A_106 = %scan3A to %scan3A_28 step %scan3A_29  : i32 {
        %mul3A_107 = arith.constant 1 : i32
        %mul3A_108 = arith.muli %scan3A_106, %mul3A_107 : i32
        %add3A_109 = arith.constant 0 : i32
        %add3A_110 = arith.addi %add3A_109, %mul3A_108 : i32
        %mul3A_111 = arith.constant 2 : i32
        %mul3A_112 = arith.muli %add3A_110, %mul3A_111 : i32
        %add3A_113 = arith.constant 0 : i32
        %add3A_114 = arith.addi %mul3A_112, %add3A_113 : i32
        %dma_wait3A = arith.constant 0 : i32
        %dma_wait3A_115 = tpu.memref_slice %arg7[%add3A_114, %dma_wait3A] : memref<40x128xi32, #tpu.memory_space<vmem>> -> memref<1x128xi32, #tpu.memory_space<vmem>>
        %dma_wait3A_116 = tpu.memref_squeeze %dma_wait3A_115 : memref<1x128xi32, #tpu.memory_space<vmem>> -> memref<128xi32, #tpu.memory_space<vmem>>
        %dma_wait3A_117 = arith.constant 0 : i32
        %dma_wait3A_118 = arith.constant 0 : i32
        %dma_wait3A_119 = tpu.memref_slice %arg2[%dma_wait3A_117, %dma_wait3A_118] : memref<10000x128xf32, #tpu.memory_space<hbm>> -> memref<10000x128xf32, #tpu.memory_space<hbm>>
        tpu.wait_indirect_dma semaphore(%arg12 : memref<!tpu.dma_semaphore, #tpu.memory_space<semaphore_mem>>) src(%dma_wait3A_119 : memref<10000x128xf32, #tpu.memory_space<hbm>>) dst(%arg9 : memref<128x128xf32, #tpu.memory_space<vmem>>)
        %add3A_120 = arith.constant 0 : i32
        %add3A_121 = arith.addi %mul3A_112, %add3A_120 : i32
        "tpu.region"() ({
          %run_scoped3A = tpu.sem_alloc : memref<!tpu.dma_semaphore, #tpu.memory_space<semaphore_mem>>
          %dma_start3A_141 = arith.constant 0 : i32
          %dma_start3A_142 = tpu.memref_slice %arg8[%add3A_121, %dma_start3A_141] : memref<40x128xi32, #tpu.memory_space<vmem>> -> memref<1x128xi32, #tpu.memory_space<vmem>>
          %dma_start3A_143 = tpu.memref_squeeze %dma_start3A_142 : memref<1x128xi32, #tpu.memory_space<vmem>> -> memref<128xi32, #tpu.memory_space<vmem>>
          %dma_start3A_144 = arith.constant 0 : i32
          %dma_start3A_145 = arith.constant 0 : i32
          %dma_start3A_146 = tpu.memref_slice %arg11[%dma_start3A_144, %dma_start3A_145] : memref<10112x128xf32, #tpu.memory_space<vmem_shared>> -> memref<10112x128xf32, #tpu.memory_space<vmem_shared>>
          tpu.enqueue_indirect_dma source(%arg9 : memref<128x128xf32, #tpu.memory_space<vmem>>) target(%dma_start3A_146 : memref<10112x128xf32, #tpu.memory_space<vmem_shared>>) offsets(%dma_start3A_143 : memref<128xi32, #tpu.memory_space<vmem>>) semaphore(%run_scoped3A : memref<!tpu.dma_semaphore, #tpu.memory_space<semaphore_mem>>) {add = true}
          %dma_wait3A_147 = arith.constant 0 : i32
          %dma_wait3A_148 = tpu.memref_slice %arg8[%add3A_121, %dma_wait3A_147] : memref<40x128xi32, #tpu.memory_space<vmem>> -> memref<1x128xi32, #tpu.memory_space<vmem>>
          %dma_wait3A_149 = tpu.memref_squeeze %dma_wait3A_148 : memref<1x128xi32, #tpu.memory_space<vmem>> -> memref<128xi32, #tpu.memory_space<vmem>>
          %dma_wait3A_150 = arith.constant 0 : i32
          %dma_wait3A_151 = arith.constant 0 : i32
          %dma_wait3A_152 = tpu.memref_slice %arg11[%dma_wait3A_150, %dma_wait3A_151] : memref<10112x128xf32, #tpu.memory_space<vmem_shared>> -> memref<10112x128xf32, #tpu.memory_space<vmem_shared>>
          tpu.wait_indirect_dma semaphore(%run_scoped3A : memref<!tpu.dma_semaphore, #tpu.memory_space<semaphore_mem>>) src(%arg9 : memref<128x128xf32, #tpu.memory_space<vmem>>) dst(%dma_wait3A_152 : memref<10112x128xf32, #tpu.memory_space<vmem_shared>>)
          tpu.yield
        }) : () -> ()
        %lt3A = arith.constant 19 : i32
        %lt3A_122 = arith.cmpi slt, %add3A_110, %lt3A : i32
        %convert_element_type3A_123 = arith.extui %lt3A_122 : i1 to i32
        %cond3A_124 = arith.constant 0 : i32
        %cond3A_125 = arith.cmpi ne, %convert_element_type3A_123, %cond3A_124 : i32
        scf.if %cond3A_125 {
          %add3A_141 = arith.constant 2 : i32
          %add3A_142 = arith.addi %mul3A_112, %add3A_141 : i32
          %add3A_143 = arith.constant 0 : i32
          %add3A_144 = arith.addi %add3A_142, %add3A_143 : i32
          %dma_start3A_145 = arith.constant 0 : i32
          %dma_start3A_146 = tpu.memref_slice %arg7[%add3A_144, %dma_start3A_145] : memref<40x128xi32, #tpu.memory_space<vmem>> -> memref<1x128xi32, #tpu.memory_space<vmem>>
          %dma_start3A_147 = tpu.memref_squeeze %dma_start3A_146 : memref<1x128xi32, #tpu.memory_space<vmem>> -> memref<128xi32, #tpu.memory_space<vmem>>
          %dma_start3A_148 = arith.constant 0 : i32
          %dma_start3A_149 = arith.constant 0 : i32
          %dma_start3A_150 = tpu.memref_slice %arg2[%dma_start3A_148, %dma_start3A_149] : memref<10000x128xf32, #tpu.memory_space<hbm>> -> memref<10000x128xf32, #tpu.memory_space<hbm>>
          tpu.enqueue_indirect_dma source(%dma_start3A_150 : memref<10000x128xf32, #tpu.memory_space<hbm>>) target(%arg9 : memref<128x128xf32, #tpu.memory_space<vmem>>) offsets(%dma_start3A_147 : memref<128xi32, #tpu.memory_space<vmem>>) semaphore(%arg12 : memref<!tpu.dma_semaphore, #tpu.memory_space<semaphore_mem>>)
        } else {
        }
        %add3A_126 = arith.constant 1 : i32
        %add3A_127 = arith.addi %mul3A_112, %add3A_126 : i32
        %dma_wait3A_128 = arith.constant 0 : i32
        %dma_wait3A_129 = tpu.memref_slice %arg7[%add3A_127, %dma_wait3A_128] : memref<40x128xi32, #tpu.memory_space<vmem>> -> memref<1x128xi32, #tpu.memory_space<vmem>>
        %dma_wait3A_130 = tpu.memref_squeeze %dma_wait3A_129 : memref<1x128xi32, #tpu.memory_space<vmem>> -> memref<128xi32, #tpu.memory_space<vmem>>
        %dma_wait3A_131 = arith.constant 0 : i32
        %dma_wait3A_132 = arith.constant 0 : i32
        %dma_wait3A_133 = tpu.memref_slice %arg2[%dma_wait3A_131, %dma_wait3A_132] : memref<10000x128xf32, #tpu.memory_space<hbm>> -> memref<10000x128xf32, #tpu.memory_space<hbm>>
        tpu.wait_indirect_dma semaphore(%arg13 : memref<!tpu.dma_semaphore, #tpu.memory_space<semaphore_mem>>) src(%dma_wait3A_133 : memref<10000x128xf32, #tpu.memory_space<hbm>>) dst(%arg10 : memref<128x128xf32, #tpu.memory_space<vmem>>)
        %add3A_134 = arith.constant 1 : i32
        %add3A_135 = arith.addi %mul3A_112, %add3A_134 : i32
        "tpu.region"() ({
          %run_scoped3A = tpu.sem_alloc : memref<!tpu.dma_semaphore, #tpu.memory_space<semaphore_mem>>
          %dma_start3A_141 = arith.constant 0 : i32
          %dma_start3A_142 = tpu.memref_slice %arg8[%add3A_135, %dma_start3A_141] : memref<40x128xi32, #tpu.memory_space<vmem>> -> memref<1x128xi32, #tpu.memory_space<vmem>>
          %dma_start3A_143 = tpu.memref_squeeze %dma_start3A_142 : memref<1x128xi32, #tpu.memory_space<vmem>> -> memref<128xi32, #tpu.memory_space<vmem>>
          %dma_start3A_144 = arith.constant 0 : i32
          %dma_start3A_145 = arith.constant 0 : i32
          %dma_start3A_146 = tpu.memref_slice %arg11[%dma_start3A_144, %dma_start3A_145] : memref<10112x128xf32, #tpu.memory_space<vmem_shared>> -> memref<10112x128xf32, #tpu.memory_space<vmem_shared>>
          tpu.enqueue_indirect_dma source(%arg10 : memref<128x128xf32, #tpu.memory_space<vmem>>) target(%dma_start3A_146 : memref<10112x128xf32, #tpu.memory_space<vmem_shared>>) offsets(%dma_start3A_143 : memref<128xi32, #tpu.memory_space<vmem>>) semaphore(%run_scoped3A : memref<!tpu.dma_semaphore, #tpu.memory_space<semaphore_mem>>) {add = true}
          %dma_wait3A_147 = arith.constant 0 : i32
          %dma_wait3A_148 = tpu.memref_slice %arg8[%add3A_135, %dma_wait3A_147] : memref<40x128xi32, #tpu.memory_space<vmem>> -> memref<1x128xi32, #tpu.memory_space<vmem>>
          %dma_wait3A_149 = tpu.memref_squeeze %dma_wait3A_148 : memref<1x128xi32, #tpu.memory_space<vmem>> -> memref<128xi32, #tpu.memory_space<vmem>>
          %dma_wait3A_150 = arith.constant 0 : i32
          %dma_wait3A_151 = arith.constant 0 : i32
          %dma_wait3A_152 = tpu.memref_slice %arg11[%dma_wait3A_150, %dma_wait3A_151] : memref<10112x128xf32, #tpu.memory_space<vmem_shared>> -> memref<10112x128xf32, #tpu.memory_space<vmem_shared>>
          tpu.wait_indirect_dma semaphore(%run_scoped3A : memref<!tpu.dma_semaphore, #tpu.memory_space<semaphore_mem>>) src(%arg10 : memref<128x128xf32, #tpu.memory_space<vmem>>) dst(%dma_wait3A_152 : memref<10112x128xf32, #tpu.memory_space<vmem_shared>>)
          tpu.yield
        }) : () -> ()
        %lt3A_136 = arith.constant 19 : i32
        %lt3A_137 = arith.cmpi slt, %add3A_110, %lt3A_136 : i32
        %convert_element_type3A_138 = arith.extui %lt3A_137 : i1 to i32
        %cond3A_139 = arith.constant 0 : i32
        %cond3A_140 = arith.cmpi ne, %convert_element_type3A_138, %cond3A_139 : i32
        scf.if %cond3A_140 {
          %add3A_141 = arith.constant 2 : i32
          %add3A_142 = arith.addi %mul3A_112, %add3A_141 : i32
          %add3A_143 = arith.constant 1 : i32
          %add3A_144 = arith.addi %add3A_142, %add3A_143 : i32
          %dma_start3A_145 = arith.constant 0 : i32
          %dma_start3A_146 = tpu.memref_slice %arg7[%add3A_144, %dma_start3A_145] : memref<40x128xi32, #tpu.memory_space<vmem>> -> memref<1x128xi32, #tpu.memory_space<vmem>>
          %dma_start3A_147 = tpu.memref_squeeze %dma_start3A_146 : memref<1x128xi32, #tpu.memory_space<vmem>> -> memref<128xi32, #tpu.memory_space<vmem>>
          %dma_start3A_148 = arith.constant 0 : i32
          %dma_start3A_149 = arith.constant 0 : i32
          %dma_start3A_150 = tpu.memref_slice %arg2[%dma_start3A_148, %dma_start3A_149] : memref<10000x128xf32, #tpu.memory_space<hbm>> -> memref<10000x128xf32, #tpu.memory_space<hbm>>
          tpu.enqueue_indirect_dma source(%dma_start3A_150 : memref<10000x128xf32, #tpu.memory_space<hbm>>) target(%arg10 : memref<128x128xf32, #tpu.memory_space<vmem>>) offsets(%dma_start3A_147 : memref<128xi32, #tpu.memory_space<vmem>>) semaphore(%arg13 : memref<!tpu.dma_semaphore, #tpu.memory_space<semaphore_mem>>)
        } else {
        }
      }
      %scan3A_30 = arith.constant 20 : i32
      %mul3A_31 = arith.constant 160 : i32
      %mul3A_32 = arith.muli %arg1, %mul3A_31 : i32
      %add3A_33 = arith.constant 0 : i32
      %add3A_34 = arith.addi %add3A_33, %mul3A_32 : i32
      %add3A_35 = arith.constant 40 : i32
      %add3A_36 = arith.addi %add3A_34, %add3A_35 : i32
      "tpu.region"() ({
        %run_scoped3A = tpu.sem_alloc : memref<!tpu.dma_semaphore, #tpu.memory_space<semaphore_mem>>
        %dma_start3A_106 = arith.constant 0 : i32
        %dma_start3A_107 = arith.constant 0 : i32
        %dma_start3A_108 = tpu.memref_slice %arg7[%dma_start3A_106, %dma_start3A_107] : memref<40x128xi32, #tpu.memory_space<vmem>> -> memref<40x128xi32, #tpu.memory_space<vmem>>
        %dma_start3A_109 = arith.constant 0 : i32
        %dma_start3A_110 = tpu.memref_slice %arg3[%add3A_36, %dma_start3A_109] : memref<2560x128xi32, #tpu.memory_space<hbm>> -> memref<40x128xi32, #tpu.memory_space<hbm>>
        %dma_start3A_111 = arith.constant 0 : i32
        %dma_start3A_112 = arith.constant 0 : i32
        %dma_start3A_113 = tpu.memref_slice %arg7[%dma_start3A_111, %dma_start3A_112] : memref<40x128xi32, #tpu.memory_space<vmem>> -> memref<40x128xi32, #tpu.memory_space<vmem>>
        %dma_start3A_114 = arith.constant 0 : i32
        %dma_start3A_115 = tpu.memref_slice %arg3[%add3A_36, %dma_start3A_114] : memref<2560x128xi32, #tpu.memory_space<hbm>> -> memref<40x128xi32, #tpu.memory_space<hbm>>
        tpu.enqueue_dma source(%dma_start3A_115 : memref<40x128xi32, #tpu.memory_space<hbm>>) target(%dma_start3A_113 : memref<40x128xi32, #tpu.memory_space<vmem>>) target_semaphore(%run_scoped3A : memref<!tpu.dma_semaphore, #tpu.memory_space<semaphore_mem>>)
        %dma_wait3A = arith.constant 0 : i32
        %dma_wait3A_116 = arith.constant 0 : i32
        %dma_wait3A_117 = tpu.memref_slice %arg7[%dma_wait3A, %dma_wait3A_116] : memref<40x128xi32, #tpu.memory_space<vmem>> -> memref<40x128xi32, #tpu.memory_space<vmem>>
        %dma_wait3A_118 = arith.constant 0 : i32
        %dma_wait3A_119 = tpu.memref_slice %arg3[%add3A_36, %dma_wait3A_118] : memref<2560x128xi32, #tpu.memory_space<hbm>> -> memref<40x128xi32, #tpu.memory_space<hbm>>
        %dma_wait3A_120 = arith.constant 0 : i32
        %dma_wait3A_121 = arith.constant 0 : i32
        %dma_wait3A_122 = tpu.memref_slice %arg7[%dma_wait3A_120, %dma_wait3A_121] : memref<40x128xi32, #tpu.memory_space<vmem>> -> memref<40x128xi32, #tpu.memory_space<vmem>>
        %dma_wait3A_123 = arith.constant 0 : i32
        %dma_wait3A_124 = tpu.memref_slice %arg3[%add3A_36, %dma_wait3A_123] : memref<2560x128xi32, #tpu.memory_space<hbm>> -> memref<40x128xi32, #tpu.memory_space<hbm>>
        tpu.wait_dma2 semaphore(%run_scoped3A : memref<!tpu.dma_semaphore, #tpu.memory_space<semaphore_mem>>) src(%dma_wait3A_124 : memref<40x128xi32, #tpu.memory_space<hbm>>) dst(%dma_wait3A_122 : memref<40x128xi32, #tpu.memory_space<vmem>>)
        tpu.yield
      }) : () -> ()
      "tpu.region"() ({
        %run_scoped3A = tpu.sem_alloc : memref<!tpu.dma_semaphore, #tpu.memory_space<semaphore_mem>>
        %dma_start3A_106 = arith.constant 0 : i32
        %dma_start3A_107 = arith.constant 0 : i32
        %dma_start3A_108 = tpu.memref_slice %arg8[%dma_start3A_106, %dma_start3A_107] : memref<40x128xi32, #tpu.memory_space<vmem>> -> memref<40x128xi32, #tpu.memory_space<vmem>>
        %dma_start3A_109 = arith.constant 0 : i32
        %dma_start3A_110 = tpu.memref_slice %arg4[%add3A_36, %dma_start3A_109] : memref<2560x128xi32, #tpu.memory_space<hbm>> -> memref<40x128xi32, #tpu.memory_space<hbm>>
        %dma_start3A_111 = arith.constant 0 : i32
        %dma_start3A_112 = arith.constant 0 : i32
        %dma_start3A_113 = tpu.memref_slice %arg8[%dma_start3A_111, %dma_start3A_112] : memref<40x128xi32, #tpu.memory_space<vmem>> -> memref<40x128xi32, #tpu.memory_space<vmem>>
        %dma_start3A_114 = arith.constant 0 : i32
        %dma_start3A_115 = tpu.memref_slice %arg4[%add3A_36, %dma_start3A_114] : memref<2560x128xi32, #tpu.memory_space<hbm>> -> memref<40x128xi32, #tpu.memory_space<hbm>>
        tpu.enqueue_dma source(%dma_start3A_115 : memref<40x128xi32, #tpu.memory_space<hbm>>) target(%dma_start3A_113 : memref<40x128xi32, #tpu.memory_space<vmem>>) target_semaphore(%run_scoped3A : memref<!tpu.dma_semaphore, #tpu.memory_space<semaphore_mem>>)
        %dma_wait3A = arith.constant 0 : i32
        %dma_wait3A_116 = arith.constant 0 : i32
        %dma_wait3A_117 = tpu.memref_slice %arg8[%dma_wait3A, %dma_wait3A_116] : memref<40x128xi32, #tpu.memory_space<vmem>> -> memref<40x128xi32, #tpu.memory_space<vmem>>
        %dma_wait3A_118 = arith.constant 0 : i32
        %dma_wait3A_119 = tpu.memref_slice %arg4[%add3A_36, %dma_wait3A_118] : memref<2560x128xi32, #tpu.memory_space<hbm>> -> memref<40x128xi32, #tpu.memory_space<hbm>>
        %dma_wait3A_120 = arith.constant 0 : i32
        %dma_wait3A_121 = arith.constant 0 : i32
        %dma_wait3A_122 = tpu.memref_slice %arg8[%dma_wait3A_120, %dma_wait3A_121] : memref<40x128xi32, #tpu.memory_space<vmem>> -> memref<40x128xi32, #tpu.memory_space<vmem>>
        %dma_wait3A_123 = arith.constant 0 : i32
        %dma_wait3A_124 = tpu.memref_slice %arg4[%add3A_36, %dma_wait3A_123] : memref<2560x128xi32, #tpu.memory_space<hbm>> -> memref<40x128xi32, #tpu.memory_space<hbm>>
        tpu.wait_dma2 semaphore(%run_scoped3A : memref<!tpu.dma_semaphore, #tpu.memory_space<semaphore_mem>>) src(%dma_wait3A_124 : memref<40x128xi32, #tpu.memory_space<hbm>>) dst(%dma_wait3A_122 : memref<40x128xi32, #tpu.memory_space<vmem>>)
        tpu.yield
      }) : () -> ()
      %dma_start3A_37 = arith.constant 0 : i32
      %dma_start3A_38 = arith.constant 0 : i32
      %dma_start3A_39 = tpu.memref_slice %arg7[%dma_start3A_37, %dma_start3A_38] : memref<40x128xi32, #tpu.memory_space<vmem>> -> memref<1x128xi32, #tpu.memory_space<vmem>>
      %dma_start3A_40 = tpu.memref_squeeze %dma_start3A_39 : memref<1x128xi32, #tpu.memory_space<vmem>> -> memref<128xi32, #tpu.memory_space<vmem>>
      %dma_start3A_41 = arith.constant 0 : i32
      %dma_start3A_42 = arith.constant 0 : i32
      %dma_start3A_43 = tpu.memref_slice %arg2[%dma_start3A_41, %dma_start3A_42] : memref<10000x128xf32, #tpu.memory_space<hbm>> -> memref<10000x128xf32, #tpu.memory_space<hbm>>
      tpu.enqueue_indirect_dma source(%dma_start3A_43 : memref<10000x128xf32, #tpu.memory_space<hbm>>) target(%arg9 : memref<128x128xf32, #tpu.memory_space<vmem>>) offsets(%dma_start3A_40 : memref<128xi32, #tpu.memory_space<vmem>>) semaphore(%arg12 : memref<!tpu.dma_semaphore, #tpu.memory_space<semaphore_mem>>)
      %dma_start3A_44 = arith.constant 1 : i32
      %dma_start3A_45 = arith.constant 0 : i32
      %dma_start3A_46 = tpu.memref_slice %arg7[%dma_start3A_44, %dma_start3A_45] : memref<40x128xi32, #tpu.memory_space<vmem>> -> memref<1x128xi32, #tpu.memory_space<vmem>>
      %dma_start3A_47 = tpu.memref_squeeze %dma_start3A_46 : memref<1x128xi32, #tpu.memory_space<vmem>> -> memref<128xi32, #tpu.memory_space<vmem>>
      %dma_start3A_48 = arith.constant 0 : i32
      %dma_start3A_49 = arith.constant 0 : i32
      %dma_start3A_50 = tpu.memref_slice %arg2[%dma_start3A_48, %dma_start3A_49] : memref<10000x128xf32, #tpu.memory_space<hbm>> -> memref<10000x128xf32, #tpu.memory_space<hbm>>
      tpu.enqueue_indirect_dma source(%dma_start3A_50 : memref<10000x128xf32, #tpu.memory_space<hbm>>) target(%arg10 : memref<128x128xf32, #tpu.memory_space<vmem>>) offsets(%dma_start3A_47 : memref<128xi32, #tpu.memory_space<vmem>>) semaphore(%arg13 : memref<!tpu.dma_semaphore, #tpu.memory_space<semaphore_mem>>)
      %scan3A_51 = arith.constant 0 : i32
      %scan3A_52 = arith.constant 20 : i32
      %scan3A_53 = arith.addi %scan3A_51, %scan3A_52 : i32
      %scan3A_54 = arith.constant 1 : i32
      scf.for %scan3A_106 = %scan3A_51 to %scan3A_53 step %scan3A_54  : i32 {
        %mul3A_107 = arith.constant 1 : i32
        %mul3A_108 = arith.muli %scan3A_106, %mul3A_107 : i32
        %add3A_109 = arith.constant 0 : i32
        %add3A_110 = arith.addi %add3A_109, %mul3A_108 : i32
        %mul3A_111 = arith.constant 2 : i32
        %mul3A_112 = arith.muli %add3A_110, %mul3A_111 : i32
        %add3A_113 = arith.constant 0 : i32
        %add3A_114 = arith.addi %mul3A_112, %add3A_113 : i32
        %dma_wait3A = arith.constant 0 : i32
        %dma_wait3A_115 = tpu.memref_slice %arg7[%add3A_114, %dma_wait3A] : memref<40x128xi32, #tpu.memory_space<vmem>> -> memref<1x128xi32, #tpu.memory_space<vmem>>
        %dma_wait3A_116 = tpu.memref_squeeze %dma_wait3A_115 : memref<1x128xi32, #tpu.memory_space<vmem>> -> memref<128xi32, #tpu.memory_space<vmem>>
        %dma_wait3A_117 = arith.constant 0 : i32
        %dma_wait3A_118 = arith.constant 0 : i32
        %dma_wait3A_119 = tpu.memref_slice %arg2[%dma_wait3A_117, %dma_wait3A_118] : memref<10000x128xf32, #tpu.memory_space<hbm>> -> memref<10000x128xf32, #tpu.memory_space<hbm>>
        tpu.wait_indirect_dma semaphore(%arg12 : memref<!tpu.dma_semaphore, #tpu.memory_space<semaphore_mem>>) src(%dma_wait3A_119 : memref<10000x128xf32, #tpu.memory_space<hbm>>) dst(%arg9 : memref<128x128xf32, #tpu.memory_space<vmem>>)
        %add3A_120 = arith.constant 0 : i32
        %add3A_121 = arith.addi %mul3A_112, %add3A_120 : i32
        "tpu.region"() ({
          %run_scoped3A = tpu.sem_alloc : memref<!tpu.dma_semaphore, #tpu.memory_space<semaphore_mem>>
          %dma_start3A_141 = arith.constant 0 : i32
          %dma_start3A_142 = tpu.memref_slice %arg8[%add3A_121, %dma_start3A_141] : memref<40x128xi32, #tpu.memory_space<vmem>> -> memref<1x128xi32, #tpu.memory_space<vmem>>
          %dma_start3A_143 = tpu.memref_squeeze %dma_start3A_142 : memref<1x128xi32, #tpu.memory_space<vmem>> -> memref<128xi32, #tpu.memory_space<vmem>>
          %dma_start3A_144 = arith.constant 0 : i32
          %dma_start3A_145 = arith.constant 0 : i32
          %dma_start3A_146 = tpu.memref_slice %arg11[%dma_start3A_144, %dma_start3A_145] : memref<10112x128xf32, #tpu.memory_space<vmem_shared>> -> memref<10112x128xf32, #tpu.memory_space<vmem_shared>>
          tpu.enqueue_indirect_dma source(%arg9 : memref<128x128xf32, #tpu.memory_space<vmem>>) target(%dma_start3A_146 : memref<10112x128xf32, #tpu.memory_space<vmem_shared>>) offsets(%dma_start3A_143 : memref<128xi32, #tpu.memory_space<vmem>>) semaphore(%run_scoped3A : memref<!tpu.dma_semaphore, #tpu.memory_space<semaphore_mem>>) {add = true}
          %dma_wait3A_147 = arith.constant 0 : i32
          %dma_wait3A_148 = tpu.memref_slice %arg8[%add3A_121, %dma_wait3A_147] : memref<40x128xi32, #tpu.memory_space<vmem>> -> memref<1x128xi32, #tpu.memory_space<vmem>>
          %dma_wait3A_149 = tpu.memref_squeeze %dma_wait3A_148 : memref<1x128xi32, #tpu.memory_space<vmem>> -> memref<128xi32, #tpu.memory_space<vmem>>
          %dma_wait3A_150 = arith.constant 0 : i32
          %dma_wait3A_151 = arith.constant 0 : i32
          %dma_wait3A_152 = tpu.memref_slice %arg11[%dma_wait3A_150, %dma_wait3A_151] : memref<10112x128xf32, #tpu.memory_space<vmem_shared>> -> memref<10112x128xf32, #tpu.memory_space<vmem_shared>>
          tpu.wait_indirect_dma semaphore(%run_scoped3A : memref<!tpu.dma_semaphore, #tpu.memory_space<semaphore_mem>>) src(%arg9 : memref<128x128xf32, #tpu.memory_space<vmem>>) dst(%dma_wait3A_152 : memref<10112x128xf32, #tpu.memory_space<vmem_shared>>)
          tpu.yield
        }) : () -> ()
        %lt3A = arith.constant 19 : i32
        %lt3A_122 = arith.cmpi slt, %add3A_110, %lt3A : i32
        %convert_element_type3A_123 = arith.extui %lt3A_122 : i1 to i32
        %cond3A_124 = arith.constant 0 : i32
        %cond3A_125 = arith.cmpi ne, %convert_element_type3A_123, %cond3A_124 : i32
        scf.if %cond3A_125 {
          %add3A_141 = arith.constant 2 : i32
          %add3A_142 = arith.addi %mul3A_112, %add3A_141 : i32
          %add3A_143 = arith.constant 0 : i32
          %add3A_144 = arith.addi %add3A_142, %add3A_143 : i32
          %dma_start3A_145 = arith.constant 0 : i32
          %dma_start3A_146 = tpu.memref_slice %arg7[%add3A_144, %dma_start3A_145] : memref<40x128xi32, #tpu.memory_space<vmem>> -> memref<1x128xi32, #tpu.memory_space<vmem>>
          %dma_start3A_147 = tpu.memref_squeeze %dma_start3A_146 : memref<1x128xi32, #tpu.memory_space<vmem>> -> memref<128xi32, #tpu.memory_space<vmem>>
          %dma_start3A_148 = arith.constant 0 : i32
          %dma_start3A_149 = arith.constant 0 : i32
          %dma_start3A_150 = tpu.memref_slice %arg2[%dma_start3A_148, %dma_start3A_149] : memref<10000x128xf32, #tpu.memory_space<hbm>> -> memref<10000x128xf32, #tpu.memory_space<hbm>>
          tpu.enqueue_indirect_dma source(%dma_start3A_150 : memref<10000x128xf32, #tpu.memory_space<hbm>>) target(%arg9 : memref<128x128xf32, #tpu.memory_space<vmem>>) offsets(%dma_start3A_147 : memref<128xi32, #tpu.memory_space<vmem>>) semaphore(%arg12 : memref<!tpu.dma_semaphore, #tpu.memory_space<semaphore_mem>>)
        } else {
        }
        %add3A_126 = arith.constant 1 : i32
        %add3A_127 = arith.addi %mul3A_112, %add3A_126 : i32
        %dma_wait3A_128 = arith.constant 0 : i32
        %dma_wait3A_129 = tpu.memref_slice %arg7[%add3A_127, %dma_wait3A_128] : memref<40x128xi32, #tpu.memory_space<vmem>> -> memref<1x128xi32, #tpu.memory_space<vmem>>
        %dma_wait3A_130 = tpu.memref_squeeze %dma_wait3A_129 : memref<1x128xi32, #tpu.memory_space<vmem>> -> memref<128xi32, #tpu.memory_space<vmem>>
        %dma_wait3A_131 = arith.constant 0 : i32
        %dma_wait3A_132 = arith.constant 0 : i32
        %dma_wait3A_133 = tpu.memref_slice %arg2[%dma_wait3A_131, %dma_wait3A_132] : memref<10000x128xf32, #tpu.memory_space<hbm>> -> memref<10000x128xf32, #tpu.memory_space<hbm>>
        tpu.wait_indirect_dma semaphore(%arg13 : memref<!tpu.dma_semaphore, #tpu.memory_space<semaphore_mem>>) src(%dma_wait3A_133 : memref<10000x128xf32, #tpu.memory_space<hbm>>) dst(%arg10 : memref<128x128xf32, #tpu.memory_space<vmem>>)
        %add3A_134 = arith.constant 1 : i32
        %add3A_135 = arith.addi %mul3A_112, %add3A_134 : i32
        "tpu.region"() ({
          %run_scoped3A = tpu.sem_alloc : memref<!tpu.dma_semaphore, #tpu.memory_space<semaphore_mem>>
          %dma_start3A_141 = arith.constant 0 : i32
          %dma_start3A_142 = tpu.memref_slice %arg8[%add3A_135, %dma_start3A_141] : memref<40x128xi32, #tpu.memory_space<vmem>> -> memref<1x128xi32, #tpu.memory_space<vmem>>
          %dma_start3A_143 = tpu.memref_squeeze %dma_start3A_142 : memref<1x128xi32, #tpu.memory_space<vmem>> -> memref<128xi32, #tpu.memory_space<vmem>>
          %dma_start3A_144 = arith.constant 0 : i32
          %dma_start3A_145 = arith.constant 0 : i32
          %dma_start3A_146 = tpu.memref_slice %arg11[%dma_start3A_144, %dma_start3A_145] : memref<10112x128xf32, #tpu.memory_space<vmem_shared>> -> memref<10112x128xf32, #tpu.memory_space<vmem_shared>>
          tpu.enqueue_indirect_dma source(%arg10 : memref<128x128xf32, #tpu.memory_space<vmem>>) target(%dma_start3A_146 : memref<10112x128xf32, #tpu.memory_space<vmem_shared>>) offsets(%dma_start3A_143 : memref<128xi32, #tpu.memory_space<vmem>>) semaphore(%run_scoped3A : memref<!tpu.dma_semaphore, #tpu.memory_space<semaphore_mem>>) {add = true}
          %dma_wait3A_147 = arith.constant 0 : i32
          %dma_wait3A_148 = tpu.memref_slice %arg8[%add3A_135, %dma_wait3A_147] : memref<40x128xi32, #tpu.memory_space<vmem>> -> memref<1x128xi32, #tpu.memory_space<vmem>>
          %dma_wait3A_149 = tpu.memref_squeeze %dma_wait3A_148 : memref<1x128xi32, #tpu.memory_space<vmem>> -> memref<128xi32, #tpu.memory_space<vmem>>
          %dma_wait3A_150 = arith.constant 0 : i32
          %dma_wait3A_151 = arith.constant 0 : i32
          %dma_wait3A_152 = tpu.memref_slice %arg11[%dma_wait3A_150, %dma_wait3A_151] : memref<10112x128xf32, #tpu.memory_space<vmem_shared>> -> memref<10112x128xf32, #tpu.memory_space<vmem_shared>>
          tpu.wait_indirect_dma semaphore(%run_scoped3A : memref<!tpu.dma_semaphore, #tpu.memory_space<semaphore_mem>>) src(%arg10 : memref<128x128xf32, #tpu.memory_space<vmem>>) dst(%dma_wait3A_152 : memref<10112x128xf32, #tpu.memory_space<vmem_shared>>)
          tpu.yield
        }) : () -> ()
        %lt3A_136 = arith.constant 19 : i32
        %lt3A_137 = arith.cmpi slt, %add3A_110, %lt3A_136 : i32
        %convert_element_type3A_138 = arith.extui %lt3A_137 : i1 to i32
        %cond3A_139 = arith.constant 0 : i32
        %cond3A_140 = arith.cmpi ne, %convert_element_type3A_138, %cond3A_139 : i32
        scf.if %cond3A_140 {
          %add3A_141 = arith.constant 2 : i32
          %add3A_142 = arith.addi %mul3A_112, %add3A_141 : i32
          %add3A_143 = arith.constant 1 : i32
          %add3A_144 = arith.addi %add3A_142, %add3A_143 : i32
          %dma_start3A_145 = arith.constant 0 : i32
          %dma_start3A_146 = tpu.memref_slice %arg7[%add3A_144, %dma_start3A_145] : memref<40x128xi32, #tpu.memory_space<vmem>> -> memref<1x128xi32, #tpu.memory_space<vmem>>
          %dma_start3A_147 = tpu.memref_squeeze %dma_start3A_146 : memref<1x128xi32, #tpu.memory_space<vmem>> -> memref<128xi32, #tpu.memory_space<vmem>>
          %dma_start3A_148 = arith.constant 0 : i32
          %dma_start3A_149 = arith.constant 0 : i32
          %dma_start3A_150 = tpu.memref_slice %arg2[%dma_start3A_148, %dma_start3A_149] : memref<10000x128xf32, #tpu.memory_space<hbm>> -> memref<10000x128xf32, #tpu.memory_space<hbm>>
          tpu.enqueue_indirect_dma source(%dma_start3A_150 : memref<10000x128xf32, #tpu.memory_space<hbm>>) target(%arg10 : memref<128x128xf32, #tpu.memory_space<vmem>>) offsets(%dma_start3A_147 : memref<128xi32, #tpu.memory_space<vmem>>) semaphore(%arg13 : memref<!tpu.dma_semaphore, #tpu.memory_space<semaphore_mem>>)
        } else {
        }
      }
      %scan3A_55 = arith.constant 20 : i32
      %mul3A_56 = arith.constant 160 : i32
      %mul3A_57 = arith.muli %arg1, %mul3A_56 : i32
      %add3A_58 = arith.constant 0 : i32
      %add3A_59 = arith.addi %add3A_58, %mul3A_57 : i32
      %add3A_60 = arith.constant 80 : i32
      %add3A_61 = arith.addi %add3A_59, %add3A_60 : i32
      "tpu.region"() ({
        %run_scoped3A = tpu.sem_alloc : memref<!tpu.dma_semaphore, #tpu.memory_space<semaphore_mem>>
        %dma_start3A_106 = arith.constant 0 : i32
        %dma_start3A_107 = arith.constant 0 : i32
        %dma_start3A_108 = tpu.memref_slice %arg7[%dma_start3A_106, %dma_start3A_107] : memref<40x128xi32, #tpu.memory_space<vmem>> -> memref<40x128xi32, #tpu.memory_space<vmem>>
        %dma_start3A_109 = arith.constant 0 : i32
        %dma_start3A_110 = tpu.memref_slice %arg3[%add3A_61, %dma_start3A_109] : memref<2560x128xi32, #tpu.memory_space<hbm>> -> memref<40x128xi32, #tpu.memory_space<hbm>>
        %dma_start3A_111 = arith.constant 0 : i32
        %dma_start3A_112 = arith.constant 0 : i32
        %dma_start3A_113 = tpu.memref_slice %arg7[%dma_start3A_111, %dma_start3A_112] : memref<40x128xi32, #tpu.memory_space<vmem>> -> memref<40x128xi32, #tpu.memory_space<vmem>>
        %dma_start3A_114 = arith.constant 0 : i32
        %dma_start3A_115 = tpu.memref_slice %arg3[%add3A_61, %dma_start3A_114] : memref<2560x128xi32, #tpu.memory_space<hbm>> -> memref<40x128xi32, #tpu.memory_space<hbm>>
        tpu.enqueue_dma source(%dma_start3A_115 : memref<40x128xi32, #tpu.memory_space<hbm>>) target(%dma_start3A_113 : memref<40x128xi32, #tpu.memory_space<vmem>>) target_semaphore(%run_scoped3A : memref<!tpu.dma_semaphore, #tpu.memory_space<semaphore_mem>>)
        %dma_wait3A = arith.constant 0 : i32
        %dma_wait3A_116 = arith.constant 0 : i32
        %dma_wait3A_117 = tpu.memref_slice %arg7[%dma_wait3A, %dma_wait3A_116] : memref<40x128xi32, #tpu.memory_space<vmem>> -> memref<40x128xi32, #tpu.memory_space<vmem>>
        %dma_wait3A_118 = arith.constant 0 : i32
        %dma_wait3A_119 = tpu.memref_slice %arg3[%add3A_61, %dma_wait3A_118] : memref<2560x128xi32, #tpu.memory_space<hbm>> -> memref<40x128xi32, #tpu.memory_space<hbm>>
        %dma_wait3A_120 = arith.constant 0 : i32
        %dma_wait3A_121 = arith.constant 0 : i32
        %dma_wait3A_122 = tpu.memref_slice %arg7[%dma_wait3A_120, %dma_wait3A_121] : memref<40x128xi32, #tpu.memory_space<vmem>> -> memref<40x128xi32, #tpu.memory_space<vmem>>
        %dma_wait3A_123 = arith.constant 0 : i32
        %dma_wait3A_124 = tpu.memref_slice %arg3[%add3A_61, %dma_wait3A_123] : memref<2560x128xi32, #tpu.memory_space<hbm>> -> memref<40x128xi32, #tpu.memory_space<hbm>>
        tpu.wait_dma2 semaphore(%run_scoped3A : memref<!tpu.dma_semaphore, #tpu.memory_space<semaphore_mem>>) src(%dma_wait3A_124 : memref<40x128xi32, #tpu.memory_space<hbm>>) dst(%dma_wait3A_122 : memref<40x128xi32, #tpu.memory_space<vmem>>)
        tpu.yield
      }) : () -> ()
      "tpu.region"() ({
        %run_scoped3A = tpu.sem_alloc : memref<!tpu.dma_semaphore, #tpu.memory_space<semaphore_mem>>
        %dma_start3A_106 = arith.constant 0 : i32
        %dma_start3A_107 = arith.constant 0 : i32
        %dma_start3A_108 = tpu.memref_slice %arg8[%dma_start3A_106, %dma_start3A_107] : memref<40x128xi32, #tpu.memory_space<vmem>> -> memref<40x128xi32, #tpu.memory_space<vmem>>
        %dma_start3A_109 = arith.constant 0 : i32
        %dma_start3A_110 = tpu.memref_slice %arg4[%add3A_61, %dma_start3A_109] : memref<2560x128xi32, #tpu.memory_space<hbm>> -> memref<40x128xi32, #tpu.memory_space<hbm>>
        %dma_start3A_111 = arith.constant 0 : i32
        %dma_start3A_112 = arith.constant 0 : i32
        %dma_start3A_113 = tpu.memref_slice %arg8[%dma_start3A_111, %dma_start3A_112] : memref<40x128xi32, #tpu.memory_space<vmem>> -> memref<40x128xi32, #tpu.memory_space<vmem>>
        %dma_start3A_114 = arith.constant 0 : i32
        %dma_start3A_115 = tpu.memref_slice %arg4[%add3A_61, %dma_start3A_114] : memref<2560x128xi32, #tpu.memory_space<hbm>> -> memref<40x128xi32, #tpu.memory_space<hbm>>
        tpu.enqueue_dma source(%dma_start3A_115 : memref<40x128xi32, #tpu.memory_space<hbm>>) target(%dma_start3A_113 : memref<40x128xi32, #tpu.memory_space<vmem>>) target_semaphore(%run_scoped3A : memref<!tpu.dma_semaphore, #tpu.memory_space<semaphore_mem>>)
        %dma_wait3A = arith.constant 0 : i32
        %dma_wait3A_116 = arith.constant 0 : i32
        %dma_wait3A_117 = tpu.memref_slice %arg8[%dma_wait3A, %dma_wait3A_116] : memref<40x128xi32, #tpu.memory_space<vmem>> -> memref<40x128xi32, #tpu.memory_space<vmem>>
        %dma_wait3A_118 = arith.constant 0 : i32
        %dma_wait3A_119 = tpu.memref_slice %arg4[%add3A_61, %dma_wait3A_118] : memref<2560x128xi32, #tpu.memory_space<hbm>> -> memref<40x128xi32, #tpu.memory_space<hbm>>
        %dma_wait3A_120 = arith.constant 0 : i32
        %dma_wait3A_121 = arith.constant 0 : i32
        %dma_wait3A_122 = tpu.memref_slice %arg8[%dma_wait3A_120, %dma_wait3A_121] : memref<40x128xi32, #tpu.memory_space<vmem>> -> memref<40x128xi32, #tpu.memory_space<vmem>>
        %dma_wait3A_123 = arith.constant 0 : i32
        %dma_wait3A_124 = tpu.memref_slice %arg4[%add3A_61, %dma_wait3A_123] : memref<2560x128xi32, #tpu.memory_space<hbm>> -> memref<40x128xi32, #tpu.memory_space<hbm>>
        tpu.wait_dma2 semaphore(%run_scoped3A : memref<!tpu.dma_semaphore, #tpu.memory_space<semaphore_mem>>) src(%dma_wait3A_124 : memref<40x128xi32, #tpu.memory_space<hbm>>) dst(%dma_wait3A_122 : memref<40x128xi32, #tpu.memory_space<vmem>>)
        tpu.yield
      }) : () -> ()
      %dma_start3A_62 = arith.constant 0 : i32
      %dma_start3A_63 = arith.constant 0 : i32
      %dma_start3A_64 = tpu.memref_slice %arg7[%dma_start3A_62, %dma_start3A_63] : memref<40x128xi32, #tpu.memory_space<vmem>> -> memref<1x128xi32, #tpu.memory_space<vmem>>
      %dma_start3A_65 = tpu.memref_squeeze %dma_start3A_64 : memref<1x128xi32, #tpu.memory_space<vmem>> -> memref<128xi32, #tpu.memory_space<vmem>>
      %dma_start3A_66 = arith.constant 0 : i32
      %dma_start3A_67 = arith.constant 0 : i32
      %dma_start3A_68 = tpu.memref_slice %arg2[%dma_start3A_66, %dma_start3A_67] : memref<10000x128xf32, #tpu.memory_space<hbm>> -> memref<10000x128xf32, #tpu.memory_space<hbm>>
      tpu.enqueue_indirect_dma source(%dma_start3A_68 : memref<10000x128xf32, #tpu.memory_space<hbm>>) target(%arg9 : memref<128x128xf32, #tpu.memory_space<vmem>>) offsets(%dma_start3A_65 : memref<128xi32, #tpu.memory_space<vmem>>) semaphore(%arg12 : memref<!tpu.dma_semaphore, #tpu.memory_space<semaphore_mem>>)
      %dma_start3A_69 = arith.constant 1 : i32
      %dma_start3A_70 = arith.constant 0 : i32
      %dma_start3A_71 = tpu.memref_slice %arg7[%dma_start3A_69, %dma_start3A_70] : memref<40x128xi32, #tpu.memory_space<vmem>> -> memref<1x128xi32, #tpu.memory_space<vmem>>
      %dma_start3A_72 = tpu.memref_squeeze %dma_start3A_71 : memref<1x128xi32, #tpu.memory_space<vmem>> -> memref<128xi32, #tpu.memory_space<vmem>>
      %dma_start3A_73 = arith.constant 0 : i32
      %dma_start3A_74 = arith.constant 0 : i32
      %dma_start3A_75 = tpu.memref_slice %arg2[%dma_start3A_73, %dma_start3A_74] : memref<10000x128xf32, #tpu.memory_space<hbm>> -> memref<10000x128xf32, #tpu.memory_space<hbm>>
      tpu.enqueue_indirect_dma source(%dma_start3A_75 : memref<10000x128xf32, #tpu.memory_space<hbm>>) target(%arg10 : memref<128x128xf32, #tpu.memory_space<vmem>>) offsets(%dma_start3A_72 : memref<128xi32, #tpu.memory_space<vmem>>) semaphore(%arg13 : memref<!tpu.dma_semaphore, #tpu.memory_space<semaphore_mem>>)
      %scan3A_76 = arith.constant 0 : i32
      %scan3A_77 = arith.constant 20 : i32
      %scan3A_78 = arith.addi %scan3A_76, %scan3A_77 : i32
      %scan3A_79 = arith.constant 1 : i32
      scf.for %scan3A_106 = %scan3A_76 to %scan3A_78 step %scan3A_79  : i32 {
        %mul3A_107 = arith.constant 1 : i32
        %mul3A_108 = arith.muli %scan3A_106, %mul3A_107 : i32
        %add3A_109 = arith.constant 0 : i32
        %add3A_110 = arith.addi %add3A_109, %mul3A_108 : i32
        %mul3A_111 = arith.constant 2 : i32
        %mul3A_112 = arith.muli %add3A_110, %mul3A_111 : i32
        %add3A_113 = arith.constant 0 : i32
        %add3A_114 = arith.addi %mul3A_112, %add3A_113 : i32
        %dma_wait3A = arith.constant 0 : i32
        %dma_wait3A_115 = tpu.memref_slice %arg7[%add3A_114, %dma_wait3A] : memref<40x128xi32, #tpu.memory_space<vmem>> -> memref<1x128xi32, #tpu.memory_space<vmem>>
        %dma_wait3A_116 = tpu.memref_squeeze %dma_wait3A_115 : memref<1x128xi32, #tpu.memory_space<vmem>> -> memref<128xi32, #tpu.memory_space<vmem>>
        %dma_wait3A_117 = arith.constant 0 : i32
        %dma_wait3A_118 = arith.constant 0 : i32
        %dma_wait3A_119 = tpu.memref_slice %arg2[%dma_wait3A_117, %dma_wait3A_118] : memref<10000x128xf32, #tpu.memory_space<hbm>> -> memref<10000x128xf32, #tpu.memory_space<hbm>>
        tpu.wait_indirect_dma semaphore(%arg12 : memref<!tpu.dma_semaphore, #tpu.memory_space<semaphore_mem>>) src(%dma_wait3A_119 : memref<10000x128xf32, #tpu.memory_space<hbm>>) dst(%arg9 : memref<128x128xf32, #tpu.memory_space<vmem>>)
        %add3A_120 = arith.constant 0 : i32
        %add3A_121 = arith.addi %mul3A_112, %add3A_120 : i32
        "tpu.region"() ({
          %run_scoped3A = tpu.sem_alloc : memref<!tpu.dma_semaphore, #tpu.memory_space<semaphore_mem>>
          %dma_start3A_141 = arith.constant 0 : i32
          %dma_start3A_142 = tpu.memref_slice %arg8[%add3A_121, %dma_start3A_141] : memref<40x128xi32, #tpu.memory_space<vmem>> -> memref<1x128xi32, #tpu.memory_space<vmem>>
          %dma_start3A_143 = tpu.memref_squeeze %dma_start3A_142 : memref<1x128xi32, #tpu.memory_space<vmem>> -> memref<128xi32, #tpu.memory_space<vmem>>
          %dma_start3A_144 = arith.constant 0 : i32
          %dma_start3A_145 = arith.constant 0 : i32
          %dma_start3A_146 = tpu.memref_slice %arg11[%dma_start3A_144, %dma_start3A_145] : memref<10112x128xf32, #tpu.memory_space<vmem_shared>> -> memref<10112x128xf32, #tpu.memory_space<vmem_shared>>
          tpu.enqueue_indirect_dma source(%arg9 : memref<128x128xf32, #tpu.memory_space<vmem>>) target(%dma_start3A_146 : memref<10112x128xf32, #tpu.memory_space<vmem_shared>>) offsets(%dma_start3A_143 : memref<128xi32, #tpu.memory_space<vmem>>) semaphore(%run_scoped3A : memref<!tpu.dma_semaphore, #tpu.memory_space<semaphore_mem>>) {add = true}
          %dma_wait3A_147 = arith.constant 0 : i32
          %dma_wait3A_148 = tpu.memref_slice %arg8[%add3A_121, %dma_wait3A_147] : memref<40x128xi32, #tpu.memory_space<vmem>> -> memref<1x128xi32, #tpu.memory_space<vmem>>
          %dma_wait3A_149 = tpu.memref_squeeze %dma_wait3A_148 : memref<1x128xi32, #tpu.memory_space<vmem>> -> memref<128xi32, #tpu.memory_space<vmem>>
          %dma_wait3A_150 = arith.constant 0 : i32
          %dma_wait3A_151 = arith.constant 0 : i32
          %dma_wait3A_152 = tpu.memref_slice %arg11[%dma_wait3A_150, %dma_wait3A_151] : memref<10112x128xf32, #tpu.memory_space<vmem_shared>> -> memref<10112x128xf32, #tpu.memory_space<vmem_shared>>
          tpu.wait_indirect_dma semaphore(%run_scoped3A : memref<!tpu.dma_semaphore, #tpu.memory_space<semaphore_mem>>) src(%arg9 : memref<128x128xf32, #tpu.memory_space<vmem>>) dst(%dma_wait3A_152 : memref<10112x128xf32, #tpu.memory_space<vmem_shared>>)
          tpu.yield
        }) : () -> ()
        %lt3A = arith.constant 19 : i32
        %lt3A_122 = arith.cmpi slt, %add3A_110, %lt3A : i32
        %convert_element_type3A_123 = arith.extui %lt3A_122 : i1 to i32
        %cond3A_124 = arith.constant 0 : i32
        %cond3A_125 = arith.cmpi ne, %convert_element_type3A_123, %cond3A_124 : i32
        scf.if %cond3A_125 {
          %add3A_141 = arith.constant 2 : i32
          %add3A_142 = arith.addi %mul3A_112, %add3A_141 : i32
          %add3A_143 = arith.constant 0 : i32
          %add3A_144 = arith.addi %add3A_142, %add3A_143 : i32
          %dma_start3A_145 = arith.constant 0 : i32
          %dma_start3A_146 = tpu.memref_slice %arg7[%add3A_144, %dma_start3A_145] : memref<40x128xi32, #tpu.memory_space<vmem>> -> memref<1x128xi32, #tpu.memory_space<vmem>>
          %dma_start3A_147 = tpu.memref_squeeze %dma_start3A_146 : memref<1x128xi32, #tpu.memory_space<vmem>> -> memref<128xi32, #tpu.memory_space<vmem>>
          %dma_start3A_148 = arith.constant 0 : i32
          %dma_start3A_149 = arith.constant 0 : i32
          %dma_start3A_150 = tpu.memref_slice %arg2[%dma_start3A_148, %dma_start3A_149] : memref<10000x128xf32, #tpu.memory_space<hbm>> -> memref<10000x128xf32, #tpu.memory_space<hbm>>
          tpu.enqueue_indirect_dma source(%dma_start3A_150 : memref<10000x128xf32, #tpu.memory_space<hbm>>) target(%arg9 : memref<128x128xf32, #tpu.memory_space<vmem>>) offsets(%dma_start3A_147 : memref<128xi32, #tpu.memory_space<vmem>>) semaphore(%arg12 : memref<!tpu.dma_semaphore, #tpu.memory_space<semaphore_mem>>)
        } else {
        }
        %add3A_126 = arith.constant 1 : i32
        %add3A_127 = arith.addi %mul3A_112, %add3A_126 : i32
        %dma_wait3A_128 = arith.constant 0 : i32
        %dma_wait3A_129 = tpu.memref_slice %arg7[%add3A_127, %dma_wait3A_128] : memref<40x128xi32, #tpu.memory_space<vmem>> -> memref<1x128xi32, #tpu.memory_space<vmem>>
        %dma_wait3A_130 = tpu.memref_squeeze %dma_wait3A_129 : memref<1x128xi32, #tpu.memory_space<vmem>> -> memref<128xi32, #tpu.memory_space<vmem>>
        %dma_wait3A_131 = arith.constant 0 : i32
        %dma_wait3A_132 = arith.constant 0 : i32
        %dma_wait3A_133 = tpu.memref_slice %arg2[%dma_wait3A_131, %dma_wait3A_132] : memref<10000x128xf32, #tpu.memory_space<hbm>> -> memref<10000x128xf32, #tpu.memory_space<hbm>>
        tpu.wait_indirect_dma semaphore(%arg13 : memref<!tpu.dma_semaphore, #tpu.memory_space<semaphore_mem>>) src(%dma_wait3A_133 : memref<10000x128xf32, #tpu.memory_space<hbm>>) dst(%arg10 : memref<128x128xf32, #tpu.memory_space<vmem>>)
        %add3A_134 = arith.constant 1 : i32
        %add3A_135 = arith.addi %mul3A_112, %add3A_134 : i32
        "tpu.region"() ({
          %run_scoped3A = tpu.sem_alloc : memref<!tpu.dma_semaphore, #tpu.memory_space<semaphore_mem>>
          %dma_start3A_141 = arith.constant 0 : i32
          %dma_start3A_142 = tpu.memref_slice %arg8[%add3A_135, %dma_start3A_141] : memref<40x128xi32, #tpu.memory_space<vmem>> -> memref<1x128xi32, #tpu.memory_space<vmem>>
          %dma_start3A_143 = tpu.memref_squeeze %dma_start3A_142 : memref<1x128xi32, #tpu.memory_space<vmem>> -> memref<128xi32, #tpu.memory_space<vmem>>
          %dma_start3A_144 = arith.constant 0 : i32
          %dma_start3A_145 = arith.constant 0 : i32
          %dma_start3A_146 = tpu.memref_slice %arg11[%dma_start3A_144, %dma_start3A_145] : memref<10112x128xf32, #tpu.memory_space<vmem_shared>> -> memref<10112x128xf32, #tpu.memory_space<vmem_shared>>
          tpu.enqueue_indirect_dma source(%arg10 : memref<128x128xf32, #tpu.memory_space<vmem>>) target(%dma_start3A_146 : memref<10112x128xf32, #tpu.memory_space<vmem_shared>>) offsets(%dma_start3A_143 : memref<128xi32, #tpu.memory_space<vmem>>) semaphore(%run_scoped3A : memref<!tpu.dma_semaphore, #tpu.memory_space<semaphore_mem>>) {add = true}
          %dma_wait3A_147 = arith.constant 0 : i32
          %dma_wait3A_148 = tpu.memref_slice %arg8[%add3A_135, %dma_wait3A_147] : memref<40x128xi32, #tpu.memory_space<vmem>> -> memref<1x128xi32, #tpu.memory_space<vmem>>
          %dma_wait3A_149 = tpu.memref_squeeze %dma_wait3A_148 : memref<1x128xi32, #tpu.memory_space<vmem>> -> memref<128xi32, #tpu.memory_space<vmem>>
          %dma_wait3A_150 = arith.constant 0 : i32
          %dma_wait3A_151 = arith.constant 0 : i32
          %dma_wait3A_152 = tpu.memref_slice %arg11[%dma_wait3A_150, %dma_wait3A_151] : memref<10112x128xf32, #tpu.memory_space<vmem_shared>> -> memref<10112x128xf32, #tpu.memory_space<vmem_shared>>
          tpu.wait_indirect_dma semaphore(%run_scoped3A : memref<!tpu.dma_semaphore, #tpu.memory_space<semaphore_mem>>) src(%arg10 : memref<128x128xf32, #tpu.memory_space<vmem>>) dst(%dma_wait3A_152 : memref<10112x128xf32, #tpu.memory_space<vmem_shared>>)
          tpu.yield
        }) : () -> ()
        %lt3A_136 = arith.constant 19 : i32
        %lt3A_137 = arith.cmpi slt, %add3A_110, %lt3A_136 : i32
        %convert_element_type3A_138 = arith.extui %lt3A_137 : i1 to i32
        %cond3A_139 = arith.constant 0 : i32
        %cond3A_140 = arith.cmpi ne, %convert_element_type3A_138, %cond3A_139 : i32
        scf.if %cond3A_140 {
          %add3A_141 = arith.constant 2 : i32
          %add3A_142 = arith.addi %mul3A_112, %add3A_141 : i32
          %add3A_143 = arith.constant 1 : i32
          %add3A_144 = arith.addi %add3A_142, %add3A_143 : i32
          %dma_start3A_145 = arith.constant 0 : i32
          %dma_start3A_146 = tpu.memref_slice %arg7[%add3A_144, %dma_start3A_145] : memref<40x128xi32, #tpu.memory_space<vmem>> -> memref<1x128xi32, #tpu.memory_space<vmem>>
          %dma_start3A_147 = tpu.memref_squeeze %dma_start3A_146 : memref<1x128xi32, #tpu.memory_space<vmem>> -> memref<128xi32, #tpu.memory_space<vmem>>
          %dma_start3A_148 = arith.constant 0 : i32
          %dma_start3A_149 = arith.constant 0 : i32
          %dma_start3A_150 = tpu.memref_slice %arg2[%dma_start3A_148, %dma_start3A_149] : memref<10000x128xf32, #tpu.memory_space<hbm>> -> memref<10000x128xf32, #tpu.memory_space<hbm>>
          tpu.enqueue_indirect_dma source(%dma_start3A_150 : memref<10000x128xf32, #tpu.memory_space<hbm>>) target(%arg10 : memref<128x128xf32, #tpu.memory_space<vmem>>) offsets(%dma_start3A_147 : memref<128xi32, #tpu.memory_space<vmem>>) semaphore(%arg13 : memref<!tpu.dma_semaphore, #tpu.memory_space<semaphore_mem>>)
        } else {
        }
      }
      %scan3A_80 = arith.constant 20 : i32
      %mul3A_81 = arith.constant 160 : i32
      %mul3A_82 = arith.muli %arg1, %mul3A_81 : i32
      %add3A_83 = arith.constant 0 : i32
      %add3A_84 = arith.addi %add3A_83, %mul3A_82 : i32
      %add3A_85 = arith.constant 120 : i32
      %add3A_86 = arith.addi %add3A_84, %add3A_85 : i32
      "tpu.region"() ({
        %run_scoped3A = tpu.sem_alloc : memref<!tpu.dma_semaphore, #tpu.memory_space<semaphore_mem>>
        %dma_start3A_106 = arith.constant 0 : i32
        %dma_start3A_107 = arith.constant 0 : i32
        %dma_start3A_108 = tpu.memref_slice %arg7[%dma_start3A_106, %dma_start3A_107] : memref<40x128xi32, #tpu.memory_space<vmem>> -> memref<40x128xi32, #tpu.memory_space<vmem>>
        %dma_start3A_109 = arith.constant 0 : i32
        %dma_start3A_110 = tpu.memref_slice %arg3[%add3A_86, %dma_start3A_109] : memref<2560x128xi32, #tpu.memory_space<hbm>> -> memref<40x128xi32, #tpu.memory_space<hbm>>
        %dma_start3A_111 = arith.constant 0 : i32
        %dma_start3A_112 = arith.constant 0 : i32
        %dma_start3A_113 = tpu.memref_slice %arg7[%dma_start3A_111, %dma_start3A_112] : memref<40x128xi32, #tpu.memory_space<vmem>> -> memref<40x128xi32, #tpu.memory_space<vmem>>
        %dma_start3A_114 = arith.constant 0 : i32
        %dma_start3A_115 = tpu.memref_slice %arg3[%add3A_86, %dma_start3A_114] : memref<2560x128xi32, #tpu.memory_space<hbm>> -> memref<40x128xi32, #tpu.memory_space<hbm>>
        tpu.enqueue_dma source(%dma_start3A_115 : memref<40x128xi32, #tpu.memory_space<hbm>>) target(%dma_start3A_113 : memref<40x128xi32, #tpu.memory_space<vmem>>) target_semaphore(%run_scoped3A : memref<!tpu.dma_semaphore, #tpu.memory_space<semaphore_mem>>)
        %dma_wait3A = arith.constant 0 : i32
        %dma_wait3A_116 = arith.constant 0 : i32
        %dma_wait3A_117 = tpu.memref_slice %arg7[%dma_wait3A, %dma_wait3A_116] : memref<40x128xi32, #tpu.memory_space<vmem>> -> memref<40x128xi32, #tpu.memory_space<vmem>>
        %dma_wait3A_118 = arith.constant 0 : i32
        %dma_wait3A_119 = tpu.memref_slice %arg3[%add3A_86, %dma_wait3A_118] : memref<2560x128xi32, #tpu.memory_space<hbm>> -> memref<40x128xi32, #tpu.memory_space<hbm>>
        %dma_wait3A_120 = arith.constant 0 : i32
        %dma_wait3A_121 = arith.constant 0 : i32
        %dma_wait3A_122 = tpu.memref_slice %arg7[%dma_wait3A_120, %dma_wait3A_121] : memref<40x128xi32, #tpu.memory_space<vmem>> -> memref<40x128xi32, #tpu.memory_space<vmem>>
        %dma_wait3A_123 = arith.constant 0 : i32
        %dma_wait3A_124 = tpu.memref_slice %arg3[%add3A_86, %dma_wait3A_123] : memref<2560x128xi32, #tpu.memory_space<hbm>> -> memref<40x128xi32, #tpu.memory_space<hbm>>
        tpu.wait_dma2 semaphore(%run_scoped3A : memref<!tpu.dma_semaphore, #tpu.memory_space<semaphore_mem>>) src(%dma_wait3A_124 : memref<40x128xi32, #tpu.memory_space<hbm>>) dst(%dma_wait3A_122 : memref<40x128xi32, #tpu.memory_space<vmem>>)
        tpu.yield
      }) : () -> ()
      "tpu.region"() ({
        %run_scoped3A = tpu.sem_alloc : memref<!tpu.dma_semaphore, #tpu.memory_space<semaphore_mem>>
        %dma_start3A_106 = arith.constant 0 : i32
        %dma_start3A_107 = arith.constant 0 : i32
        %dma_start3A_108 = tpu.memref_slice %arg8[%dma_start3A_106, %dma_start3A_107] : memref<40x128xi32, #tpu.memory_space<vmem>> -> memref<40x128xi32, #tpu.memory_space<vmem>>
        %dma_start3A_109 = arith.constant 0 : i32
        %dma_start3A_110 = tpu.memref_slice %arg4[%add3A_86, %dma_start3A_109] : memref<2560x128xi32, #tpu.memory_space<hbm>> -> memref<40x128xi32, #tpu.memory_space<hbm>>
        %dma_start3A_111 = arith.constant 0 : i32
        %dma_start3A_112 = arith.constant 0 : i32
        %dma_start3A_113 = tpu.memref_slice %arg8[%dma_start3A_111, %dma_start3A_112] : memref<40x128xi32, #tpu.memory_space<vmem>> -> memref<40x128xi32, #tpu.memory_space<vmem>>
        %dma_start3A_114 = arith.constant 0 : i32
        %dma_start3A_115 = tpu.memref_slice %arg4[%add3A_86, %dma_start3A_114] : memref<2560x128xi32, #tpu.memory_space<hbm>> -> memref<40x128xi32, #tpu.memory_space<hbm>>
        tpu.enqueue_dma source(%dma_start3A_115 : memref<40x128xi32, #tpu.memory_space<hbm>>) target(%dma_start3A_113 : memref<40x128xi32, #tpu.memory_space<vmem>>) target_semaphore(%run_scoped3A : memref<!tpu.dma_semaphore, #tpu.memory_space<semaphore_mem>>)
        %dma_wait3A = arith.constant 0 : i32
        %dma_wait3A_116 = arith.constant 0 : i32
        %dma_wait3A_117 = tpu.memref_slice %arg8[%dma_wait3A, %dma_wait3A_116] : memref<40x128xi32, #tpu.memory_space<vmem>> -> memref<40x128xi32, #tpu.memory_space<vmem>>
        %dma_wait3A_118 = arith.constant 0 : i32
        %dma_wait3A_119 = tpu.memref_slice %arg4[%add3A_86, %dma_wait3A_118] : memref<2560x128xi32, #tpu.memory_space<hbm>> -> memref<40x128xi32, #tpu.memory_space<hbm>>
        %dma_wait3A_120 = arith.constant 0 : i32
        %dma_wait3A_121 = arith.constant 0 : i32
        %dma_wait3A_122 = tpu.memref_slice %arg8[%dma_wait3A_120, %dma_wait3A_121] : memref<40x128xi32, #tpu.memory_space<vmem>> -> memref<40x128xi32, #tpu.memory_space<vmem>>
        %dma_wait3A_123 = arith.constant 0 : i32
        %dma_wait3A_124 = tpu.memref_slice %arg4[%add3A_86, %dma_wait3A_123] : memref<2560x128xi32, #tpu.memory_space<hbm>> -> memref<40x128xi32, #tpu.memory_space<hbm>>
        tpu.wait_dma2 semaphore(%run_scoped3A : memref<!tpu.dma_semaphore, #tpu.memory_space<semaphore_mem>>) src(%dma_wait3A_124 : memref<40x128xi32, #tpu.memory_space<hbm>>) dst(%dma_wait3A_122 : memref<40x128xi32, #tpu.memory_space<vmem>>)
        tpu.yield
      }) : () -> ()
      %dma_start3A_87 = arith.constant 0 : i32
      %dma_start3A_88 = arith.constant 0 : i32
      %dma_start3A_89 = tpu.memref_slice %arg7[%dma_start3A_87, %dma_start3A_88] : memref<40x128xi32, #tpu.memory_space<vmem>> -> memref<1x128xi32, #tpu.memory_space<vmem>>
      %dma_start3A_90 = tpu.memref_squeeze %dma_start3A_89 : memref<1x128xi32, #tpu.memory_space<vmem>> -> memref<128xi32, #tpu.memory_space<vmem>>
      %dma_start3A_91 = arith.constant 0 : i32
      %dma_start3A_92 = arith.constant 0 : i32
      %dma_start3A_93 = tpu.memref_slice %arg2[%dma_start3A_91, %dma_start3A_92] : memref<10000x128xf32, #tpu.memory_space<hbm>> -> memref<10000x128xf32, #tpu.memory_space<hbm>>
      tpu.enqueue_indirect_dma source(%dma_start3A_93 : memref<10000x128xf32, #tpu.memory_space<hbm>>) target(%arg9 : memref<128x128xf32, #tpu.memory_space<vmem>>) offsets(%dma_start3A_90 : memref<128xi32, #tpu.memory_space<vmem>>) semaphore(%arg12 : memref<!tpu.dma_semaphore, #tpu.memory_space<semaphore_mem>>)
      %dma_start3A_94 = arith.constant 1 : i32
      %dma_start3A_95 = arith.constant 0 : i32
      %dma_start3A_96 = tpu.memref_slice %arg7[%dma_start3A_94, %dma_start3A_95] : memref<40x128xi32, #tpu.memory_space<vmem>> -> memref<1x128xi32, #tpu.memory_space<vmem>>
      %dma_start3A_97 = tpu.memref_squeeze %dma_start3A_96 : memref<1x128xi32, #tpu.memory_space<vmem>> -> memref<128xi32, #tpu.memory_space<vmem>>
      %dma_start3A_98 = arith.constant 0 : i32
      %dma_start3A_99 = arith.constant 0 : i32
      %dma_start3A_100 = tpu.memref_slice %arg2[%dma_start3A_98, %dma_start3A_99] : memref<10000x128xf32, #tpu.memory_space<hbm>> -> memref<10000x128xf32, #tpu.memory_space<hbm>>
      tpu.enqueue_indirect_dma source(%dma_start3A_100 : memref<10000x128xf32, #tpu.memory_space<hbm>>) target(%arg10 : memref<128x128xf32, #tpu.memory_space<vmem>>) offsets(%dma_start3A_97 : memref<128xi32, #tpu.memory_space<vmem>>) semaphore(%arg13 : memref<!tpu.dma_semaphore, #tpu.memory_space<semaphore_mem>>)
      %scan3A_101 = arith.constant 0 : i32
      %scan3A_102 = arith.constant 20 : i32
      %scan3A_103 = arith.addi %scan3A_101, %scan3A_102 : i32
      %scan3A_104 = arith.constant 1 : i32
      scf.for %scan3A_106 = %scan3A_101 to %scan3A_103 step %scan3A_104  : i32 {
        %mul3A_107 = arith.constant 1 : i32
        %mul3A_108 = arith.muli %scan3A_106, %mul3A_107 : i32
        %add3A_109 = arith.constant 0 : i32
        %add3A_110 = arith.addi %add3A_109, %mul3A_108 : i32
        %mul3A_111 = arith.constant 2 : i32
        %mul3A_112 = arith.muli %add3A_110, %mul3A_111 : i32
        %add3A_113 = arith.constant 0 : i32
        %add3A_114 = arith.addi %mul3A_112, %add3A_113 : i32
        %dma_wait3A = arith.constant 0 : i32
        %dma_wait3A_115 = tpu.memref_slice %arg7[%add3A_114, %dma_wait3A] : memref<40x128xi32, #tpu.memory_space<vmem>> -> memref<1x128xi32, #tpu.memory_space<vmem>>
        %dma_wait3A_116 = tpu.memref_squeeze %dma_wait3A_115 : memref<1x128xi32, #tpu.memory_space<vmem>> -> memref<128xi32, #tpu.memory_space<vmem>>
        %dma_wait3A_117 = arith.constant 0 : i32
        %dma_wait3A_118 = arith.constant 0 : i32
        %dma_wait3A_119 = tpu.memref_slice %arg2[%dma_wait3A_117, %dma_wait3A_118] : memref<10000x128xf32, #tpu.memory_space<hbm>> -> memref<10000x128xf32, #tpu.memory_space<hbm>>
        tpu.wait_indirect_dma semaphore(%arg12 : memref<!tpu.dma_semaphore, #tpu.memory_space<semaphore_mem>>) src(%dma_wait3A_119 : memref<10000x128xf32, #tpu.memory_space<hbm>>) dst(%arg9 : memref<128x128xf32, #tpu.memory_space<vmem>>)
        %add3A_120 = arith.constant 0 : i32
        %add3A_121 = arith.addi %mul3A_112, %add3A_120 : i32
        "tpu.region"() ({
          %run_scoped3A = tpu.sem_alloc : memref<!tpu.dma_semaphore, #tpu.memory_space<semaphore_mem>>
          %dma_start3A_141 = arith.constant 0 : i32
          %dma_start3A_142 = tpu.memref_slice %arg8[%add3A_121, %dma_start3A_141] : memref<40x128xi32, #tpu.memory_space<vmem>> -> memref<1x128xi32, #tpu.memory_space<vmem>>
          %dma_start3A_143 = tpu.memref_squeeze %dma_start3A_142 : memref<1x128xi32, #tpu.memory_space<vmem>> -> memref<128xi32, #tpu.memory_space<vmem>>
          %dma_start3A_144 = arith.constant 0 : i32
          %dma_start3A_145 = arith.constant 0 : i32
          %dma_start3A_146 = tpu.memref_slice %arg11[%dma_start3A_144, %dma_start3A_145] : memref<10112x128xf32, #tpu.memory_space<vmem_shared>> -> memref<10112x128xf32, #tpu.memory_space<vmem_shared>>
          tpu.enqueue_indirect_dma source(%arg9 : memref<128x128xf32, #tpu.memory_space<vmem>>) target(%dma_start3A_146 : memref<10112x128xf32, #tpu.memory_space<vmem_shared>>) offsets(%dma_start3A_143 : memref<128xi32, #tpu.memory_space<vmem>>) semaphore(%run_scoped3A : memref<!tpu.dma_semaphore, #tpu.memory_space<semaphore_mem>>) {add = true}
          %dma_wait3A_147 = arith.constant 0 : i32
          %dma_wait3A_148 = tpu.memref_slice %arg8[%add3A_121, %dma_wait3A_147] : memref<40x128xi32, #tpu.memory_space<vmem>> -> memref<1x128xi32, #tpu.memory_space<vmem>>
          %dma_wait3A_149 = tpu.memref_squeeze %dma_wait3A_148 : memref<1x128xi32, #tpu.memory_space<vmem>> -> memref<128xi32, #tpu.memory_space<vmem>>
          %dma_wait3A_150 = arith.constant 0 : i32
          %dma_wait3A_151 = arith.constant 0 : i32
          %dma_wait3A_152 = tpu.memref_slice %arg11[%dma_wait3A_150, %dma_wait3A_151] : memref<10112x128xf32, #tpu.memory_space<vmem_shared>> -> memref<10112x128xf32, #tpu.memory_space<vmem_shared>>
          tpu.wait_indirect_dma semaphore(%run_scoped3A : memref<!tpu.dma_semaphore, #tpu.memory_space<semaphore_mem>>) src(%arg9 : memref<128x128xf32, #tpu.memory_space<vmem>>) dst(%dma_wait3A_152 : memref<10112x128xf32, #tpu.memory_space<vmem_shared>>)
          tpu.yield
        }) : () -> ()
        %lt3A = arith.constant 19 : i32
        %lt3A_122 = arith.cmpi slt, %add3A_110, %lt3A : i32
        %convert_element_type3A_123 = arith.extui %lt3A_122 : i1 to i32
        %cond3A_124 = arith.constant 0 : i32
        %cond3A_125 = arith.cmpi ne, %convert_element_type3A_123, %cond3A_124 : i32
        scf.if %cond3A_125 {
          %add3A_141 = arith.constant 2 : i32
          %add3A_142 = arith.addi %mul3A_112, %add3A_141 : i32
          %add3A_143 = arith.constant 0 : i32
          %add3A_144 = arith.addi %add3A_142, %add3A_143 : i32
          %dma_start3A_145 = arith.constant 0 : i32
          %dma_start3A_146 = tpu.memref_slice %arg7[%add3A_144, %dma_start3A_145] : memref<40x128xi32, #tpu.memory_space<vmem>> -> memref<1x128xi32, #tpu.memory_space<vmem>>
          %dma_start3A_147 = tpu.memref_squeeze %dma_start3A_146 : memref<1x128xi32, #tpu.memory_space<vmem>> -> memref<128xi32, #tpu.memory_space<vmem>>
          %dma_start3A_148 = arith.constant 0 : i32
          %dma_start3A_149 = arith.constant 0 : i32
          %dma_start3A_150 = tpu.memref_slice %arg2[%dma_start3A_148, %dma_start3A_149] : memref<10000x128xf32, #tpu.memory_space<hbm>> -> memref<10000x128xf32, #tpu.memory_space<hbm>>
          tpu.enqueue_indirect_dma source(%dma_start3A_150 : memref<10000x128xf32, #tpu.memory_space<hbm>>) target(%arg9 : memref<128x128xf32, #tpu.memory_space<vmem>>) offsets(%dma_start3A_147 : memref<128xi32, #tpu.memory_space<vmem>>) semaphore(%arg12 : memref<!tpu.dma_semaphore, #tpu.memory_space<semaphore_mem>>)
        } else {
        }
        %add3A_126 = arith.constant 1 : i32
        %add3A_127 = arith.addi %mul3A_112, %add3A_126 : i32
        %dma_wait3A_128 = arith.constant 0 : i32
        %dma_wait3A_129 = tpu.memref_slice %arg7[%add3A_127, %dma_wait3A_128] : memref<40x128xi32, #tpu.memory_space<vmem>> -> memref<1x128xi32, #tpu.memory_space<vmem>>
        %dma_wait3A_130 = tpu.memref_squeeze %dma_wait3A_129 : memref<1x128xi32, #tpu.memory_space<vmem>> -> memref<128xi32, #tpu.memory_space<vmem>>
        %dma_wait3A_131 = arith.constant 0 : i32
        %dma_wait3A_132 = arith.constant 0 : i32
        %dma_wait3A_133 = tpu.memref_slice %arg2[%dma_wait3A_131, %dma_wait3A_132] : memref<10000x128xf32, #tpu.memory_space<hbm>> -> memref<10000x128xf32, #tpu.memory_space<hbm>>
        tpu.wait_indirect_dma semaphore(%arg13 : memref<!tpu.dma_semaphore, #tpu.memory_space<semaphore_mem>>) src(%dma_wait3A_133 : memref<10000x128xf32, #tpu.memory_space<hbm>>) dst(%arg10 : memref<128x128xf32, #tpu.memory_space<vmem>>)
        %add3A_134 = arith.constant 1 : i32
        %add3A_135 = arith.addi %mul3A_112, %add3A_134 : i32
        "tpu.region"() ({
          %run_scoped3A = tpu.sem_alloc : memref<!tpu.dma_semaphore, #tpu.memory_space<semaphore_mem>>
          %dma_start3A_141 = arith.constant 0 : i32
          %dma_start3A_142 = tpu.memref_slice %arg8[%add3A_135, %dma_start3A_141] : memref<40x128xi32, #tpu.memory_space<vmem>> -> memref<1x128xi32, #tpu.memory_space<vmem>>
          %dma_start3A_143 = tpu.memref_squeeze %dma_start3A_142 : memref<1x128xi32, #tpu.memory_space<vmem>> -> memref<128xi32, #tpu.memory_space<vmem>>
          %dma_start3A_144 = arith.constant 0 : i32
          %dma_start3A_145 = arith.constant 0 : i32
          %dma_start3A_146 = tpu.memref_slice %arg11[%dma_start3A_144, %dma_start3A_145] : memref<10112x128xf32, #tpu.memory_space<vmem_shared>> -> memref<10112x128xf32, #tpu.memory_space<vmem_shared>>
          tpu.enqueue_indirect_dma source(%arg10 : memref<128x128xf32, #tpu.memory_space<vmem>>) target(%dma_start3A_146 : memref<10112x128xf32, #tpu.memory_space<vmem_shared>>) offsets(%dma_start3A_143 : memref<128xi32, #tpu.memory_space<vmem>>) semaphore(%run_scoped3A : memref<!tpu.dma_semaphore, #tpu.memory_space<semaphore_mem>>) {add = true}
          %dma_wait3A_147 = arith.constant 0 : i32
          %dma_wait3A_148 = tpu.memref_slice %arg8[%add3A_135, %dma_wait3A_147] : memref<40x128xi32, #tpu.memory_space<vmem>> -> memref<1x128xi32, #tpu.memory_space<vmem>>
          %dma_wait3A_149 = tpu.memref_squeeze %dma_wait3A_148 : memref<1x128xi32, #tpu.memory_space<vmem>> -> memref<128xi32, #tpu.memory_space<vmem>>
          %dma_wait3A_150 = arith.constant 0 : i32
          %dma_wait3A_151 = arith.constant 0 : i32
          %dma_wait3A_152 = tpu.memref_slice %arg11[%dma_wait3A_150, %dma_wait3A_151] : memref<10112x128xf32, #tpu.memory_space<vmem_shared>> -> memref<10112x128xf32, #tpu.memory_space<vmem_shared>>
          tpu.wait_indirect_dma semaphore(%run_scoped3A : memref<!tpu.dma_semaphore, #tpu.memory_space<semaphore_mem>>) src(%arg10 : memref<128x128xf32, #tpu.memory_space<vmem>>) dst(%dma_wait3A_152 : memref<10112x128xf32, #tpu.memory_space<vmem_shared>>)
          tpu.yield
        }) : () -> ()
        %lt3A_136 = arith.constant 19 : i32
        %lt3A_137 = arith.cmpi slt, %add3A_110, %lt3A_136 : i32
        %convert_element_type3A_138 = arith.extui %lt3A_137 : i1 to i32
        %cond3A_139 = arith.constant 0 : i32
        %cond3A_140 = arith.cmpi ne, %convert_element_type3A_138, %cond3A_139 : i32
        scf.if %cond3A_140 {
          %add3A_141 = arith.constant 2 : i32
          %add3A_142 = arith.addi %mul3A_112, %add3A_141 : i32
          %add3A_143 = arith.constant 1 : i32
          %add3A_144 = arith.addi %add3A_142, %add3A_143 : i32
          %dma_start3A_145 = arith.constant 0 : i32
          %dma_start3A_146 = tpu.memref_slice %arg7[%add3A_144, %dma_start3A_145] : memref<40x128xi32, #tpu.memory_space<vmem>> -> memref<1x128xi32, #tpu.memory_space<vmem>>
          %dma_start3A_147 = tpu.memref_squeeze %dma_start3A_146 : memref<1x128xi32, #tpu.memory_space<vmem>> -> memref<128xi32, #tpu.memory_space<vmem>>
          %dma_start3A_148 = arith.constant 0 : i32
          %dma_start3A_149 = arith.constant 0 : i32
          %dma_start3A_150 = tpu.memref_slice %arg2[%dma_start3A_148, %dma_start3A_149] : memref<10000x128xf32, #tpu.memory_space<hbm>> -> memref<10000x128xf32, #tpu.memory_space<hbm>>
          tpu.enqueue_indirect_dma source(%dma_start3A_150 : memref<10000x128xf32, #tpu.memory_space<hbm>>) target(%arg10 : memref<128x128xf32, #tpu.memory_space<vmem>>) offsets(%dma_start3A_147 : memref<128xi32, #tpu.memory_space<vmem>>) semaphore(%arg13 : memref<!tpu.dma_semaphore, #tpu.memory_space<semaphore_mem>>)
        } else {
        }
      }
      %scan3A_105 = arith.constant 20 : i32
    } else {
    }
    %eq3A_3 = arith.constant 1 : i32
    %eq3A_4 = arith.cmpi eq, %arg0, %eq3A_3 : i32
    %convert_element_type3A_5 = arith.extui %eq3A_4 : i1 to i32
    %cond3A_6 = arith.constant 0 : i32
    %cond3A_7 = arith.cmpi ne, %convert_element_type3A_5, %cond3A_6 : i32
    scf.if %cond3A_7 {
    } else {
    }
    %barrier3A_8 = arith.constant 0 : index
    tpu.barrier barrier_id(%barrier3A_8)
    "tpu.region"() ({
      %run_scoped3A = tpu.sem_alloc : memref<!tpu.dma_semaphore, #tpu.memory_space<semaphore_mem>>
      %dma_start3A = arith.constant 0 : i32
      %dma_start3A_9 = arith.constant 0 : i32
      %dma_start3A_10 = tpu.memref_slice %arg6[%arg0, %dma_start3A, %dma_start3A_9] : memref<2x10112x128xf32, #tpu.memory_space<hbm>> -> memref<1x10112x128xf32, #tpu.memory_space<hbm>>
      %dma_start3A_11 = tpu.memref_squeeze %dma_start3A_10 : memref<1x10112x128xf32, #tpu.memory_space<hbm>> -> memref<10112x128xf32, #tpu.memory_space<hbm>>
      %dma_start3A_12 = arith.constant 0 : i32
      %dma_start3A_13 = tpu.memref_slice %dma_start3A_11[%mul3A_0, %dma_start3A_12] : memref<10112x128xf32, #tpu.memory_space<hbm>> -> memref<632x128xf32, #tpu.memory_space<hbm>>
      %dma_start3A_14 = arith.constant 0 : i32
      %dma_start3A_15 = tpu.memref_slice %arg11[%mul3A_0, %dma_start3A_14] : memref<10112x128xf32, #tpu.memory_space<vmem_shared>> -> memref<632x128xf32, #tpu.memory_space<vmem_shared>>
      tpu.enqueue_dma source(%dma_start3A_15 : memref<632x128xf32, #tpu.memory_space<vmem_shared>>) target(%dma_start3A_13 : memref<632x128xf32, #tpu.memory_space<hbm>>) target_semaphore(%run_scoped3A : memref<!tpu.dma_semaphore, #tpu.memory_space<semaphore_mem>>)
      %dma_wait3A = arith.constant 0 : i32
      %dma_wait3A_16 = arith.constant 0 : i32
      %dma_wait3A_17 = tpu.memref_slice %arg6[%arg0, %dma_wait3A, %dma_wait3A_16] : memref<2x10112x128xf32, #tpu.memory_space<hbm>> -> memref<1x10112x128xf32, #tpu.memory_space<hbm>>
      %dma_wait3A_18 = tpu.memref_squeeze %dma_wait3A_17 : memref<1x10112x128xf32, #tpu.memory_space<hbm>> -> memref<10112x128xf32, #tpu.memory_space<hbm>>
      %dma_wait3A_19 = arith.constant 0 : i32
      %dma_wait3A_20 = tpu.memref_slice %dma_wait3A_18[%mul3A_0, %dma_wait3A_19] : memref<10112x128xf32, #tpu.memory_space<hbm>> -> memref<632x128xf32, #tpu.memory_space<hbm>>
      %dma_wait3A_21 = arith.constant 0 : i32
      %dma_wait3A_22 = tpu.memref_slice %arg11[%mul3A_0, %dma_wait3A_21] : memref<10112x128xf32, #tpu.memory_space<vmem_shared>> -> memref<632x128xf32, #tpu.memory_space<vmem_shared>>
      tpu.wait_dma2 semaphore(%run_scoped3A : memref<!tpu.dma_semaphore, #tpu.memory_space<semaphore_mem>>) src(%dma_wait3A_22 : memref<632x128xf32, #tpu.memory_space<vmem_shared>>) dst(%dma_wait3A_20 : memref<632x128xf32, #tpu.memory_space<hbm>>)
      tpu.yield
    }) : () -> ()
    return
  }
}

module attributes {stable_mosaic.version = 14 : i64} {
  func.func @_gelu_kernel(%arg0: i32, %arg1: memref<1000x128xf32, #tpu.memory_space<vmem>>, %arg2: memref<1000x128xf32, #tpu.memory_space<vmem>>) attributes {dimension_semantics = [#tpu.dimension_semantics<arbitrary>], iteration_bounds = array<i64: 10>, scalar_prefetch = 0 : i64, scratch_operands = 0 : i64, tpu.core_type = #tpu.core_type<tc>, window_params = [{transform_indices = @transform_0, window_bounds = array<i64: 1000, 128>}, {transform_indices = @transform_1, window_bounds = array<i64: 1000, 128>}]} {
    %get3A = arith.constant 0 : index
    %get3A_0 = arith.constant 0 : index
    %get3A_1 = vector.load %arg1[%get3A, %get3A_0] : memref<1000x128xf32, #tpu.memory_space<vmem>>, vector<1000x128xf32>
    %integer_pow3A = arith.mulf %get3A_1, %get3A_1 : vector<1000x128xf32>
    %integer_pow3A_2 = arith.mulf %get3A_1, %integer_pow3A : vector<1000x128xf32>
    %mul3A = arith.constant 4.471500e-02 : f32
    %mul3A_3 = vector.broadcast %mul3A : f32 to vector<1000x128xf32>
    %mul3A_4 = arith.mulf %mul3A_3, %integer_pow3A_2 : vector<1000x128xf32>
    %add3A = arith.addf %get3A_1, %mul3A_4 : vector<1000x128xf32>
    %mul3A_5 = arith.constant 0.797884583 : f32
    %mul3A_6 = vector.broadcast %mul3A_5 : f32 to vector<1000x128xf32>
    %mul3A_7 = arith.mulf %mul3A_6, %add3A : vector<1000x128xf32>
    %tanh3A = math.tanh %mul3A_7 : vector<1000x128xf32>
    %add3A_8 = arith.constant 1.000000e+00 : f32
    %add3A_9 = vector.broadcast %add3A_8 : f32 to vector<1000x128xf32>
    %add3A_10 = arith.addf %add3A_9, %tanh3A : vector<1000x128xf32>
    %mul3A_11 = arith.constant 5.000000e-01 : f32
    %mul3A_12 = vector.broadcast %mul3A_11 : f32 to vector<1000x128xf32>
    %mul3A_13 = arith.mulf %mul3A_12, %add3A_10 : vector<1000x128xf32>
    %mul3A_14 = arith.mulf %get3A_1, %mul3A_13 : vector<1000x128xf32>
    %swap3A = arith.constant 0 : index
    %swap3A_15 = arith.constant 0 : index
    %swap3A_16 = vector.load %arg2[%swap3A, %swap3A_15] : memref<1000x128xf32, #tpu.memory_space<vmem>>, vector<1000x128xf32>
    tpu.vector_store %arg2[%swap3A, %swap3A_15], %mul3A_14 {strides = array<i32>} : memref<1000x128xf32, #tpu.memory_space<vmem>>, vector<1000x128xf32>,
    return
  }
  func.func @transform_0(%arg0: i32) -> (i32, i32) {
    %c0_i32 = arith.constant 0 : i32
    %c0_i32_0 = arith.constant 0 : i32
    return %arg0, %c0_i32 : i32, i32
  }
  func.func @transform_1(%arg0: i32) -> (i32, i32) {
    %c0_i32 = arith.constant 0 : i32
    %c0_i32_0 = arith.constant 0 : i32
    return %arg0, %c0_i32 : i32, i32
  }
}

module attributes {stable_mosaic.version = 14 : i64} {
  func.func @_x1_stats_kernel(%arg0: i32, %arg1: memref<2x1000x128xf32, #tpu.memory_space<vmem>>, %arg2: memref<2x1000x128xf32, #tpu.memory_space<vmem>>, %arg3: memref<1000x128xf32, #tpu.memory_space<vmem>>, %arg4: memref<128x128xf32, #tpu.memory_space<vmem>>, %arg5: memref<128x128xf32, #tpu.memory_space<vmem>>, %arg6: memref<1x128xf32, #tpu.memory_space<vmem>>, %arg7: memref<1000x128xf32, #tpu.memory_space<vmem>>, %arg8: memref<2x128xf32, #tpu.memory_space<vmem>>) attributes {dimension_semantics = [#tpu.dimension_semantics<arbitrary>], iteration_bounds = array<i64: 10>, scalar_prefetch = 0 : i64, scratch_operands = 0 : i64, tpu.core_type = #tpu.core_type<tc>, window_params = [{transform_indices = @transform_0, window_bounds = array<i64: 2, 1000, 128>}, {transform_indices = @transform_1, window_bounds = array<i64: 2, 1000, 128>}, {transform_indices = @transform_2, window_bounds = array<i64: 1000, 128>}, {pipeline_mode = #tpu.pipeline_mode<synchronous>, transform_indices = @transform_3, window_bounds = array<i64: 128, 128>}, {pipeline_mode = #tpu.pipeline_mode<synchronous>, transform_indices = @transform_4, window_bounds = array<i64: 128, 128>}, {pipeline_mode = #tpu.pipeline_mode<synchronous>, transform_indices = @transform_5, window_bounds = array<i64: 1, 128>}, {transform_indices = @transform_6, window_bounds = array<i64: 1000, 128>}, {pipeline_mode = #tpu.pipeline_mode<synchronous>, transform_indices = @transform_7, window_bounds = array<i64: 2, 128>}]} {
    %get3A = arith.constant 0 : index
    %get3A_0 = arith.constant 0 : index
    %get3A_1 = arith.constant 0 : index
    %get3A_2 = vector.load %arg1[%get3A, %get3A_0, %get3A_1] : memref<2x1000x128xf32, #tpu.memory_space<vmem>>, vector<1x1000x128xf32>
    %get3A_3 = vector.shape_cast %get3A_2 : vector<1x1000x128xf32> to vector<1000x128xf32>
    %get3A_4 = arith.constant 1 : index
    %get3A_5 = arith.constant 0 : index
    %get3A_6 = arith.constant 0 : index
    %get3A_7 = vector.load %arg1[%get3A_4, %get3A_5, %get3A_6] : memref<2x1000x128xf32, #tpu.memory_space<vmem>>, vector<1x1000x128xf32>
    %get3A_8 = vector.shape_cast %get3A_7 : vector<1x1000x128xf32> to vector<1000x128xf32>
    %add3A = arith.addf %get3A_3, %get3A_8 : vector<1000x128xf32>
    %get3A_9 = arith.constant 0 : index
    %get3A_10 = arith.constant 0 : index
    %get3A_11 = arith.constant 0 : index
    %get3A_12 = vector.load %arg2[%get3A_9, %get3A_10, %get3A_11] : memref<2x1000x128xf32, #tpu.memory_space<vmem>>, vector<1x1000x1xf32>
    %get3A_13 = vector.shape_cast %get3A_12 : vector<1x1000x1xf32> to vector<1000x1xf32>
    %get3A_14 = arith.constant 1 : index
    %get3A_15 = arith.constant 0 : index
    %get3A_16 = arith.constant 0 : index
    %get3A_17 = vector.load %arg2[%get3A_14, %get3A_15, %get3A_16] : memref<2x1000x128xf32, #tpu.memory_space<vmem>>, vector<1x1000x1xf32>
    %get3A_18 = vector.shape_cast %get3A_17 : vector<1x1000x1xf32> to vector<1000x1xf32>
    %add3A_19 = arith.addf %get3A_13, %get3A_18 : vector<1000x1xf32>
    %max3A = arith.constant 1.000000e+00 : f32
    %max3A_20 = vector.broadcast %max3A : f32 to vector<1000x1xf32>
    %max3A_21 = arith.maximumf %add3A_19, %max3A_20 : vector<1000x1xf32>
    %div3A = vector.broadcast %max3A_21 : vector<1000x1xf32> to vector<1000x128xf32>
    %div3A_22 = arith.divf %add3A, %div3A : vector<1000x128xf32>
    %get3A_23 = arith.constant 0 : index
    %get3A_24 = arith.constant 0 : index
    %get3A_25 = vector.load %arg4[%get3A_23, %get3A_24] : memref<128x128xf32, #tpu.memory_space<vmem>>, vector<128x128xf32>
    %dot_general3A = arith.constant dense<0.000000e+00> : vector<1000x128xf32>
    %dot_general3A_26 = tpu.matmul %div3A_22, %get3A_25, %dot_general3A {dimension_numbers = #tpu.dot_dimension_numbers<[1], [0], [0], [1], [0, 0, 1, 1], [], []>, transpose_lhs_hint = false} : vector<1000x128xf32>, vector<128x128xf32>, vector<1000x128xf32> -> vector<1000x128xf32>
    %get3A_27 = arith.constant 0 : index
    %get3A_28 = arith.constant 0 : index
    %get3A_29 = vector.load %arg3[%get3A_27, %get3A_28] : memref<1000x128xf32, #tpu.memory_space<vmem>>, vector<1000x128xf32>
    %get3A_30 = arith.constant 0 : index
    %get3A_31 = arith.constant 0 : index
    %get3A_32 = vector.load %arg5[%get3A_30, %get3A_31] : memref<128x128xf32, #tpu.memory_space<vmem>>, vector<128x128xf32>
    %dot_general3A_33 = arith.constant dense<0.000000e+00> : vector<1000x128xf32>
    %dot_general3A_34 = tpu.matmul %get3A_29, %get3A_32, %dot_general3A_33 {dimension_numbers = #tpu.dot_dimension_numbers<[1], [0], [0], [1], [0, 0, 1, 1], [], []>, transpose_lhs_hint = false} : vector<1000x128xf32>, vector<128x128xf32>, vector<1000x128xf32> -> vector<1000x128xf32>
    %add3A_35 = arith.addf %dot_general3A_26, %dot_general3A_34 : vector<1000x128xf32>
    %get3A_36 = arith.constant 0 : index
    %get3A_37 = arith.constant 0 : index
    %get3A_38 = vector.load %arg6[%get3A_36, %get3A_37] : memref<1x128xf32, #tpu.memory_space<vmem>>, vector<1x128xf32>
    %add3A_39 = vector.broadcast %get3A_38 : vector<1x128xf32> to vector<1000x128xf32>
    %add3A_40 = arith.addf %add3A_35, %add3A_39 : vector<1000x128xf32>
    %swap3A = arith.constant 0 : index
    %swap3A_41 = arith.constant 0 : index
    %swap3A_42 = vector.load %arg7[%swap3A, %swap3A_41] : memref<1000x128xf32, #tpu.memory_space<vmem>>, vector<1000x128xf32>
    tpu.vector_store %arg7[%swap3A, %swap3A_41], %add3A_40 {strides = array<i32>} : memref<1000x128xf32, #tpu.memory_space<vmem>>, vector<1000x128xf32>,
    %reduce_sum3A = arith.constant dense<0.000000e+00> : vector<128xf32>
    %reduce_sum3A_43 = vector.multi_reduction <add>, %add3A_40, %reduce_sum3A [0] : vector<1000x128xf32> to vector<128xf32>
    %broadcast_in_dim3A = vector.shape_cast %reduce_sum3A_43 : vector<128xf32> to vector<1x128xf32>
    %mul3A = arith.mulf %add3A_40, %add3A_40 : vector<1000x128xf32>
    %reduce_sum3A_44 = arith.constant dense<0.000000e+00> : vector<128xf32>
    %reduce_sum3A_45 = vector.multi_reduction <add>, %mul3A, %reduce_sum3A_44 [0] : vector<1000x128xf32> to vector<128xf32>
    %broadcast_in_dim3A_46 = vector.shape_cast %reduce_sum3A_45 : vector<128xf32> to vector<1x128xf32>
    %concatenate3A = tpu.concatenate %broadcast_in_dim3A, %broadcast_in_dim3A_46 in 0 : vector<1x128xf32>, vector<1x128xf32> -> vector<2x128xf32>
    %eq3A = arith.constant 0 : i32
    %eq3A_47 = arith.cmpi eq, %arg0, %eq3A : i32
    %convert_element_type3A = arith.extui %eq3A_47 : i1 to i32
    %cond3A = arith.constant 0 : i32
    %cond3A_48 = arith.cmpi ne, %convert_element_type3A, %cond3A : i32
    scf.if %cond3A_48 {
      %swap3A_53 = arith.constant 0 : index
      %swap3A_54 = arith.constant 0 : index
      %swap3A_55 = vector.load %arg8[%swap3A_53, %swap3A_54] : memref<2x128xf32, #tpu.memory_space<vmem>>, vector<2x128xf32>
      tpu.vector_store %arg8[%swap3A_53, %swap3A_54], %concatenate3A {strides = array<i32>} : memref<2x128xf32, #tpu.memory_space<vmem>>, vector<2x128xf32>,
    } else {
    }
    %ne3A = arith.constant 0 : i32
    %ne3A_49 = arith.cmpi ne, %arg0, %ne3A : i32
    %convert_element_type3A_50 = arith.extui %ne3A_49 : i1 to i32
    %cond3A_51 = arith.constant 0 : i32
    %cond3A_52 = arith.cmpi ne, %convert_element_type3A_50, %cond3A_51 : i32
    scf.if %cond3A_52 {
      %get3A_53 = arith.constant 0 : index
      %get3A_54 = arith.constant 0 : index
      %get3A_55 = vector.load %arg8[%get3A_53, %get3A_54] : memref<2x128xf32, #tpu.memory_space<vmem>>, vector<2x128xf32>
      %add3A_56 = arith.addf %get3A_55, %concatenate3A : vector<2x128xf32>
      %swap3A_57 = arith.constant 0 : index
      %swap3A_58 = arith.constant 0 : index
      %swap3A_59 = vector.load %arg8[%swap3A_57, %swap3A_58] : memref<2x128xf32, #tpu.memory_space<vmem>>, vector<2x128xf32>
      tpu.vector_store %arg8[%swap3A_57, %swap3A_58], %add3A_56 {strides = array<i32>} : memref<2x128xf32, #tpu.memory_space<vmem>>, vector<2x128xf32>,
    } else {
    }
    return
  }
  func.func @transform_0(%arg0: i32) -> (i32, i32, i32) {
    %c0_i32 = arith.constant 0 : i32
    %c0_i32_0 = arith.constant 0 : i32
    %c0_i32_1 = arith.constant 0 : i32
    return %c0_i32, %arg0, %c0_i32_0 : i32, i32, i32
  }
  func.func @transform_1(%arg0: i32) -> (i32, i32, i32) {
    %c0_i32 = arith.constant 0 : i32
    %c0_i32_0 = arith.constant 0 : i32
    %c0_i32_1 = arith.constant 0 : i32
    return %c0_i32, %arg0, %c0_i32_0 : i32, i32, i32
  }
  func.func @transform_2(%arg0: i32) -> (i32, i32) {
    %c0_i32 = arith.constant 0 : i32
    %c0_i32_0 = arith.constant 0 : i32
    return %arg0, %c0_i32 : i32, i32
  }
  func.func @transform_3(%arg0: i32) -> (i32, i32) {
    %c0_i32 = arith.constant 0 : i32
    %c0_i32_0 = arith.constant 0 : i32
    %c0_i32_1 = arith.constant 0 : i32
    return %c0_i32, %c0_i32_0 : i32, i32
  }
  func.func @transform_4(%arg0: i32) -> (i32, i32) {
    %c0_i32 = arith.constant 0 : i32
    %c0_i32_0 = arith.constant 0 : i32
    %c0_i32_1 = arith.constant 0 : i32
    return %c0_i32, %c0_i32_0 : i32, i32
  }
  func.func @transform_5(%arg0: i32) -> (i32, i32) {
    %c0_i32 = arith.constant 0 : i32
    %c0_i32_0 = arith.constant 0 : i32
    %c0_i32_1 = arith.constant 0 : i32
    return %c0_i32, %c0_i32_0 : i32, i32
  }
  func.func @transform_6(%arg0: i32) -> (i32, i32) {
    %c0_i32 = arith.constant 0 : i32
    %c0_i32_0 = arith.constant 0 : i32
    return %arg0, %c0_i32 : i32, i32
  }
  func.func @transform_7(%arg0: i32) -> (i32, i32) {
    %c0_i32 = arith.constant 0 : i32
    %c0_i32_0 = arith.constant 0 : i32
    %c0_i32_1 = arith.constant 0 : i32
    return %c0_i32, %c0_i32_0 : i32, i32
  }
}

module attributes {stable_mosaic.version = 14 : i64} {
  func.func @_bn_gelu_kernel(%arg0: i32, %arg1: memref<1000x128xf32, #tpu.memory_space<vmem>>, %arg2: memref<2x128xf32, #tpu.memory_space<vmem>>, %arg3: memref<1x128xf32, #tpu.memory_space<vmem>>, %arg4: memref<1x128xf32, #tpu.memory_space<vmem>>, %arg5: memref<1000x128xf32, #tpu.memory_space<vmem>>) attributes {dimension_semantics = [#tpu.dimension_semantics<arbitrary>], iteration_bounds = array<i64: 10>, scalar_prefetch = 0 : i64, scratch_operands = 0 : i64, tpu.core_type = #tpu.core_type<tc>, window_params = [{transform_indices = @transform_0, window_bounds = array<i64: 1000, 128>}, {pipeline_mode = #tpu.pipeline_mode<synchronous>, transform_indices = @transform_1, window_bounds = array<i64: 2, 128>}, {pipeline_mode = #tpu.pipeline_mode<synchronous>, transform_indices = @transform_2, window_bounds = array<i64: 1, 128>}, {pipeline_mode = #tpu.pipeline_mode<synchronous>, transform_indices = @transform_3, window_bounds = array<i64: 1, 128>}, {transform_indices = @transform_4, window_bounds = array<i64: 1000, 128>}]} {
    %get3A = arith.constant 0 : index
    %get3A_0 = arith.constant 0 : index
    %get3A_1 = vector.load %arg2[%get3A, %get3A_0] : memref<2x128xf32, #tpu.memory_space<vmem>>, vector<1x128xf32>
    %div3A = arith.constant 1.000000e+04 : f32
    %div3A_2 = vector.broadcast %div3A : f32 to vector<1x128xf32>
    %div3A_3 = arith.divf %get3A_1, %div3A_2 : vector<1x128xf32>
    %get3A_4 = arith.constant 1 : index
    %get3A_5 = arith.constant 0 : index
    %get3A_6 = vector.load %arg2[%get3A_4, %get3A_5] : memref<2x128xf32, #tpu.memory_space<vmem>>, vector<1x128xf32>
    %div3A_7 = arith.constant 1.000000e+04 : f32
    %div3A_8 = vector.broadcast %div3A_7 : f32 to vector<1x128xf32>
    %div3A_9 = arith.divf %get3A_6, %div3A_8 : vector<1x128xf32>
    %mul3A = arith.mulf %div3A_3, %div3A_3 : vector<1x128xf32>
    %sub3A = arith.subf %div3A_9, %mul3A : vector<1x128xf32>
    %add3A = arith.constant 9.99999974E-6 : f32
    %add3A_10 = vector.broadcast %add3A : f32 to vector<1x128xf32>
    %add3A_11 = arith.addf %sub3A, %add3A_10 : vector<1x128xf32>
    %rsqrt3A = math.rsqrt %add3A_11 : vector<1x128xf32>
    %get3A_12 = arith.constant 0 : index
    %get3A_13 = arith.constant 0 : index
    %get3A_14 = vector.load %arg1[%get3A_12, %get3A_13] : memref<1000x128xf32, #tpu.memory_space<vmem>>, vector<1000x128xf32>
    %sub3A_15 = vector.broadcast %div3A_3 : vector<1x128xf32> to vector<1000x128xf32>
    %sub3A_16 = arith.subf %get3A_14, %sub3A_15 : vector<1000x128xf32>
    %mul3A_17 = vector.broadcast %rsqrt3A : vector<1x128xf32> to vector<1000x128xf32>
    %mul3A_18 = arith.mulf %sub3A_16, %mul3A_17 : vector<1000x128xf32>
    %get3A_19 = arith.constant 0 : index
    %get3A_20 = arith.constant 0 : index
    %get3A_21 = vector.load %arg3[%get3A_19, %get3A_20] : memref<1x128xf32, #tpu.memory_space<vmem>>, vector<1x128xf32>
    %mul3A_22 = vector.broadcast %get3A_21 : vector<1x128xf32> to vector<1000x128xf32>
    %mul3A_23 = arith.mulf %mul3A_18, %mul3A_22 : vector<1000x128xf32>
    %get3A_24 = arith.constant 0 : index
    %get3A_25 = arith.constant 0 : index
    %get3A_26 = vector.load %arg4[%get3A_24, %get3A_25] : memref<1x128xf32, #tpu.memory_space<vmem>>, vector<1x128xf32>
    %add3A_27 = vector.broadcast %get3A_26 : vector<1x128xf32> to vector<1000x128xf32>
    %add3A_28 = arith.addf %mul3A_23, %add3A_27 : vector<1000x128xf32>
    %integer_pow3A = arith.mulf %add3A_28, %add3A_28 : vector<1000x128xf32>
    %integer_pow3A_29 = arith.mulf %add3A_28, %integer_pow3A : vector<1000x128xf32>
    %mul3A_30 = arith.constant 4.471500e-02 : f32
    %mul3A_31 = vector.broadcast %mul3A_30 : f32 to vector<1000x128xf32>
    %mul3A_32 = arith.mulf %mul3A_31, %integer_pow3A_29 : vector<1000x128xf32>
    %add3A_33 = arith.addf %add3A_28, %mul3A_32 : vector<1000x128xf32>
    %mul3A_34 = arith.constant 0.797884583 : f32
    %mul3A_35 = vector.broadcast %mul3A_34 : f32 to vector<1000x128xf32>
    %mul3A_36 = arith.mulf %mul3A_35, %add3A_33 : vector<1000x128xf32>
    %tanh3A = math.tanh %mul3A_36 : vector<1000x128xf32>
    %add3A_37 = arith.constant 1.000000e+00 : f32
    %add3A_38 = vector.broadcast %add3A_37 : f32 to vector<1000x128xf32>
    %add3A_39 = arith.addf %add3A_38, %tanh3A : vector<1000x128xf32>
    %mul3A_40 = arith.constant 5.000000e-01 : f32
    %mul3A_41 = vector.broadcast %mul3A_40 : f32 to vector<1000x128xf32>
    %mul3A_42 = arith.mulf %mul3A_41, %add3A_39 : vector<1000x128xf32>
    %mul3A_43 = arith.mulf %add3A_28, %mul3A_42 : vector<1000x128xf32>
    %swap3A = arith.constant 0 : index
    %swap3A_44 = arith.constant 0 : index
    %swap3A_45 = vector.load %arg5[%swap3A, %swap3A_44] : memref<1000x128xf32, #tpu.memory_space<vmem>>, vector<1000x128xf32>
    tpu.vector_store %arg5[%swap3A, %swap3A_44], %mul3A_43 {strides = array<i32>} : memref<1000x128xf32, #tpu.memory_space<vmem>>, vector<1000x128xf32>,
    return
  }
  func.func @transform_0(%arg0: i32) -> (i32, i32) {
    %c0_i32 = arith.constant 0 : i32
    %c0_i32_0 = arith.constant 0 : i32
    return %arg0, %c0_i32 : i32, i32
  }
  func.func @transform_1(%arg0: i32) -> (i32, i32) {
    %c0_i32 = arith.constant 0 : i32
    %c0_i32_0 = arith.constant 0 : i32
    %c0_i32_1 = arith.constant 0 : i32
    return %c0_i32, %c0_i32_0 : i32, i32
  }
  func.func @transform_2(%arg0: i32) -> (i32, i32) {
    %c0_i32 = arith.constant 0 : i32
    %c0_i32_0 = arith.constant 0 : i32
    %c0_i32_1 = arith.constant 0 : i32
    return %c0_i32, %c0_i32_0 : i32, i32
  }
  func.func @transform_3(%arg0: i32) -> (i32, i32) {
    %c0_i32 = arith.constant 0 : i32
    %c0_i32_0 = arith.constant 0 : i32
    %c0_i32_1 = arith.constant 0 : i32
    return %c0_i32, %c0_i32_0 : i32, i32
  }
  func.func @transform_4(%arg0: i32) -> (i32, i32) {
    %c0_i32 = arith.constant 0 : i32
    %c0_i32_0 = arith.constant 0 : i32
    return %arg0, %c0_i32 : i32, i32
  }
}

module attributes {stable_mosaic.version = 14 : i64} {
  func.func @_xo_kernel(%arg0: i32, %arg1: memref<2x1000x128xf32, #tpu.memory_space<vmem>>, %arg2: memref<2x1000x128xf32, #tpu.memory_space<vmem>>, %arg3: memref<1000x128xf32, #tpu.memory_space<vmem>>, %arg4: memref<1000x128xf32, #tpu.memory_space<vmem>>, %arg5: memref<128x128xf32, #tpu.memory_space<vmem>>, %arg6: memref<128x128xf32, #tpu.memory_space<vmem>>, %arg7: memref<1x128xf32, #tpu.memory_space<vmem>>, %arg8: memref<1000x128xf32, #tpu.memory_space<vmem>>) attributes {dimension_semantics = [#tpu.dimension_semantics<arbitrary>], iteration_bounds = array<i64: 10>, scalar_prefetch = 0 : i64, scratch_operands = 0 : i64, tpu.core_type = #tpu.core_type<tc>, window_params = [{transform_indices = @transform_0, window_bounds = array<i64: 2, 1000, 128>}, {transform_indices = @transform_1, window_bounds = array<i64: 2, 1000, 128>}, {transform_indices = @transform_2, window_bounds = array<i64: 1000, 128>}, {transform_indices = @transform_3, window_bounds = array<i64: 1000, 128>}, {pipeline_mode = #tpu.pipeline_mode<synchronous>, transform_indices = @transform_4, window_bounds = array<i64: 128, 128>}, {pipeline_mode = #tpu.pipeline_mode<synchronous>, transform_indices = @transform_5, window_bounds = array<i64: 128, 128>}, {pipeline_mode = #tpu.pipeline_mode<synchronous>, transform_indices = @transform_6, window_bounds = array<i64: 1, 128>}, {transform_indices = @transform_7, window_bounds = array<i64: 1000, 128>}]} {
    %get3A = arith.constant 0 : index
    %get3A_0 = arith.constant 0 : index
    %get3A_1 = arith.constant 0 : index
    %get3A_2 = vector.load %arg1[%get3A, %get3A_0, %get3A_1] : memref<2x1000x128xf32, #tpu.memory_space<vmem>>, vector<1x1000x128xf32>
    %get3A_3 = vector.shape_cast %get3A_2 : vector<1x1000x128xf32> to vector<1000x128xf32>
    %get3A_4 = arith.constant 1 : index
    %get3A_5 = arith.constant 0 : index
    %get3A_6 = arith.constant 0 : index
    %get3A_7 = vector.load %arg1[%get3A_4, %get3A_5, %get3A_6] : memref<2x1000x128xf32, #tpu.memory_space<vmem>>, vector<1x1000x128xf32>
    %get3A_8 = vector.shape_cast %get3A_7 : vector<1x1000x128xf32> to vector<1000x128xf32>
    %add3A = arith.addf %get3A_3, %get3A_8 : vector<1000x128xf32>
    %get3A_9 = arith.constant 0 : index
    %get3A_10 = arith.constant 0 : index
    %get3A_11 = arith.constant 0 : index
    %get3A_12 = vector.load %arg2[%get3A_9, %get3A_10, %get3A_11] : memref<2x1000x128xf32, #tpu.memory_space<vmem>>, vector<1x1000x1xf32>
    %get3A_13 = vector.shape_cast %get3A_12 : vector<1x1000x1xf32> to vector<1000x1xf32>
    %get3A_14 = arith.constant 1 : index
    %get3A_15 = arith.constant 0 : index
    %get3A_16 = arith.constant 0 : index
    %get3A_17 = vector.load %arg2[%get3A_14, %get3A_15, %get3A_16] : memref<2x1000x128xf32, #tpu.memory_space<vmem>>, vector<1x1000x1xf32>
    %get3A_18 = vector.shape_cast %get3A_17 : vector<1x1000x1xf32> to vector<1000x1xf32>
    %add3A_19 = arith.addf %get3A_13, %get3A_18 : vector<1000x1xf32>
    %max3A = arith.constant 1.000000e+00 : f32
    %max3A_20 = vector.broadcast %max3A : f32 to vector<1000x1xf32>
    %max3A_21 = arith.maximumf %add3A_19, %max3A_20 : vector<1000x1xf32>
    %div3A = vector.broadcast %max3A_21 : vector<1000x1xf32> to vector<1000x128xf32>
    %div3A_22 = arith.divf %add3A, %div3A : vector<1000x128xf32>
    %get3A_23 = arith.constant 0 : index
    %get3A_24 = arith.constant 0 : index
    %get3A_25 = vector.load %arg5[%get3A_23, %get3A_24] : memref<128x128xf32, #tpu.memory_space<vmem>>, vector<128x128xf32>
    %dot_general3A = arith.constant dense<0.000000e+00> : vector<1000x128xf32>
    %dot_general3A_26 = tpu.matmul %div3A_22, %get3A_25, %dot_general3A {dimension_numbers = #tpu.dot_dimension_numbers<[1], [0], [0], [1], [0, 0, 1, 1], [], []>, transpose_lhs_hint = false} : vector<1000x128xf32>, vector<128x128xf32>, vector<1000x128xf32> -> vector<1000x128xf32>
    %get3A_27 = arith.constant 0 : index
    %get3A_28 = arith.constant 0 : index
    %get3A_29 = vector.load %arg3[%get3A_27, %get3A_28] : memref<1000x128xf32, #tpu.memory_space<vmem>>, vector<1000x128xf32>
    %get3A_30 = arith.constant 0 : index
    %get3A_31 = arith.constant 0 : index
    %get3A_32 = vector.load %arg6[%get3A_30, %get3A_31] : memref<128x128xf32, #tpu.memory_space<vmem>>, vector<128x128xf32>
    %dot_general3A_33 = arith.constant dense<0.000000e+00> : vector<1000x128xf32>
    %dot_general3A_34 = tpu.matmul %get3A_29, %get3A_32, %dot_general3A_33 {dimension_numbers = #tpu.dot_dimension_numbers<[1], [0], [0], [1], [0, 0, 1, 1], [], []>, transpose_lhs_hint = false} : vector<1000x128xf32>, vector<128x128xf32>, vector<1000x128xf32> -> vector<1000x128xf32>
    %add3A_35 = arith.addf %dot_general3A_26, %dot_general3A_34 : vector<1000x128xf32>
    %get3A_36 = arith.constant 0 : index
    %get3A_37 = arith.constant 0 : index
    %get3A_38 = vector.load %arg7[%get3A_36, %get3A_37] : memref<1x128xf32, #tpu.memory_space<vmem>>, vector<1x128xf32>
    %add3A_39 = vector.broadcast %get3A_38 : vector<1x128xf32> to vector<1000x128xf32>
    %add3A_40 = arith.addf %add3A_35, %add3A_39 : vector<1000x128xf32>
    %get3A_41 = arith.constant 0 : index
    %get3A_42 = arith.constant 0 : index
    %get3A_43 = vector.load %arg4[%get3A_41, %get3A_42] : memref<1000x128xf32, #tpu.memory_space<vmem>>, vector<1000x128xf32>
    %add3A_44 = arith.addf %get3A_43, %add3A_40 : vector<1000x128xf32>
    %swap3A = arith.constant 0 : index
    %swap3A_45 = arith.constant 0 : index
    %swap3A_46 = vector.load %arg8[%swap3A, %swap3A_45] : memref<1000x128xf32, #tpu.memory_space<vmem>>, vector<1000x128xf32>
    tpu.vector_store %arg8[%swap3A, %swap3A_45], %add3A_44 {strides = array<i32>} : memref<1000x128xf32, #tpu.memory_space<vmem>>, vector<1000x128xf32>,
    return
  }
  func.func @transform_0(%arg0: i32) -> (i32, i32, i32) {
    %c0_i32 = arith.constant 0 : i32
    %c0_i32_0 = arith.constant 0 : i32
    %c0_i32_1 = arith.constant 0 : i32
    return %c0_i32, %arg0, %c0_i32_0 : i32, i32, i32
  }
  func.func @transform_1(%arg0: i32) -> (i32, i32, i32) {
    %c0_i32 = arith.constant 0 : i32
    %c0_i32_0 = arith.constant 0 : i32
    %c0_i32_1 = arith.constant 0 : i32
    return %c0_i32, %arg0, %c0_i32_0 : i32, i32, i32
  }
  func.func @transform_2(%arg0: i32) -> (i32, i32) {
    %c0_i32 = arith.constant 0 : i32
    %c0_i32_0 = arith.constant 0 : i32
    return %arg0, %c0_i32 : i32, i32
  }
  func.func @transform_3(%arg0: i32) -> (i32, i32) {
    %c0_i32 = arith.constant 0 : i32
    %c0_i32_0 = arith.constant 0 : i32
    return %arg0, %c0_i32 : i32, i32
  }
  func.func @transform_4(%arg0: i32) -> (i32, i32) {
    %c0_i32 = arith.constant 0 : i32
    %c0_i32_0 = arith.constant 0 : i32
    %c0_i32_1 = arith.constant 0 : i32
    return %c0_i32, %c0_i32_0 : i32, i32
  }
  func.func @transform_5(%arg0: i32) -> (i32, i32) {
    %c0_i32 = arith.constant 0 : i32
    %c0_i32_0 = arith.constant 0 : i32
    %c0_i32_1 = arith.constant 0 : i32
    return %c0_i32, %c0_i32_0 : i32, i32
  }
  func.func @transform_6(%arg0: i32) -> (i32, i32) {
    %c0_i32 = arith.constant 0 : i32
    %c0_i32_0 = arith.constant 0 : i32
    %c0_i32_1 = arith.constant 0 : i32
    return %c0_i32, %c0_i32_0 : i32, i32
  }
  func.func @transform_7(%arg0: i32) -> (i32, i32) {
    %c0_i32 = arith.constant 0 : i32
    %c0_i32_0 = arith.constant 0 : i32
    return %arg0, %c0_i32 : i32, i32
  }
}

module attributes {stable_mosaic.version = 14 : i64} {
  func.func @_pool_kernel(%arg0: i32, %arg1: memref<1000x128xf32, #tpu.memory_space<vmem>>, %arg2: memref<1000x1xi32, #tpu.memory_space<vmem>>, %arg3: memref<384x2xf32, #tpu.memory_space<vmem>>, %arg4: memref<1x2xf32, #tpu.memory_space<vmem>>, %arg5: memref<64x2xf32, #tpu.memory_space<vmem>>, %arg6: memref<64x128xf32, #tpu.memory_space<vmem>>, %arg7: memref<64x128xf32, #tpu.memory_space<vmem>>, %arg8: memref<64x128xf32, #tpu.memory_space<vmem>>, %arg9: memref<64x128xf32, #tpu.memory_space<vmem>>) attributes {dimension_semantics = [#tpu.dimension_semantics<arbitrary>], iteration_bounds = array<i64: 10>, scalar_prefetch = 0 : i64, scratch_operands = 4 : i64, tpu.core_type = #tpu.core_type<tc>, window_params = [{transform_indices = @transform_0, window_bounds = array<i64: 1000, 128>}, {transform_indices = @transform_1, window_bounds = array<i64: 1000, 1>}, {pipeline_mode = #tpu.pipeline_mode<synchronous>, transform_indices = @transform_2, window_bounds = array<i64: 384, 2>}, {pipeline_mode = #tpu.pipeline_mode<synchronous>, transform_indices = @transform_3, window_bounds = array<i64: 1, 2>}, {pipeline_mode = #tpu.pipeline_mode<synchronous>, transform_indices = @transform_4, window_bounds = array<i64: 64, 2>}]} {
    %eq3A = arith.constant 0 : i32
    %eq3A_0 = arith.cmpi eq, %arg0, %eq3A : i32
    %convert_element_type3A = arith.extui %eq3A_0 : i1 to i32
    %cond3A = arith.constant 0 : i32
    %cond3A_1 = arith.cmpi ne, %convert_element_type3A, %cond3A : i32
    scf.if %cond3A_1 {
      %broadcast_in_dim3A = arith.constant 0.000000e+00 : f32
      %broadcast_in_dim3A_29 = vector.broadcast %broadcast_in_dim3A : f32 to vector<64x128xf32>
      %swap3A = arith.constant 0 : index
      %swap3A_30 = arith.constant 0 : index
      %swap3A_31 = vector.load %arg6[%swap3A, %swap3A_30] : memref<64x128xf32, #tpu.memory_space<vmem>>, vector<64x128xf32>
      tpu.vector_store %arg6[%swap3A, %swap3A_30], %broadcast_in_dim3A_29 {strides = array<i32>} : memref<64x128xf32, #tpu.memory_space<vmem>>, vector<64x128xf32>,
      %broadcast_in_dim3A_32 = arith.constant 0.000000e+00 : f32
      %broadcast_in_dim3A_33 = vector.broadcast %broadcast_in_dim3A_32 : f32 to vector<64x128xf32>
      %swap3A_34 = arith.constant 0 : index
      %swap3A_35 = arith.constant 0 : index
      %swap3A_36 = vector.load %arg7[%swap3A_34, %swap3A_35] : memref<64x128xf32, #tpu.memory_space<vmem>>, vector<64x128xf32>
      tpu.vector_store %arg7[%swap3A_34, %swap3A_35], %broadcast_in_dim3A_33 {strides = array<i32>} : memref<64x128xf32, #tpu.memory_space<vmem>>, vector<64x128xf32>,
      %broadcast_in_dim3A_37 = arith.constant 0x7F800000 : f32
      %broadcast_in_dim3A_38 = vector.broadcast %broadcast_in_dim3A_37 : f32 to vector<64x128xf32>
      %swap3A_39 = arith.constant 0 : index
      %swap3A_40 = arith.constant 0 : index
      %swap3A_41 = vector.load %arg8[%swap3A_39, %swap3A_40] : memref<64x128xf32, #tpu.memory_space<vmem>>, vector<64x128xf32>
      tpu.vector_store %arg8[%swap3A_39, %swap3A_40], %broadcast_in_dim3A_38 {strides = array<i32>} : memref<64x128xf32, #tpu.memory_space<vmem>>, vector<64x128xf32>,
      %broadcast_in_dim3A_42 = arith.constant 0xFF800000 : f32
      %broadcast_in_dim3A_43 = vector.broadcast %broadcast_in_dim3A_42 : f32 to vector<64x128xf32>
      %swap3A_44 = arith.constant 0 : index
      %swap3A_45 = arith.constant 0 : index
      %swap3A_46 = vector.load %arg9[%swap3A_44, %swap3A_45] : memref<64x128xf32, #tpu.memory_space<vmem>>, vector<64x128xf32>
      tpu.vector_store %arg9[%swap3A_44, %swap3A_45], %broadcast_in_dim3A_43 {strides = array<i32>} : memref<64x128xf32, #tpu.memory_space<vmem>>, vector<64x128xf32>,
    } else {
    }
    %get3A = arith.constant 0 : index
    %get3A_2 = arith.constant 0 : index
    %get3A_3 = vector.load %arg1[%get3A, %get3A_2] : memref<1000x128xf32, #tpu.memory_space<vmem>>, vector<1000x128xf32>
    %get3A_4 = arith.constant 0 : index
    %get3A_5 = arith.constant 0 : index
    %get3A_6 = vector.load %arg2[%get3A_4, %get3A_5] : memref<1000x1xi32, #tpu.memory_space<vmem>>, vector<1000x1xi32>
    %reduce_min3A = vector.shape_cast %get3A_6 : vector<1000x1xi32> to vector<1x1000x1xi32>
    %reduce_min3A_7 = arith.constant dense<2147483647> : vector<1xi32>
    %reduce_min3A_8 = vector.multi_reduction <minsi>, %reduce_min3A, %reduce_min3A_7 [1, 2] : vector<1x1000x1xi32> to vector<1xi32>
    %reduce_min3A_9 = vector.shape_cast %reduce_min3A_8 : vector<1xi32> to vector<1x1x1xi32>
    %reduce_min3A_10 = vector.extract %reduce_min3A_9[0, 0, 0] : i32 from vector<1x1x1xi32>
    %reduce_max3A = vector.shape_cast %get3A_6 : vector<1000x1xi32> to vector<1x1000x1xi32>
    %reduce_max3A_11 = arith.constant dense<-2147483648> : vector<1xi32>
    %reduce_max3A_12 = vector.multi_reduction <maxsi>, %reduce_max3A, %reduce_max3A_11 [1, 2] : vector<1x1000x1xi32> to vector<1xi32>
    %reduce_max3A_13 = vector.shape_cast %reduce_max3A_12 : vector<1xi32> to vector<1x1x1xi32>
    %reduce_max3A_14 = vector.extract %reduce_max3A_13[0, 0, 0] : i32 from vector<1x1x1xi32>
    %iota3A = tpu.iota {dimensions = array<i32: 0>} : vector<64x1xi32>
    %add3A = arith.constant 1 : i32
    %add3A_15 = arith.addi %reduce_max3A_14, %add3A : i32
    %while3A = arith.constant 0 : i32
    %while3A_16 = arith.subi %add3A_15, %reduce_min3A_10 : i32
    %while3A_17 = arith.addi %reduce_min3A_10, %while3A_16 : i32
    %while3A_18 = arith.constant 1 : i32
    %while3A_19 = arith.divsi %while3A_16, %while3A_18 : i32
    %while3A_20 = arith.muli %while3A_19, %while3A_18 : i32
    %while3A_21 = arith.addi %reduce_min3A_10, %while3A_20 : i32
    %while3A_22 = arith.constant 1 : i32
    scf.for %while3A_29 = %reduce_min3A_10 to %while3A_21 step %while3A_22  : i32 {
      %eq3A_30 = vector.broadcast %while3A_29 : i32 to vector<1000x1xi32>
      %eq3A_31 = arith.cmpi eq, %get3A_6, %eq3A_30 : vector<1000x1xi32>
      %eq3A_32 = vector.broadcast %while3A_29 : i32 to vector<64x1xi32>
      %eq3A_33 = arith.cmpi eq, %iota3A, %eq3A_32 : vector<64x1xi32>
      %jit3A = arith.constant 0x7F800000 : f32
      %broadcast_in_dim3A = vector.shape_cast %eq3A_31 : vector<1000x1xi1> to vector<1000x1xi1>
      %broadcast_in_dim3A_34 = vector.broadcast %broadcast_in_dim3A : vector<1000x1xi1> to vector<1000x128xi1>
      %broadcast_in_dim3A_35 = vector.broadcast %jit3A : f32 to vector<1000x128xf32>
      %select_n3A = arith.select %broadcast_in_dim3A_34, %get3A_3, %broadcast_in_dim3A_35 : vector<1000x128xi1>, vector<1000x128xf32>
      %reduce_min3A_36 = arith.constant dense<0x7F800000> : vector<128xf32>
      %reduce_min3A_37 = vector.multi_reduction <minimumf>, %select_n3A, %reduce_min3A_36 [0] : vector<1000x128xf32> to vector<128xf32>
      %broadcast_in_dim3A_38 = vector.shape_cast %reduce_min3A_37 : vector<128xf32> to vector<1x128xf32>
      %jit3A_39 = arith.constant 0xFF800000 : f32
      %broadcast_in_dim3A_40 = vector.shape_cast %eq3A_31 : vector<1000x1xi1> to vector<1000x1xi1>
      %broadcast_in_dim3A_41 = vector.broadcast %broadcast_in_dim3A_40 : vector<1000x1xi1> to vector<1000x128xi1>
      %broadcast_in_dim3A_42 = vector.broadcast %jit3A_39 : f32 to vector<1000x128xf32>
      %select_n3A_43 = arith.select %broadcast_in_dim3A_41, %get3A_3, %broadcast_in_dim3A_42 : vector<1000x128xi1>, vector<1000x128xf32>
      %reduce_max3A_44 = arith.constant dense<0xFF800000> : vector<128xf32>
      %reduce_max3A_45 = vector.multi_reduction <maximumf>, %select_n3A_43, %reduce_max3A_44 [0] : vector<1000x128xf32> to vector<128xf32>
      %broadcast_in_dim3A_46 = vector.shape_cast %reduce_max3A_45 : vector<128xf32> to vector<1x128xf32>
      %jit3A_47 = arith.constant 0.000000e+00 : f32
      %broadcast_in_dim3A_48 = vector.shape_cast %eq3A_31 : vector<1000x1xi1> to vector<1000x1xi1>
      %broadcast_in_dim3A_49 = vector.broadcast %broadcast_in_dim3A_48 : vector<1000x1xi1> to vector<1000x128xi1>
      %broadcast_in_dim3A_50 = vector.broadcast %jit3A_47 : f32 to vector<1000x128xf32>
      %select_n3A_51 = arith.select %broadcast_in_dim3A_49, %get3A_3, %broadcast_in_dim3A_50 : vector<1000x128xi1>, vector<1000x128xf32>
      %reduce_sum3A = arith.constant dense<0.000000e+00> : vector<128xf32>
      %reduce_sum3A_52 = vector.multi_reduction <add>, %select_n3A_51, %reduce_sum3A [0] : vector<1000x128xf32> to vector<128xf32>
      %broadcast_in_dim3A_53 = vector.shape_cast %reduce_sum3A_52 : vector<128xf32> to vector<1x128xf32>
      %convert_element_type3A_54 = arith.extui %eq3A_31 : vector<1000x1xi1> to vector<1000x1xi32>
      %convert_element_type3A_55 = arith.sitofp %convert_element_type3A_54 : vector<1000x1xi32> to vector<1000x1xf32>
      %reduce_sum3A_56 = vector.shape_cast %convert_element_type3A_55 : vector<1000x1xf32> to vector<1x1000x1xf32>
      %reduce_sum3A_57 = arith.constant dense<0.000000e+00> : vector<1xf32>
      %reduce_sum3A_58 = vector.multi_reduction <add>, %reduce_sum3A_56, %reduce_sum3A_57 [1, 2] : vector<1x1000x1xf32> to vector<1xf32>
      %reduce_sum3A_59 = vector.shape_cast %reduce_sum3A_58 : vector<1xf32> to vector<1x1x1xf32>
      %reduce_sum3A_60 = vector.extract %reduce_sum3A_59[0, 0, 0] : f32 from vector<1x1x1xf32>
      %get3A_61 = arith.constant 0 : index
      %get3A_62 = arith.constant 0 : index
      %get3A_63 = vector.load %arg8[%get3A_61, %get3A_62] : memref<64x128xf32, #tpu.memory_space<vmem>>, vector<64x128xf32>
      %min3A = vector.broadcast %broadcast_in_dim3A_38 : vector<1x128xf32> to vector<64x128xf32>
      %min3A_64 = arith.minimumf %get3A_63, %min3A : vector<64x128xf32>
      %get3A_65 = arith.constant 0 : index
      %get3A_66 = arith.constant 0 : index
      %get3A_67 = vector.load %arg8[%get3A_65, %get3A_66] : memref<64x128xf32, #tpu.memory_space<vmem>>, vector<64x128xf32>
      %broadcast_in_dim3A_68 = vector.shape_cast %eq3A_33 : vector<64x1xi1> to vector<64x1xi1>
      %broadcast_in_dim3A_69 = vector.broadcast %broadcast_in_dim3A_68 : vector<64x1xi1> to vector<64x128xi1>
      %select_n3A_70 = arith.select %broadcast_in_dim3A_69, %min3A_64, %get3A_67 : vector<64x128xi1>, vector<64x128xf32>
      %swap3A = arith.constant 0 : index
      %swap3A_71 = arith.constant 0 : index
      %swap3A_72 = vector.load %arg8[%swap3A, %swap3A_71] : memref<64x128xf32, #tpu.memory_space<vmem>>, vector<64x128xf32>
      tpu.vector_store %arg8[%swap3A, %swap3A_71], %select_n3A_70 {strides = array<i32>} : memref<64x128xf32, #tpu.memory_space<vmem>>, vector<64x128xf32>,
      %get3A_73 = arith.constant 0 : index
      %get3A_74 = arith.constant 0 : index
      %get3A_75 = vector.load %arg9[%get3A_73, %get3A_74] : memref<64x128xf32, #tpu.memory_space<vmem>>, vector<64x128xf32>
      %max3A = vector.broadcast %broadcast_in_dim3A_46 : vector<1x128xf32> to vector<64x128xf32>
      %max3A_76 = arith.maximumf %get3A_75, %max3A : vector<64x128xf32>
      %get3A_77 = arith.constant 0 : index
      %get3A_78 = arith.constant 0 : index
      %get3A_79 = vector.load %arg9[%get3A_77, %get3A_78] : memref<64x128xf32, #tpu.memory_space<vmem>>, vector<64x128xf32>
      %broadcast_in_dim3A_80 = vector.shape_cast %eq3A_33 : vector<64x1xi1> to vector<64x1xi1>
      %broadcast_in_dim3A_81 = vector.broadcast %broadcast_in_dim3A_80 : vector<64x1xi1> to vector<64x128xi1>
      %select_n3A_82 = arith.select %broadcast_in_dim3A_81, %max3A_76, %get3A_79 : vector<64x128xi1>, vector<64x128xf32>
      %swap3A_83 = arith.constant 0 : index
      %swap3A_84 = arith.constant 0 : index
      %swap3A_85 = vector.load %arg9[%swap3A_83, %swap3A_84] : memref<64x128xf32, #tpu.memory_space<vmem>>, vector<64x128xf32>
      tpu.vector_store %arg9[%swap3A_83, %swap3A_84], %select_n3A_82 {strides = array<i32>} : memref<64x128xf32, #tpu.memory_space<vmem>>, vector<64x128xf32>,
      %get3A_86 = arith.constant 0 : index
      %get3A_87 = arith.constant 0 : index
      %get3A_88 = vector.load %arg6[%get3A_86, %get3A_87] : memref<64x128xf32, #tpu.memory_space<vmem>>, vector<64x128xf32>
      %add3A_89 = vector.broadcast %broadcast_in_dim3A_53 : vector<1x128xf32> to vector<64x128xf32>
      %add3A_90 = arith.addf %get3A_88, %add3A_89 : vector<64x128xf32>
      %get3A_91 = arith.constant 0 : index
      %get3A_92 = arith.constant 0 : index
      %get3A_93 = vector.load %arg6[%get3A_91, %get3A_92] : memref<64x128xf32, #tpu.memory_space<vmem>>, vector<64x128xf32>
      %broadcast_in_dim3A_94 = vector.shape_cast %eq3A_33 : vector<64x1xi1> to vector<64x1xi1>
      %broadcast_in_dim3A_95 = vector.broadcast %broadcast_in_dim3A_94 : vector<64x1xi1> to vector<64x128xi1>
      %select_n3A_96 = arith.select %broadcast_in_dim3A_95, %add3A_90, %get3A_93 : vector<64x128xi1>, vector<64x128xf32>
      %swap3A_97 = arith.constant 0 : index
      %swap3A_98 = arith.constant 0 : index
      %swap3A_99 = vector.load %arg6[%swap3A_97, %swap3A_98] : memref<64x128xf32, #tpu.memory_space<vmem>>, vector<64x128xf32>
      tpu.vector_store %arg6[%swap3A_97, %swap3A_98], %select_n3A_96 {strides = array<i32>} : memref<64x128xf32, #tpu.memory_space<vmem>>, vector<64x128xf32>,
      %get3A_100 = arith.constant 0 : index
      %get3A_101 = arith.constant 0 : index
      %get3A_102 = vector.load %arg7[%get3A_100, %get3A_101] : memref<64x128xf32, #tpu.memory_space<vmem>>, vector<64x128xf32>
      %add3A_103 = vector.broadcast %reduce_sum3A_60 : f32 to vector<64x128xf32>
      %add3A_104 = arith.addf %get3A_102, %add3A_103 : vector<64x128xf32>
      %get3A_105 = arith.constant 0 : index
      %get3A_106 = arith.constant 0 : index
      %get3A_107 = vector.load %arg7[%get3A_105, %get3A_106] : memref<64x128xf32, #tpu.memory_space<vmem>>, vector<64x128xf32>
      %broadcast_in_dim3A_108 = vector.shape_cast %eq3A_33 : vector<64x1xi1> to vector<64x1xi1>
      %broadcast_in_dim3A_109 = vector.broadcast %broadcast_in_dim3A_108 : vector<64x1xi1> to vector<64x128xi1>
      %select_n3A_110 = arith.select %broadcast_in_dim3A_109, %add3A_104, %get3A_107 : vector<64x128xi1>, vector<64x128xf32>
      %swap3A_111 = arith.constant 0 : index
      %swap3A_112 = arith.constant 0 : index
      %swap3A_113 = vector.load %arg7[%swap3A_111, %swap3A_112] : memref<64x128xf32, #tpu.memory_space<vmem>>, vector<64x128xf32>
      tpu.vector_store %arg7[%swap3A_111, %swap3A_112], %select_n3A_110 {strides = array<i32>} : memref<64x128xf32, #tpu.memory_space<vmem>>, vector<64x128xf32>,
    }
    %while3A_23 = arith.constant 1 : i32
    scf.for %while3A_29 = %while3A_21 to %while3A_17 step %while3A_23  : i32 {
      %eq3A_30 = vector.broadcast %while3A_29 : i32 to vector<1000x1xi32>
      %eq3A_31 = arith.cmpi eq, %get3A_6, %eq3A_30 : vector<1000x1xi32>
      %eq3A_32 = vector.broadcast %while3A_29 : i32 to vector<64x1xi32>
      %eq3A_33 = arith.cmpi eq, %iota3A, %eq3A_32 : vector<64x1xi32>
      %jit3A = arith.constant 0x7F800000 : f32
      %broadcast_in_dim3A = vector.shape_cast %eq3A_31 : vector<1000x1xi1> to vector<1000x1xi1>
      %broadcast_in_dim3A_34 = vector.broadcast %broadcast_in_dim3A : vector<1000x1xi1> to vector<1000x128xi1>
      %broadcast_in_dim3A_35 = vector.broadcast %jit3A : f32 to vector<1000x128xf32>
      %select_n3A = arith.select %broadcast_in_dim3A_34, %get3A_3, %broadcast_in_dim3A_35 : vector<1000x128xi1>, vector<1000x128xf32>
      %reduce_min3A_36 = arith.constant dense<0x7F800000> : vector<128xf32>
      %reduce_min3A_37 = vector.multi_reduction <minimumf>, %select_n3A, %reduce_min3A_36 [0] : vector<1000x128xf32> to vector<128xf32>
      %broadcast_in_dim3A_38 = vector.shape_cast %reduce_min3A_37 : vector<128xf32> to vector<1x128xf32>
      %jit3A_39 = arith.constant 0xFF800000 : f32
      %broadcast_in_dim3A_40 = vector.shape_cast %eq3A_31 : vector<1000x1xi1> to vector<1000x1xi1>
      %broadcast_in_dim3A_41 = vector.broadcast %broadcast_in_dim3A_40 : vector<1000x1xi1> to vector<1000x128xi1>
      %broadcast_in_dim3A_42 = vector.broadcast %jit3A_39 : f32 to vector<1000x128xf32>
      %select_n3A_43 = arith.select %broadcast_in_dim3A_41, %get3A_3, %broadcast_in_dim3A_42 : vector<1000x128xi1>, vector<1000x128xf32>
      %reduce_max3A_44 = arith.constant dense<0xFF800000> : vector<128xf32>
      %reduce_max3A_45 = vector.multi_reduction <maximumf>, %select_n3A_43, %reduce_max3A_44 [0] : vector<1000x128xf32> to vector<128xf32>
      %broadcast_in_dim3A_46 = vector.shape_cast %reduce_max3A_45 : vector<128xf32> to vector<1x128xf32>
      %jit3A_47 = arith.constant 0.000000e+00 : f32
      %broadcast_in_dim3A_48 = vector.shape_cast %eq3A_31 : vector<1000x1xi1> to vector<1000x1xi1>
      %broadcast_in_dim3A_49 = vector.broadcast %broadcast_in_dim3A_48 : vector<1000x1xi1> to vector<1000x128xi1>
      %broadcast_in_dim3A_50 = vector.broadcast %jit3A_47 : f32 to vector<1000x128xf32>
      %select_n3A_51 = arith.select %broadcast_in_dim3A_49, %get3A_3, %broadcast_in_dim3A_50 : vector<1000x128xi1>, vector<1000x128xf32>
      %reduce_sum3A = arith.constant dense<0.000000e+00> : vector<128xf32>
      %reduce_sum3A_52 = vector.multi_reduction <add>, %select_n3A_51, %reduce_sum3A [0] : vector<1000x128xf32> to vector<128xf32>
      %broadcast_in_dim3A_53 = vector.shape_cast %reduce_sum3A_52 : vector<128xf32> to vector<1x128xf32>
      %convert_element_type3A_54 = arith.extui %eq3A_31 : vector<1000x1xi1> to vector<1000x1xi32>
      %convert_element_type3A_55 = arith.sitofp %convert_element_type3A_54 : vector<1000x1xi32> to vector<1000x1xf32>
      %reduce_sum3A_56 = vector.shape_cast %convert_element_type3A_55 : vector<1000x1xf32> to vector<1x1000x1xf32>
      %reduce_sum3A_57 = arith.constant dense<0.000000e+00> : vector<1xf32>
      %reduce_sum3A_58 = vector.multi_reduction <add>, %reduce_sum3A_56, %reduce_sum3A_57 [1, 2] : vector<1x1000x1xf32> to vector<1xf32>
      %reduce_sum3A_59 = vector.shape_cast %reduce_sum3A_58 : vector<1xf32> to vector<1x1x1xf32>
      %reduce_sum3A_60 = vector.extract %reduce_sum3A_59[0, 0, 0] : f32 from vector<1x1x1xf32>
      %get3A_61 = arith.constant 0 : index
      %get3A_62 = arith.constant 0 : index
      %get3A_63 = vector.load %arg8[%get3A_61, %get3A_62] : memref<64x128xf32, #tpu.memory_space<vmem>>, vector<64x128xf32>
      %min3A = vector.broadcast %broadcast_in_dim3A_38 : vector<1x128xf32> to vector<64x128xf32>
      %min3A_64 = arith.minimumf %get3A_63, %min3A : vector<64x128xf32>
      %get3A_65 = arith.constant 0 : index
      %get3A_66 = arith.constant 0 : index
      %get3A_67 = vector.load %arg8[%get3A_65, %get3A_66] : memref<64x128xf32, #tpu.memory_space<vmem>>, vector<64x128xf32>
      %broadcast_in_dim3A_68 = vector.shape_cast %eq3A_33 : vector<64x1xi1> to vector<64x1xi1>
      %broadcast_in_dim3A_69 = vector.broadcast %broadcast_in_dim3A_68 : vector<64x1xi1> to vector<64x128xi1>
      %select_n3A_70 = arith.select %broadcast_in_dim3A_69, %min3A_64, %get3A_67 : vector<64x128xi1>, vector<64x128xf32>
      %swap3A = arith.constant 0 : index
      %swap3A_71 = arith.constant 0 : index
      %swap3A_72 = vector.load %arg8[%swap3A, %swap3A_71] : memref<64x128xf32, #tpu.memory_space<vmem>>, vector<64x128xf32>
      tpu.vector_store %arg8[%swap3A, %swap3A_71], %select_n3A_70 {strides = array<i32>} : memref<64x128xf32, #tpu.memory_space<vmem>>, vector<64x128xf32>,
      %get3A_73 = arith.constant 0 : index
      %get3A_74 = arith.constant 0 : index
      %get3A_75 = vector.load %arg9[%get3A_73, %get3A_74] : memref<64x128xf32, #tpu.memory_space<vmem>>, vector<64x128xf32>
      %max3A = vector.broadcast %broadcast_in_dim3A_46 : vector<1x128xf32> to vector<64x128xf32>
      %max3A_76 = arith.maximumf %get3A_75, %max3A : vector<64x128xf32>
      %get3A_77 = arith.constant 0 : index
      %get3A_78 = arith.constant 0 : index
      %get3A_79 = vector.load %arg9[%get3A_77, %get3A_78] : memref<64x128xf32, #tpu.memory_space<vmem>>, vector<64x128xf32>
      %broadcast_in_dim3A_80 = vector.shape_cast %eq3A_33 : vector<64x1xi1> to vector<64x1xi1>
      %broadcast_in_dim3A_81 = vector.broadcast %broadcast_in_dim3A_80 : vector<64x1xi1> to vector<64x128xi1>
      %select_n3A_82 = arith.select %broadcast_in_dim3A_81, %max3A_76, %get3A_79 : vector<64x128xi1>, vector<64x128xf32>
      %swap3A_83 = arith.constant 0 : index
      %swap3A_84 = arith.constant 0 : index
      %swap3A_85 = vector.load %arg9[%swap3A_83, %swap3A_84] : memref<64x128xf32, #tpu.memory_space<vmem>>, vector<64x128xf32>
      tpu.vector_store %arg9[%swap3A_83, %swap3A_84], %select_n3A_82 {strides = array<i32>} : memref<64x128xf32, #tpu.memory_space<vmem>>, vector<64x128xf32>,
      %get3A_86 = arith.constant 0 : index
      %get3A_87 = arith.constant 0 : index
      %get3A_88 = vector.load %arg6[%get3A_86, %get3A_87] : memref<64x128xf32, #tpu.memory_space<vmem>>, vector<64x128xf32>
      %add3A_89 = vector.broadcast %broadcast_in_dim3A_53 : vector<1x128xf32> to vector<64x128xf32>
      %add3A_90 = arith.addf %get3A_88, %add3A_89 : vector<64x128xf32>
      %get3A_91 = arith.constant 0 : index
      %get3A_92 = arith.constant 0 : index
      %get3A_93 = vector.load %arg6[%get3A_91, %get3A_92] : memref<64x128xf32, #tpu.memory_space<vmem>>, vector<64x128xf32>
      %broadcast_in_dim3A_94 = vector.shape_cast %eq3A_33 : vector<64x1xi1> to vector<64x1xi1>
      %broadcast_in_dim3A_95 = vector.broadcast %broadcast_in_dim3A_94 : vector<64x1xi1> to vector<64x128xi1>
      %select_n3A_96 = arith.select %broadcast_in_dim3A_95, %add3A_90, %get3A_93 : vector<64x128xi1>, vector<64x128xf32>
      %swap3A_97 = arith.constant 0 : index
      %swap3A_98 = arith.constant 0 : index
      %swap3A_99 = vector.load %arg6[%swap3A_97, %swap3A_98] : memref<64x128xf32, #tpu.memory_space<vmem>>, vector<64x128xf32>
      tpu.vector_store %arg6[%swap3A_97, %swap3A_98], %select_n3A_96 {strides = array<i32>} : memref<64x128xf32, #tpu.memory_space<vmem>>, vector<64x128xf32>,
      %get3A_100 = arith.constant 0 : index
      %get3A_101 = arith.constant 0 : index
      %get3A_102 = vector.load %arg7[%get3A_100, %get3A_101] : memref<64x128xf32, #tpu.memory_space<vmem>>, vector<64x128xf32>
      %add3A_103 = vector.broadcast %reduce_sum3A_60 : f32 to vector<64x128xf32>
      %add3A_104 = arith.addf %get3A_102, %add3A_103 : vector<64x128xf32>
      %get3A_105 = arith.constant 0 : index
      %get3A_106 = arith.constant 0 : index
      %get3A_107 = vector.load %arg7[%get3A_105, %get3A_106] : memref<64x128xf32, #tpu.memory_space<vmem>>, vector<64x128xf32>
      %broadcast_in_dim3A_108 = vector.shape_cast %eq3A_33 : vector<64x1xi1> to vector<64x1xi1>
      %broadcast_in_dim3A_109 = vector.broadcast %broadcast_in_dim3A_108 : vector<64x1xi1> to vector<64x128xi1>
      %select_n3A_110 = arith.select %broadcast_in_dim3A_109, %add3A_104, %get3A_107 : vector<64x128xi1>, vector<64x128xf32>
      %swap3A_111 = arith.constant 0 : index
      %swap3A_112 = arith.constant 0 : index
      %swap3A_113 = vector.load %arg7[%swap3A_111, %swap3A_112] : memref<64x128xf32, #tpu.memory_space<vmem>>, vector<64x128xf32>
      tpu.vector_store %arg7[%swap3A_111, %swap3A_112], %select_n3A_110 {strides = array<i32>} : memref<64x128xf32, #tpu.memory_space<vmem>>, vector<64x128xf32>,
    }
    %eq3A_24 = arith.constant 9 : i32
    %eq3A_25 = arith.cmpi eq, %arg0, %eq3A_24 : i32
    %convert_element_type3A_26 = arith.extui %eq3A_25 : i1 to i32
    %cond3A_27 = arith.constant 0 : i32
    %cond3A_28 = arith.cmpi ne, %convert_element_type3A_26, %cond3A_27 : i32
    scf.if %cond3A_28 {
      %get3A_29 = arith.constant 0 : index
      %get3A_30 = arith.constant 0 : index
      %get3A_31 = vector.load %arg6[%get3A_29, %get3A_30] : memref<64x128xf32, #tpu.memory_space<vmem>>, vector<64x128xf32>
      %get3A_32 = arith.constant 0 : index
      %get3A_33 = arith.constant 0 : index
      %get3A_34 = vector.load %arg7[%get3A_32, %get3A_33] : memref<64x128xf32, #tpu.memory_space<vmem>>, vector<64x128xf32>
      %max3A = arith.constant 1.000000e+00 : f32
      %max3A_35 = vector.broadcast %max3A : f32 to vector<64x128xf32>
      %max3A_36 = arith.maximumf %get3A_34, %max3A_35 : vector<64x128xf32>
      %div3A = arith.divf %get3A_31, %max3A_36 : vector<64x128xf32>
      %get3A_37 = arith.constant 0 : index
      %get3A_38 = arith.constant 0 : index
      %get3A_39 = vector.load %arg8[%get3A_37, %get3A_38] : memref<64x128xf32, #tpu.memory_space<vmem>>, vector<64x128xf32>
      %get3A_40 = arith.constant 0 : index
      %get3A_41 = arith.constant 0 : index
      %get3A_42 = vector.load %arg9[%get3A_40, %get3A_41] : memref<64x128xf32, #tpu.memory_space<vmem>>, vector<64x128xf32>
      %concatenate3A = tpu.concatenate %div3A, %get3A_39, %get3A_42 in 1 : vector<64x128xf32>, vector<64x128xf32>, vector<64x128xf32> -> vector<64x384xf32>
      %get3A_43 = arith.constant 0 : index
      %get3A_44 = arith.constant 0 : index
      %get3A_45 = vector.load %arg3[%get3A_43, %get3A_44] : memref<384x2xf32, #tpu.memory_space<vmem>>, vector<384x2xf32>
      %dot_general3A = arith.constant dense<0.000000e+00> : vector<64x2xf32>
      %dot_general3A_46 = tpu.matmul %concatenate3A, %get3A_45, %dot_general3A {dimension_numbers = #tpu.dot_dimension_numbers<[1], [0], [0], [1], [0, 0, 1, 1], [], []>, transpose_lhs_hint = false} : vector<64x384xf32>, vector<384x2xf32>, vector<64x2xf32> -> vector<64x2xf32>
      %get3A_47 = arith.constant 0 : index
      %get3A_48 = arith.constant 0 : index
      %get3A_49 = vector.load %arg4[%get3A_47, %get3A_48] : memref<1x2xf32, #tpu.memory_space<vmem>>, vector<1x2xf32>
      %add3A_50 = vector.broadcast %get3A_49 : vector<1x2xf32> to vector<64x2xf32>
      %add3A_51 = arith.addf %dot_general3A_46, %add3A_50 : vector<64x2xf32>
      %swap3A = arith.constant 0 : index
      %swap3A_52 = arith.constant 0 : index
      %swap3A_53 = vector.load %arg5[%swap3A, %swap3A_52] : memref<64x2xf32, #tpu.memory_space<vmem>>, vector<64x2xf32>
      tpu.vector_store %arg5[%swap3A, %swap3A_52], %add3A_51 {strides = array<i32>} : memref<64x2xf32, #tpu.memory_space<vmem>>, vector<64x2xf32>,
    } else {
    }
    return
  }
  func.func @transform_0(%arg0: i32) -> (i32, i32) {
    %c0_i32 = arith.constant 0 : i32
    %c0_i32_0 = arith.constant 0 : i32
    return %arg0, %c0_i32 : i32, i32
  }
  func.func @transform_1(%arg0: i32) -> (i32, i32) {
    %c0_i32 = arith.constant 0 : i32
    %c0_i32_0 = arith.constant 0 : i32
    return %arg0, %c0_i32 : i32, i32
  }
  func.func @transform_2(%arg0: i32) -> (i32, i32) {
    %c0_i32 = arith.constant 0 : i32
    %c0_i32_0 = arith.constant 0 : i32
    %c0_i32_1 = arith.constant 0 : i32
    return %c0_i32, %c0_i32_0 : i32, i32
  }
  func.func @transform_3(%arg0: i32) -> (i32, i32) {
    %c0_i32 = arith.constant 0 : i32
    %c0_i32_0 = arith.constant 0 : i32
    %c0_i32_1 = arith.constant 0 : i32
    return %c0_i32, %c0_i32_0 : i32, i32
  }
  func.func @transform_4(%arg0: i32) -> (i32, i32) {
    %c0_i32 = arith.constant 0 : i32
    %c0_i32_0 = arith.constant 0 : i32
    %c0_i32_1 = arith.constant 0 : i32
    return %c0_i32, %c0_i32_0 : i32, i32
  }
}

</mosaic_0001>

<sc_bundles>
// kernel: kernel.10.cloned.1.call-start
scs
__scs_entry_jumppad:
0x0: {  	(pc) =	sbr.rel $0x88, $3  }
0x1: {  	(tag) =	ssettag $0x0;
	lr =	simm.s32 $0x1  }
0x2: {  	[smem:$0x3F94] =	sst lr;
	_ =	strace $0xD0000000  }
0x3: {  	_ = 	snop  }
0x4: {  	_ = 	snop  }
0x5: {  	_ = 	snop  }
0x6: {  	_ = 	snop  }
0x7: {  	_ = 	snop  }
__scs_overlays_trampoline_lowered:
0x8: {  	[smem:$0x3FA3] =	sst s0  }
0x9: {  	[smem:$0x3FA4] =	sst s1  }
0xa: {  	[smem:$0x3FA5] =	sst s2  }
0xb: {  	[smem:$0x3FA6] =	sst s3  }
0xc: {  	[smem:$0x3FA7] =	sst s4  }
0xd: {  	[smem:$0x3FA8] =	sst s5  }
0xe: {  	[smem:$0x3FA9] =	sst s6  }
0xf: {  	[smem:$0x3FAA] =	sst s7  }
0x10: {  	[smem:$0x3FAB] =	sst s8  }
0x11: {  	[smem:$0x3FAC] =	sst s9;
	s0 =	simm.s32 @!p0 $0x0  }
0x12: {  	s1 =	sld [smem:$0x3F92];
	s0 =	simm.s32 @p0 $0x1  }
0x13: {  	[smem:$0x3FAD] =	sst s0;
	s0 =	simm.s32 @!p1 $0x0  }
0x14: {  	s2 =	sld [smem:$0x3F91];
	s0 =	simm.s32 @p1 $0x1  }
0x15: {  	[smem:$0x3FAE] =	sst s0;
	s0 =	simm.s32 @!p2 $0x0  }
0x16: {  	s3 =	sld [smem:$0x3FDB];
	s0 =	simm.s32 @p2 $0x1  }
0x17: {  	s4 =	simm.s32 $0x1BF5;
	[smem:$0x3FB0] =	sst s0  }
0x18: {  	s0 =	sld [smem:$0x3F93];
	_ =	swait.ge [sflag:s4], $0x0  }
0x19: {  	s7 =	sld [smem:$0x3F94]  }
0x1a: {  	s8 =	sadd.s32 $0xFFFFE003, lr  }
0x1b: {  	s9 =	sadd.s32 $0xFFFFFEF7, lr;
	s5 =	simm.s32 $0xFFFFFFFF;
	p2 =	slt.u32 s8, $0xFFFFF086  }
0x1c: {  	p1 =	slt.u32 s9, $0xF7A;
	s5 =	simm.s32 @!p2 $0x0  }
0x1d: {  	s5 =	simm.s32 @p1 $0x1;
	p0 =	seq.s32 s7, s2  }
0x1e: {  	s7 =	smul.u32 @!p0 $0xF7A, s2;
	p2 =	seq.s32 @!p0 s5, $0x0  }
0x1f: {  	s9 =	smul.u32 $0xF7A, s1;
	s8 =	simm.s32 @!p0 $0x1BF5;
	p2 =	por !p2, p0  }
0x20: {  	[sflag:s8] =	ssyncset.s32 @!p0 $0xFFFFF086;
	s6 =	sadd.s32 @!p0 s3, s7;
	s7 =	simm.s32 @!p0 $0x108  }
0x21: {  	s3 =	sadd.s32 s3, s9;
	s6 =	sadd.s32 @!p0 $0x88, s6;
	s7 =	simm.s32 @p2 $0x1082  }
0x22: {  	[simem:s7], [sflag:s8] =	dma.local @!p0 [hbm:s6], $0xF7A  }
0x23: {  	s9 =	sor.u32 $0xD0000000, s2;
	s6 =	simm.s32 $0x108;
	_ =	swait.ge @!p0 [sflag:s8], $0x0  }
0x24: {  	s3 =	sadd.s32 $0x88, s3;
	s6 =	simm.s32 @!p1 $0x1082;
	[sflag:s4] =	ssyncset.s32 $0xFFFFF086  }
0x25: {  	[simem:s6], [sflag:s4] =	dma.local [hbm:s3], $0xF7A  }
0x26: {  	[smem:$0x3F94] =	sst s1;
	(tag) =	ssettag s2;
	_ =	strace s9  }
0x27: {  	s1 =	sld [smem:$0x3FA4]  }
0x28: {  	s2 =	sld [smem:$0x3FA5]  }
0x29: {  	s4 =	sld [smem:$0x3FA7]  }
0x2a: {  	p0 =	seq.s32 s5, $0x0;
	s5 =	sld [smem:$0x3FA8]  }
0x2b: {  	s6 =	sld [smem:$0x3FA9]  }
0x2c: {  	s7 =	sld [smem:$0x3FAA]  }
0x2d: {  	s3 =	simm.s32 $0x108;
	s8 =	sld [smem:$0x3FAB]  }
0x2e: {  	s3 =	simm.s32 @!p0 $0x1082;
	s9 =	sld [smem:$0x3FAC]  }
0x2f: {  	lr =	sadd.s32 s0, s3;
	s0 =	sld [smem:$0x3FA3]  }
0x30: {  	s3 =	sld [smem:$0x3FA6]  }
0x31: {  	[smem:$0x3FAF] =	sst s10  }
0x32: {  	s10 =	sld [smem:$0x3FAD];
	_ =	sdelay $0x3  }
0x33: {  	p0 =	seq.s32 s10, $0x1;
	s10 =	sld [smem:$0x3FAF];
	_ =	sdelay $0x3  }
0x34: {  	[smem:$0x3FAF] =	sst s10  }
0x35: {  	s10 =	sld [smem:$0x3FAE];
	_ =	sdelay $0x3  }
0x36: {  	p1 =	seq.s32 s10, $0x1;
	s10 =	sld [smem:$0x3FAF];
	_ =	sdelay $0x3  }
0x37: {  	[smem:$0x3FAF] =	sst s10  }
0x38: {  	s10 =	sld [smem:$0x3FB0]  }
0x39: {  	_ = 	snop;
	(pc) =	sbr.ind lr, $3  }
0x3a: {  	_ = 	snop  }
0x3b: {  	_ = 	snop  }
0x3c: {  	p2 =	seq.s32 s10, $0x1;
	s10 =	sld [smem:$0x3FAF]  }
0x3d: {  	_ =	shalt  }
0x3e: {  	_ =	shalt  }
0x3f: {  	_ =	shalt  }
0x40: {  	_ =	shalt  }
0x41: {  	_ =	shalt  }
0x42: {  	_ =	shalt  }
0x43: {  	_ =	shalt  }
0x44: {  	_ =	shalt  }
0x45: {  	_ =	shalt  }
0x46: {  	_ =	shalt  }
0x47: {  	_ =	shalt  }
0x48: {  	_ =	shalt  }
0x49: {  	_ =	shalt  }
0x4a: {  	_ =	shalt  }
0x4b: {  	_ =	shalt  }
0x4c: {  	_ =	shalt  }
0x4d: {  	_ =	shalt  }
0x4e: {  	_ =	shalt  }
0x4f: {  	_ =	shalt  }
0x50: {  	_ =	shalt  }
0x51: {  	_ =	shalt  }
0x52: {  	_ =	shalt  }
0x53: {  	_ =	shalt  }
0x54: {  	_ =	shalt  }
0x55: {  	_ =	shalt  }
0x56: {  	_ =	shalt  }
0x57: {  	_ =	shalt  }
0x58: {  	_ =	shalt  }
0x59: {  	_ =	shalt  }
0x5a: {  	_ =	shalt  }
0x5b: {  	_ =	shalt  }
0x5c: {  	_ =	shalt  }
0x5d: {  	_ =	shalt  }
0x5e: {  	_ =	shalt  }
0x5f: {  	_ =	shalt  }
0x60: {  	_ =	shalt  }
0x61: {  	_ =	shalt  }
0x62: {  	_ =	shalt  }
0x63: {  	_ =	shalt  }
0x64: {  	_ =	shalt  }
0x65: {  	_ =	shalt  }
0x66: {  	_ =	shalt  }
0x67: {  	_ =	shalt  }
0x68: {  	_ =	shalt  }
0x69: {  	_ =	shalt  }
0x6a: {  	_ =	shalt  }
0x6b: {  	_ =	shalt  }
0x6c: {  	_ =	shalt  }
0x6d: {  	_ =	shalt  }
0x6e: {  	_ =	shalt  }
0x6f: {  	_ =	shalt  }
0x70: {  	_ =	shalt  }
0x71: {  	_ =	shalt  }
0x72: {  	_ =	shalt  }
0x73: {  	_ =	shalt  }
0x74: {  	_ =	shalt  }
0x75: {  	_ =	shalt  }
0x76: {  	_ =	shalt  }
0x77: {  	_ =	shalt  }
0x78: {  	_ =	shalt  }
0x79: {  	_ =	shalt  }
0x7a: {  	_ =	shalt  }
0x7b: {  	_ =	shalt  }
0x7c: {  	_ =	shalt  }
0x7d: {  	_ =	shalt  }
0x7e: {  	_ =	shalt  }
0x7f: {  	_ =	shalt  }
0x80: {  	_ =	shalt  }
0x81: {  	_ =	shalt  }
0x82: {  	_ =	shalt  }
0x83: {  	_ =	shalt  }
0x84: {  	_ =	shalt  }
0x85: {  	_ =	shalt  }
0x86: {  	_ =	shalt  }
0x87: {  	_ =	shalt  }
.Lfunc_end0:
.L_simem_size_0:
called_computation_lowered:
.L_overlay_start_0:
0x88: {  	s2 =	sld [smem:$0x3FD9]  }
0x89: {  	s3 =	sld [smem:$0x3FFE];
	_ =	sdelay $0x1  }
0x8a: {  	s1 =	srdreg.scid  }
0x8b: {  	s0 =	sand.u32 $0x1, s1  }
0x8c: {  	s17 =	sshll.u32 s0, $0xA;
	s2 =	sadd.s32 s3, s2  }
0x8d: {  	s2 =	sadd.s32 s2, s17  }
0x8e: {  	[smem:$0x3FBB] =	sst s2  }
0x8f: {  	_ = 	snop  }
0x90: {  	(tm) =	ssettm $0x1  }
0x91: {  	s18 =	sld [smem:$0x3FFB];
	_ =	sdelay $0x3  }
0x92: {  	_ =	strace s18  }
0x93: {  	s2 =	sld [smem:$0x3FFC];
	_ =	sdelay $0x3  }
0x94: {  	_ =	strace s2  }
0x95: {  	s2 =	sld [smem:$0x3FFD];
	_ =	sdelay $0x3  }
0x96: {  	_ =	strace s2  }
0x97: {  	_ =	strace $0x8FFFFFFF  }
0x98: {  	s19 =	sld [smem:$0x3FDB];
	_ =	sdelay $0x1  }
0x99: {  	s20 =	simm.s32 $_scs_section_size  }
0x9a: {  	s4 =	simm.s32 $_size__tile_overlayer_lowered;
	s5 =	simm.s32 $_tile_overlayer_lowered  }
0x9b: {  	s6 =	simm.s32 $0x1BFF;
	s21 =	sshll.u32 s5, $0x1;
	s3 =	sadd.s32 s20, s19  }
0x9c: {  	s22 =	simm.s32 $0x0;
	s4 =	sshll.u32 s4, $0x1;
	s5 =	sadd.s32 s21, s3  }
0x9d: {  	[timem:s22], [sflag:s6] =	dma.local [hbm:s5], s4  }
0x9e: {  	_ =	swait.ge [sflag:s6], s4  }
0x9f: {  	s4 =	ssub.s32 $0x0, s4;
	[sflag:s6] =	ssyncset.done $0x0  }
0xa0: {  	[sflag:s6] =	ssyncadd.s32 s4;
	_ =	sdelay $0x1  }
0xa1: {  	s23 =	simm.s32 $0x1B8B  }
0xa2: {  	_ =	swait.ge [sflag:s23], $0x1  }
0xa3: {  	[sflag:s23] =	ssyncset.done $0x0  }
0xa4: {  	[sflag:s23] =	ssyncadd.s32 $0xFFFFFFFF  }
0xa5: {  	s4 =	sld [smem:$0x0]  }
0xa6: {  	s5 =	sand.u32 $0xFFFFFFFE, s1  }
0xa7: {  	p0 =	sne.s32 s1, s5  }
0xa8: {  	s5 =	sshll.u32 @p0 s5, $0xE  }
0xa9: {  	s5 =	sadd.s32 @p0 $0x11B8D, s5;
	s6 =	sshll.u32 @p0 s4, $0x11  }
0xaa: {  	s5 =	sor.u32 @p0 s6, s5  }
0xab: {  	[sflag:s5] =	ssyncadd.remote.s32 @p0 $0x1;
	_ =	sdelay $0x1  }
0xac: {  	s5 =	simm.s32 @p0 $0x1B8D  }
0xad: {  	_ =	swait.eq @p0 [sflag:s5], $0x1  }
0xae: {  	[sflag:s5] =	ssyncadd.s32 @p0 $0xFFFFFFFF  }
0xaf: {  	s6 =	sshll.u32 @!p0 s1, $0xE  }
0xb0: {  	s6 =	sor.u32 @!p0 $0x4000, s6;
	s5 =	simm.s32 @!p0 $0x1B8D  }
0xb1: {  	s4 =	sshll.u32 @!p0 s4, $0x11;
	s6 =	sadd.s32 @!p0 $0x11B8D, s6;
	_ =	swait.eq @!p0 [sflag:s5], $0x1  }
0xb2: {  	s4 =	sor.u32 @!p0 s4, s6;
	[sflag:s5] =	ssyncadd.s32 @!p0 $0xFFFFFFFF  }
0xb3: {  	s25 =	simm.s32 $0x1B8E;
	s24 =	sld [smem:$0x3FFE];
	[sflag:s4] =	ssyncadd.remote.s32 @!p0 $0x1  }
0xb4: {  	s26 =	simm.s32 $execute0_lowered;
	[smem:$0x3FD2] =	sst s25  }
0xb5: {  	s5 =	sshll.u32 s26, $0x1;
	_ =	strace $0x80000049;
	[dreg:$0x1] =	wrdreg $0xFFFFFFFF  }
0xb6: {  	s28 =	simm.s32 $_size_execute0_lowered;
	s3 =	sadd.s32 s3, s5;
	[dreg:$0x0] =	wrdreg $0x0  }
0xb7: {  	s5 =	sshll.u32 s28, $0x1;
	[dreg:$0x2] =	wrdreg s3  }
0xb8: {  	[dreg:$0x3] =	wrdreg s5  }
0xb9: {  	[dreg:$0x4] =	wrdreg $0xC0  }
0xba: {  	_ =	task [dreg:s22], $0x5FFFF  }
0xbb: {  	[dreg:$0x1] =	wrdreg $0xFFFFFFFF  }
0xbc: {  	[dreg:$0x0] =	wrdreg $0x60  }
0xbd: {  	[dreg:$0x2] =	wrdreg s24  }
0xbe: {  	[dreg:$0x3] =	wrdreg $0x68000  }
0xbf: {  	[dreg:$0x4] =	wrdreg $0x9  }
0xc0: {  	_ =	task.clear_ibuf [dreg:s22], $0x5FFFF;
	_ =	strace $0x90000049  }
0xc1: {  	s29 =	simm.s32 $0x9;
	_ =	strace $0x8000004B  }
0xc2: {  	_ =	swait.ge [sflag:s29], $0x1  }
0xc3: {  	[sflag:s29] =	ssyncadd.s32 $0xFFFFFFFF  }
0xc4: {  	_ =	strace $0x9000004B  }
0xc5: {  	_ =	sfence  }
0xc6: {  	s30 =	sld [smem:$0x0];
	_ =	sdelay $0x2  }
0xc7: {  	s31 =	sshll.u32 s1, $0xD;
	s1 =	sshrl.u32 s1, $0x2  }
0xc8: {  	s4 =	sand.u32 $0x4000, s31;
	s1 =	sadd.s32 s1, s30  }
0xc9: {  	s0 =	sor.u32 s4, s0;
	s1 =	sshll.u32 s1, $0x11  }
0xca: {  	s0 =	sor.u32 s1, s0  }
0xcb: {  	s0 =	sadd.s32 $0x8F2B, s0  }
0xcc: {  	[sflag:s0] =	ssyncadd.remote.s32 $0x1  }
0xcd: {  	_ =	sfence.sel $0xFFFF  }
0xce: {  	[dreg:$0x0] =	wrdreg $0xFFFFFFFF;
	(pc) =	sbr.abs _section_cstart, $3  }
0xcf: {  	[dreg:$0x1] =	wrdreg $0xFFFFFFFF  }
0xd0: {  	_ =	task.clear_ibuf [dreg:s22], $0x2FFFF;
	_ =	strace $0x9FFFFFFF  }
0xd1: {  	(tm) =	ssettm $0x7FFFFFFF  }
tec
execute0_lowered:
.L_overlay_start_1:
0x0: {  	(tag) =	ssettag $0x1  }
0x1: {  	s0 =	srdreg.scid;
	s5 =	rddreg [dreg:$0x0]  }
0x2: {  	s2 =	rddreg [dreg:$0x1];
	s4 =	sand.u32 $0x1, s0;
	s0 =	stileid.u32  }
0x3: {  	s3 =	simm.s32 $0x0;
	s11 =	simm.s32 $0x2800;
	s12 =	smul.u32 $0x2780, s0  }
0x4: {  	[smem:$0x7FF] =	sst s3;
	s1 =	sshll.u32 s4, $0x4;
	s7 =	smul.u32 $0x27800, s4  }
0x5: {  	s4 =	ssub.s32 $0x2, s4;
	s8 =	smul.u32 $0x4F000, s0;
	s31 =	sshll.u32 s0, $0x6  }
0x6: {  	s6 =	sor.u32 s0, s1;
	s1 =	rddreg [dreg:$0x2];
	_ =	strace $0x8000004A  }
0x7: {  	s29 =	sshrl.u32 s4, $0x1;
	s6 =	smul.u32 $0x500, s6;
	s9 =	sadd.s32 s12, s5  }
0x8: {  	s7 =	sadd.s32 s7, s5;
	s10 =	ssub.s32 s4, s29;
	s30 =	sshrl.u32 s8, $0x2  }
0x9: {  	s8 =	sadd.s32 s30, s2;
	s4 =	sadd.s32 $0x3E200, s9;
	s13 =	sadd.s32 $0xB4A00, s7  }
0xa: {  	s7 =	smax.u32 s10, $0x1;
	s9 =	simm.s32 $0x1;
	s10 =	simm.s32 $0x80  }
0xb: {  	s6 =	sadd.s32 s6, s5;
	s5 =	sor.u32 $0x1C01, s31;
	s8 =	sshrl.u32 s8, $0x3  }
0xc: {  	v0 =	vimm.f32 $1.000000000e+00;
	s12 =	sadd.s32 s12, s13;
	s13 =	simm.s32 $0x0;
	s6 =	sadd.s32 $0x2A200, s6  }
.LBB2_1:
0xd: {  	[spmem:s8], [sflag:s5] =	dma.local [hbm:s4], $0x2780  }
0xe: {  	_ =	swait.ge [sflag:s9], $0x2780  }
0xf: {  	[sflag:s9] =	ssyncset.done $0x0  }
0x10: {  	[sflag:s9] =	ssyncadd.s32 $0xFFFFD880  }
0x11: {  	[tilespmem:s3], [sflag:$0x1] =	stream.linear.gather [hbm4b:s6+s3], $0x2800, $0x38;
	[tilespmem:$0x1A400] =	vst v63  }
0x12: {  	_ =	swait.ge [sflag:s9], $0x2800  }
0x13: {  	[sflag:s9] =	ssyncset.done $0x0  }
0x14: {  	s14 =	simm.s32 $0x0;
	s15 =	simm.s32 $0x200;
	[sflag:s9] =	ssyncadd.s32 $0xFFFFD800  }
.LBB2_2:
0x15: {  	p0 =	sne.s32 s15, $0xFE00;
	[tilespmem:s14+$0x2870] =	vst v0  }
0x16: {  	[tilespmem:s14+$0x2800] =	vst v0  }
0x17: {  	[tilespmem:s14+$0x2810] =	vst v0  }
.Ltmp0:
0x18: {  	[tilespmem:s14+$0x2820] =	vst v0;
	(pc) =	sbr.rel @p0 .LBB2_2-.Ltmp0, $4  }
0x19: {  	[tilespmem:s14+$0x2830] =	vst v0  }
0x1a: {  	[tilespmem:s14+$0x2840] =	vst v0  }
0x1b: {  	[tilespmem:s14+$0x2850] =	vst v0  }
0x1c: {  	[tilespmem:s14+$0x2860] =	vst v0;
	s14 =	sshra.s32 s15, $0x2;
	s15 =	sadd.s32 $0x200, s15  }
0x1d: {  	[tilespmem:s14+$0x2870] =	vst v0  }
0x1e: {  	[tilespmem:s14+$0x2800] =	vst v0  }
0x1f: {  	[tilespmem:s14+$0x2810] =	vst v0  }
0x20: {  	[tilespmem:s14+$0x2820] =	vst v0  }
0x21: {  	[tilespmem:s14+$0x2830] =	vst v0  }
0x22: {  	[tilespmem:s14+$0x2840] =	vst v0  }
0x23: {  	[tilespmem:s14+$0x2850] =	vst v0  }
0x24: {  	[tilespmem:s14+$0x2860] =	vst v0  }
0x25: {  	s31 =	simm.s32 $0x0;
	[bflag:$0x0] =	sbarrier.arrive $0xFFFF  }
0x26: {  	[spmem:s2] =	stream.indirect.scatter.add.f32 [tilespmem:s11], [sflag:$0x1], $0x80, s31, s10, $0xb8;
	[tilespmem:$0x1A400] =	vst v63  }
0x27: {  	_ =	swait.ge [sflag:s9], $0x4000  }
0x28: {  	s14 =	simm.s32 $0x200;
	[sflag:s9] =	ssyncset.done $0x0  }
.LBB2_4:
0x29: {  	s15 =	sshra.s32 s14, $0x2;
	[sflag:s9] =	ssyncadd.s32 $0xFFFFC000;
	p0 =	sne.s32 s14, $0x9E00  }
0x2a: {  	[spmem:s2] =	stream.indirect.scatter.add.f32 [tilespmem:s11], [sflag:$0x1], $0x80, s15, s10, $0xb8;
	[tilespmem:$0x1A400] =	vst v63  }
.Ltmp1:
0x2b: {  	_ = 	snop;
	(pc) =	sbr.rel @p0 .LBB2_4-.Ltmp1, $4  }
0x2c: {  	_ = 	snop  }
0x2d: {  	s14 =	sadd.s32 $0x200, s14  }
0x2e: {  	_ =	swait.ge [sflag:s9], $0x4000  }
0x2f: {  	[sflag:s9] =	ssyncset.done $0x0  }
0x30: {  	s13 =	sadd.s32 $0x1, s13  }
0x31: {  	[sflag:s9] =	ssyncadd.s32 $0xFFFFC000;
	p0 =	sne.s32 s13, s7  }
.Ltmp2:
0x32: {  	[bflag:$0x0] =	sbarrier.arrive $0xFFFF;
	(pc) =	sbr.rel @p0 .LBB2_1-.Ltmp2, $4  }
0x33: {  	[hbm:s12], [sflag:s5] =	dma.local [spmem:s8], $0x2780  }
0x34: {  	_ =	swait.ge [sflag:s9], $0x2780  }
0x35: {  	[sflag:s9] =	ssyncset.done $0x0  }
0x36: {  	[sflag:s9] =	ssyncadd.s32 $0xFFFFD880  }
0x37: {  	_ =	sfence.sel $0x180000  }
0x38: {  	[bflag:$0x0] =	sbarrier.arrive $0xFFFF  }
0x39: {  	p0 =	sne.s32 s0, $0x0;
	_ =	strace $0x9000004A  }
0x3a: {  	s0 =	sadd.s32 @!p0 $0x100000, s1;
	[bflag:$0x2] =	sbarrier.arrive $0xFFFF  }
0x3b: {  	[sflag:s0] =	ssyncadd.tile.s32 @!p0 $0x1;
	_ =	shalt  }
.Lfunc_end2:
_tile_overlayer_lowered:
.L_overlay_start_2:
0x3c: {  	(tag) =	ssettag $0x2  }
0x3d: {  	s0 =	rddreg [dreg:$0x0];
	s2 =	stileid.u32  }
0x3e: {  	s1 =	rddreg [dreg:$0x1];
	p0 =	sne.s32 s2, $0x0  }
0x3f: {  	s3 =	rddreg [dreg:$0x2];
	[bflag:$0x3] =	sbarrier.arrive $0xFFFF;
	s2 =	simm.s32 @!p0 $0x1C01  }
0x40: {  	[timem:s3], [sflag:s2] =	dma.local @!p0 [hbm:s0], s1  }
0x41: {  	s0 =	simm.s32 @!p0 $0x1  }
0x42: {  	_ =	swait.ge @!p0 [sflag:s0], s1  }
0x43: {  	s1 =	ssub.s32 @!p0 $0x0, s1;
	[sflag:s0] =	ssyncset.done @!p0 $0x0  }
0x44: {  	[sflag:s0] =	ssyncadd.s32 @!p0 s1  }
0x45: {  	[bflag:$0x3] =	sbarrier.arrive $0xFFFF  }
0x46: {  	_ =	shalt  }

// kernel: kernel.13.cloned.1.call-start
scs
__scs_entry_jumppad:
0x0: {  	(pc) =	sbr.rel $0x88, $3  }
0x1: {  	(tag) =	ssettag $0x0;
	lr =	simm.s32 $0x1  }
0x2: {  	[smem:$0x3F94] =	sst lr;
	_ =	strace $0xD0000000  }
0x3: {  	_ = 	snop  }
0x4: {  	_ = 	snop  }
0x5: {  	_ = 	snop  }
0x6: {  	_ = 	snop  }
0x7: {  	_ = 	snop  }
__scs_overlays_trampoline_lowered:
0x8: {  	[smem:$0x3FA3] =	sst s0  }
0x9: {  	[smem:$0x3FA4] =	sst s1  }
0xa: {  	[smem:$0x3FA5] =	sst s2  }
0xb: {  	[smem:$0x3FA6] =	sst s3  }
0xc: {  	[smem:$0x3FA7] =	sst s4  }
0xd: {  	[smem:$0x3FA8] =	sst s5  }
0xe: {  	[smem:$0x3FA9] =	sst s6  }
0xf: {  	[smem:$0x3FAA] =	sst s7  }
0x10: {  	[smem:$0x3FAB] =	sst s8  }
0x11: {  	[smem:$0x3FAC] =	sst s9;
	s0 =	simm.s32 @!p0 $0x0  }
0x12: {  	s1 =	sld [smem:$0x3F92];
	s0 =	simm.s32 @p0 $0x1  }
0x13: {  	[smem:$0x3FAD] =	sst s0;
	s0 =	simm.s32 @!p1 $0x0  }
0x14: {  	s2 =	sld [smem:$0x3F91];
	s0 =	simm.s32 @p1 $0x1  }
0x15: {  	[smem:$0x3FAE] =	sst s0;
	s0 =	simm.s32 @!p2 $0x0  }
0x16: {  	s3 =	sld [smem:$0x3FDB];
	s0 =	simm.s32 @p2 $0x1  }
0x17: {  	s4 =	simm.s32 $0x1BF5;
	[smem:$0x3FB0] =	sst s0  }
0x18: {  	s0 =	sld [smem:$0x3F93];
	_ =	swait.ge [sflag:s4], $0x0  }
0x19: {  	s7 =	sld [smem:$0x3F94]  }
0x1a: {  	s8 =	sadd.s32 $0xFFFFE003, lr  }
0x1b: {  	s9 =	sadd.s32 $0xFFFFFEF7, lr;
	s5 =	simm.s32 $0xFFFFFFFF;
	p2 =	slt.u32 s8, $0xFFFFF086  }
0x1c: {  	p1 =	slt.u32 s9, $0xF7A;
	s5 =	simm.s32 @!p2 $0x0  }
0x1d: {  	s5 =	simm.s32 @p1 $0x1;
	p0 =	seq.s32 s7, s2  }
0x1e: {  	s7 =	smul.u32 @!p0 $0xF7A, s2;
	p2 =	seq.s32 @!p0 s5, $0x0  }
0x1f: {  	s9 =	smul.u32 $0xF7A, s1;
	s8 =	simm.s32 @!p0 $0x1BF5;
	p2 =	por !p2, p0  }
0x20: {  	[sflag:s8] =	ssyncset.s32 @!p0 $0xFFFFF086;
	s6 =	sadd.s32 @!p0 s3, s7;
	s7 =	simm.s32 @!p0 $0x108  }
0x21: {  	s3 =	sadd.s32 s3, s9;
	s6 =	sadd.s32 @!p0 $0x88, s6;
	s7 =	simm.s32 @p2 $0x1082  }
0x22: {  	[simem:s7], [sflag:s8] =	dma.local @!p0 [hbm:s6], $0xF7A  }
0x23: {  	s9 =	sor.u32 $0xD0000000, s2;
	s6 =	simm.s32 $0x108;
	_ =	swait.ge @!p0 [sflag:s8], $0x0  }
0x24: {  	s3 =	sadd.s32 $0x88, s3;
	s6 =	simm.s32 @!p1 $0x1082;
	[sflag:s4] =	ssyncset.s32 $0xFFFFF086  }
0x25: {  	[simem:s6], [sflag:s4] =	dma.local [hbm:s3], $0xF7A  }
0x26: {  	[smem:$0x3F94] =	sst s1;
	(tag) =	ssettag s2;
	_ =	strace s9  }
0x27: {  	s1 =	sld [smem:$0x3FA4]  }
0x28: {  	s2 =	sld [smem:$0x3FA5]  }
0x29: {  	s4 =	sld [smem:$0x3FA7]  }
0x2a: {  	p0 =	seq.s32 s5, $0x0;
	s5 =	sld [smem:$0x3FA8]  }
0x2b: {  	s6 =	sld [smem:$0x3FA9]  }
0x2c: {  	s7 =	sld [smem:$0x3FAA]  }
0x2d: {  	s3 =	simm.s32 $0x108;
	s8 =	sld [smem:$0x3FAB]  }
0x2e: {  	s3 =	simm.s32 @!p0 $0x1082;
	s9 =	sld [smem:$0x3FAC]  }
0x2f: {  	lr =	sadd.s32 s0, s3;
	s0 =	sld [smem:$0x3FA3]  }
0x30: {  	s3 =	sld [smem:$0x3FA6]  }
0x31: {  	[smem:$0x3FAF] =	sst s10  }
0x32: {  	s10 =	sld [smem:$0x3FAD];
	_ =	sdelay $0x3  }
0x33: {  	p0 =	seq.s32 s10, $0x1;
	s10 =	sld [smem:$0x3FAF];
	_ =	sdelay $0x3  }
0x34: {  	[smem:$0x3FAF] =	sst s10  }
0x35: {  	s10 =	sld [smem:$0x3FAE];
	_ =	sdelay $0x3  }
0x36: {  	p1 =	seq.s32 s10, $0x1;
	s10 =	sld [smem:$0x3FAF];
	_ =	sdelay $0x3  }
0x37: {  	[smem:$0x3FAF] =	sst s10  }
0x38: {  	s10 =	sld [smem:$0x3FB0]  }
0x39: {  	_ = 	snop;
	(pc) =	sbr.ind lr, $3  }
0x3a: {  	_ = 	snop  }
0x3b: {  	_ = 	snop  }
0x3c: {  	p2 =	seq.s32 s10, $0x1;
	s10 =	sld [smem:$0x3FAF]  }
0x3d: {  	_ =	shalt  }
0x3e: {  	_ =	shalt  }
0x3f: {  	_ =	shalt  }
0x40: {  	_ =	shalt  }
0x41: {  	_ =	shalt  }
0x42: {  	_ =	shalt  }
0x43: {  	_ =	shalt  }
0x44: {  	_ =	shalt  }
0x45: {  	_ =	shalt  }
0x46: {  	_ =	shalt  }
0x47: {  	_ =	shalt  }
0x48: {  	_ =	shalt  }
0x49: {  	_ =	shalt  }
0x4a: {  	_ =	shalt  }
0x4b: {  	_ =	shalt  }
0x4c: {  	_ =	shalt  }
0x4d: {  	_ =	shalt  }
0x4e: {  	_ =	shalt  }
0x4f: {  	_ =	shalt  }
0x50: {  	_ =	shalt  }
0x51: {  	_ =	shalt  }
0x52: {  	_ =	shalt  }
0x53: {  	_ =	shalt  }
0x54: {  	_ =	shalt  }
0x55: {  	_ =	shalt  }
0x56: {  	_ =	shalt  }
0x57: {  	_ =	shalt  }
0x58: {  	_ =	shalt  }
0x59: {  	_ =	shalt  }
0x5a: {  	_ =	shalt  }
0x5b: {  	_ =	shalt  }
0x5c: {  	_ =	shalt  }
0x5d: {  	_ =	shalt  }
0x5e: {  	_ =	shalt  }
0x5f: {  	_ =	shalt  }
0x60: {  	_ =	shalt  }
0x61: {  	_ =	shalt  }
0x62: {  	_ =	shalt  }
0x63: {  	_ =	shalt  }
0x64: {  	_ =	shalt  }
0x65: {  	_ =	shalt  }
0x66: {  	_ =	shalt  }
0x67: {  	_ =	shalt  }
0x68: {  	_ =	shalt  }
0x69: {  	_ =	shalt  }
0x6a: {  	_ =	shalt  }
0x6b: {  	_ =	shalt  }
0x6c: {  	_ =	shalt  }
0x6d: {  	_ =	shalt  }
0x6e: {  	_ =	shalt  }
0x6f: {  	_ =	shalt  }
0x70: {  	_ =	shalt  }
0x71: {  	_ =	shalt  }
0x72: {  	_ =	shalt  }
0x73: {  	_ =	shalt  }
0x74: {  	_ =	shalt  }
0x75: {  	_ =	shalt  }
0x76: {  	_ =	shalt  }
0x77: {  	_ =	shalt  }
0x78: {  	_ =	shalt  }
0x79: {  	_ =	shalt  }
0x7a: {  	_ =	shalt  }
0x7b: {  	_ =	shalt  }
0x7c: {  	_ =	shalt  }
0x7d: {  	_ =	shalt  }
0x7e: {  	_ =	shalt  }
0x7f: {  	_ =	shalt  }
0x80: {  	_ =	shalt  }
0x81: {  	_ =	shalt  }
0x82: {  	_ =	shalt  }
0x83: {  	_ =	shalt  }
0x84: {  	_ =	shalt  }
0x85: {  	_ =	shalt  }
0x86: {  	_ =	shalt  }
0x87: {  	_ =	shalt  }
.Lfunc_end0:
.L_simem_size_0:
called_computation.1_lowered:
.L_overlay_start_0:
0x88: {  	s2 =	sld [smem:$0x3FD9]  }
0x89: {  	s3 =	sld [smem:$0x3FFE];
	_ =	sdelay $0x1  }
0x8a: {  	s1 =	srdreg.scid  }
0x8b: {  	s0 =	sand.u32 $0x1, s1  }
0x8c: {  	s16 =	sshll.u32 s0, $0xA;
	s2 =	sadd.s32 s3, s2  }
0x8d: {  	s2 =	sadd.s32 s2, s16  }
0x8e: {  	[smem:$0x3FBB] =	sst s2  }
0x8f: {  	_ = 	snop  }
0x90: {  	(tm) =	ssettm $0x1  }
0x91: {  	s17 =	sld [smem:$0x3FFB];
	_ =	sdelay $0x3  }
0x92: {  	_ =	strace s17  }
0x93: {  	s2 =	sld [smem:$0x3FFC];
	_ =	sdelay $0x3  }
0x94: {  	_ =	strace s2  }
0x95: {  	s2 =	sld [smem:$0x3FFD];
	_ =	sdelay $0x3  }
0x96: {  	_ =	strace s2  }
0x97: {  	_ =	strace $0x8FFFFFFF  }
0x98: {  	s18 =	sld [smem:$0x3FDB];
	_ =	sdelay $0x1  }
0x99: {  	s19 =	simm.s32 $_scs_section_size  }
0x9a: {  	s4 =	simm.s32 $_size__tile_overlayer_lowered;
	s5 =	simm.s32 $_tile_overlayer_lowered  }
0x9b: {  	s22 =	simm.s32 $0x1BFF;
	s21 =	sshll.u32 s5, $0x1;
	s2 =	sadd.s32 s19, s18  }
0x9c: {  	s6 =	simm.s32 $0x0;
	s20 =	sshll.u32 s4, $0x1;
	s4 =	sadd.s32 s21, s2  }
0x9d: {  	[timem:s6], [sflag:s22] =	dma.local [hbm:s4], s20  }
0x9e: {  	_ =	swait.ge [sflag:s22], s20  }
0x9f: {  	s3 =	ssub.s32 $0x0, s20;
	[sflag:s22] =	ssyncset.done $0x0  }
0xa0: {  	[sflag:s22] =	ssyncadd.s32 s3;
	_ =	sdelay $0x1  }
0xa1: {  	s23 =	simm.s32 $0x1B8B  }
0xa2: {  	_ =	swait.ge [sflag:s23], $0x1  }
0xa3: {  	[sflag:s23] =	ssyncset.done $0x0  }
0xa4: {  	s25 =	simm.s32 $0x1B8E;
	s24 =	sld [smem:$0x3FFE];
	[sflag:s23] =	ssyncadd.s32 $0xFFFFFFFF  }
0xa5: {  	s26 =	simm.s32 $execute0_lowered;
	[smem:$0x3FD2] =	sst s25  }
0xa6: {  	s4 =	sshll.u32 s26, $0x1;
	_ =	strace $0x80000046;
	[dreg:$0x1] =	wrdreg $0xFFFFFFFF  }
0xa7: {  	s28 =	simm.s32 $_size_execute0_lowered;
	s2 =	sadd.s32 s2, s4;
	[dreg:$0x0] =	wrdreg $0x0  }
0xa8: {  	s4 =	sshll.u32 s28, $0x1;
	[dreg:$0x2] =	wrdreg s2  }
0xa9: {  	[dreg:$0x3] =	wrdreg s4  }
0xaa: {  	[dreg:$0x4] =	wrdreg $0xC0  }
0xab: {  	_ =	task [dreg:s6], $0x5FFFF  }
0xac: {  	[dreg:$0x1] =	wrdreg $0xFFFFFFFF  }
0xad: {  	[dreg:$0x0] =	wrdreg $0x60  }
0xae: {  	[dreg:$0x2] =	wrdreg s24  }
0xaf: {  	[dreg:$0x3] =	wrdreg $0xA8000  }
0xb0: {  	[dreg:$0x4] =	wrdreg $0xA  }
0xb1: {  	_ =	task.clear_ibuf [dreg:s6], $0x5FFFF;
	_ =	strace $0x90000046  }
0xb2: {  	s29 =	simm.s32 $0xA;
	_ =	strace $0x80000048  }
0xb3: {  	_ =	swait.ge [sflag:s29], $0x1  }
0xb4: {  	[sflag:s29] =	ssyncadd.s32 $0xFFFFFFFF  }
0xb5: {  	_ =	strace $0x90000048  }
0xb6: {  	_ =	sfence  }
0xb7: {  	s30 =	sld [smem:$0x0];
	_ =	sdelay $0x2  }
0xb8: {  	s31 =	sshll.u32 s1, $0xD;
	s1 =	sshrl.u32 s1, $0x2  }
0xb9: {  	s3 =	sand.u32 $0x4000, s31;
	s1 =	sadd.s32 s1, s30  }
0xba: {  	s0 =	sor.u32 s3, s0;
	s1 =	sshll.u32 s1, $0x11  }
0xbb: {  	s0 =	sor.u32 s1, s0  }
0xbc: {  	s0 =	sadd.s32 $0x8F2B, s0  }
0xbd: {  	[sflag:s0] =	ssyncadd.remote.s32 $0x1  }
0xbe: {  	_ =	sfence.sel $0xFFFF  }
0xbf: {  	[dreg:$0x0] =	wrdreg $0xFFFFFFFF;
	(pc) =	sbr.abs _section_cstart, $3  }
0xc0: {  	[dreg:$0x1] =	wrdreg $0xFFFFFFFF  }
0xc1: {  	_ =	task.clear_ibuf [dreg:s6], $0x2FFFF;
	_ =	strace $0x9FFFFFFF  }
0xc2: {  	(tm) =	ssettm $0x7FFFFFFF  }
0xc3: {  	_ =	shalt  }
tec
execute0_lowered:
.L_overlay_start_1:
0x0: {  	(tag) =	ssettag $0x1  }
0x1: {  	s5 =	rddreg [dreg:$0x0]  }
0x2: {  	s1 =	rddreg [dreg:$0x1]  }
0x3: {  	s0 =	rddreg [dreg:$0x2]  }
0x4: {  	s3 =	simm.s32 $0x0;
	s2 =	stileid.u32;
	s6 =	srdreg.scid  }
0x5: {  	s20 =	simm.s32 $0x2800;
	s21 =	simm.s32 $0x6800;
	s22 =	simm.s32 $0x1  }
0x6: {  	s23 =	simm.s32 $0x2;
	s26 =	simm.s32 $0x2780;
	s24 =	smul.u32 $0x2780, s2  }
0x7: {  	[smem:$0x7FF] =	sst s3;
	s4 =	sadd.s32 $0x3000, s5;
	s28 =	smul.u32 $0x4F000, s2  }
0x8: {  	s13 =	sadd.s32 $0x34200, s5;
	s14 =	sadd.s32 $0x2A200, s5;
	s11 =	smul.u32 $0x5000, s2  }
0x9: {  	s16 =	sand.u32 $0x1, s6;
	s29 =	sshll.u32 s2, $0x6;
	s30 =	smul.u32 $0xA00, s2  }
0xa: {  	_ =	strace $0x80000047;
	s8 =	smul.u32 $0x27800, s16;
	s9 =	ssub.s32 $0x2, s16  }
0xb: {  	p0 =	sne.s32 s16, $0x0;
	s7 =	sadd.s32 s24, s5;
	s10 =	sshrl.u32 s9, $0x1  }
0xc: {  	s6 =	sshrl.u32 s28, $0x2;
	s11 =	sshrl.u32 s11, $0x3;
	s15 =	sadd.s32 s8, s5  }
0xd: {  	s17 =	ssub.s32 s9, s10;
	s18 =	sadd.s32 s6, s1;
	s5 =	sadd.s32 $0x3E200, s7  }
0xe: {  	s6 =	sor.u32 $0x1C03, s29;
	s31 =	sadd.s32 $0x280, s11;
	s7 =	sadd.s32 s13, s30  }
0xf: {  	s8 =	sadd.s32 s14, s30;
	s12 =	sadd.s32 $0x500, s11;
	s19 =	sadd.s32 $0x780, s11  }
.Ltmp0:
0x10: {  	s9 =	sadd.s32 s13, s31;
	s10 =	sadd.s32 s14, s31;
	(pc) =	sbr.rel .LBB2_1-.Ltmp0, $4  }
0x11: {  	s11 =	sadd.s32 s13, s12;
	s12 =	sadd.s32 s14, s12;
	s13 =	sadd.s32 s13, s19  }
0x12: {  	s14 =	sadd.s32 s14, s19;
	s25 =	sadd.s32 $0x65A00, s15;
	s15 =	smax.u32 s17, $0x1  }
0x13: {  	s16 =	sshrl.u32 s18, $0x3;
	s17 =	simm.s32 $0x3;
	s18 =	simm.s32 $0x1400  }
0x14: {  	s19 =	simm.s32 $0x80;
	s24 =	sadd.s32 s24, s25;
	s25 =	simm.s32 $0x2700  }
.LBB2_10:
0x15: {  	[tilespmem:s21], [sflag:$0x2] =	stream.indirect.gather [hbm4b:s4+s19], $0x80, s29, s19, $0xb8;
	[tilespmem:$0x1E400] =	vst v63  }
0x16: {  	_ =	swait.ge [sflag:s22], $0x4000  }
0x17: {  	[sflag:s22] =	ssyncset.done $0x0  }
0x18: {  	[sflag:s22] =	ssyncadd.s32 $0xFFFFC000  }
0x19: {  	[spmem:s1] =	stream.indirect.scatter.add.f32 [tilespmem:s20], [sflag:$0x3], $0x80, s25, s19, $0xb8;
	[tilespmem:$0x1E400] =	vst v63  }
0x1a: {  	_ =	swait.ge [sflag:s17], $0x4000  }
0x1b: {  	[sflag:s17] =	ssyncset.done $0x0  }
0x1c: {  	[sflag:s17] =	ssyncadd.s32 $0xFFFFC000  }
0x1d: {  	_ =	swait.ge [sflag:s23], $0x4000  }
0x1e: {  	[sflag:s23] =	ssyncset.done $0x0  }
0x1f: {  	[sflag:s23] =	ssyncadd.s32 $0xFFFFC000  }
0x20: {  	[spmem:s1] =	stream.indirect.scatter.add.f32 [tilespmem:s21], [sflag:$0x3], $0x80, s26, s19, $0xb8;
	[tilespmem:$0x1E400] =	vst v63  }
0x21: {  	_ =	swait.ge [sflag:s17], $0x4000  }
0x22: {  	[sflag:s17] =	ssyncset.done $0x0  }
0x23: {  	[sflag:s17] =	ssyncadd.s32 $0xFFFFC000  }
.LBB2_11:
0x24: {  	s3 =	sadd.s32 $0x1, s3  }
0x25: {  	p1 =	sne.s32 s3, s15  }
.Ltmp1:
0x26: {  	[bflag:$0x0] =	sbarrier.arrive $0xFFFF;
	(pc) =	sbr.rel @!p1 .LBB2_12-.Ltmp1, $4  }
0x27: {  	[hbm:s24], [sflag:s6] =	dma.local [spmem:s16], $0x2780  }
0x28: {  	_ =	swait.ge [sflag:s17], $0x2780  }
0x29: {  	[sflag:s17] =	ssyncset.done $0x0  }
0x2a: {  	[sflag:s17] =	ssyncadd.s32 $0xFFFFD880  }
.LBB2_1:
0x2b: {  	[spmem:s16], [sflag:s6] =	dma.local [hbm:s5], $0x2780  }
.Ltmp2:
0x2c: {  	_ =	swait.ge [sflag:s17], $0x2780;
	(pc) =	sbr.rel @p0 .LBB2_11-.Ltmp2, $3  }
0x2d: {  	[sflag:s17] =	ssyncset.done $0x0  }
0x2e: {  	[sflag:s17] =	ssyncadd.s32 $0xFFFFD880  }
0x2f: {  	[bflag:$0x0] =	sbarrier.arrive $0xFFFF;
	_ =	sdelay $0x1  }
0x30: {  	s28 =	simm.s32 $0x0  }
0x31: {  	[tilespmem:s28], [sflag:$0x3] =	stream.linear.gather [hbm4b:s7+s28], $0x1400, $0x38;
	[tilespmem:$0x1E400] =	vst v63  }
0x32: {  	_ =	swait.ge [sflag:s17], $0x1400  }
0x33: {  	[sflag:s17] =	ssyncset.done $0x0  }
0x34: {  	[sflag:s17] =	ssyncadd.s32 $0xFFFFEC00  }
0x35: {  	[tilespmem:s18], [sflag:$0x3] =	stream.linear.gather [hbm4b:s8+s28], $0x1400, $0x38;
	[tilespmem:$0x1E400] =	vst v63  }
0x36: {  	_ =	swait.ge [sflag:s17], $0x1400  }
0x37: {  	[sflag:s17] =	ssyncset.done $0x0  }
0x38: {  	[sflag:s17] =	ssyncadd.s32 $0xFFFFEC00  }
0x39: {  	[tilespmem:s20], [sflag:$0x1] =	stream.indirect.gather [hbm4b:s4+s19], $0x80, s28, s19, $0xb8;
	[tilespmem:$0x1E400] =	vst v63  }
0x3a: {  	_ = 	snop  }
0x3b: {  	[tilespmem:s21], [sflag:$0x2] =	stream.indirect.gather [hbm4b:s4+s19], $0x80, s19, s19, $0xb8;
	[tilespmem:$0x1E400] =	vst v63  }
0x3c: {  	_ =	swait.ge [sflag:s22], $0x4000  }
0x3d: {  	[sflag:s22] =	ssyncset.done $0x0  }
0x3e: {  	s28 =	simm.s32 $0x1400;
	[sflag:s22] =	ssyncadd.s32 $0xFFFFC000  }
0x3f: {  	[spmem:s1] =	stream.indirect.scatter.add.f32 [tilespmem:s20], [sflag:$0x3], $0x80, s28, s19, $0xb8;
	[tilespmem:$0x1E400] =	vst v63  }
0x40: {  	_ =	swait.ge [sflag:s17], $0x4000  }
0x41: {  	[sflag:s17] =	ssyncset.done $0x0  }
0x42: {  	s28 =	simm.s32 $0x100;
	[sflag:s17] =	ssyncadd.s32 $0xFFFFC000  }
0x43: {  	[tilespmem:s20], [sflag:$0x1] =	stream.indirect.gather [hbm4b:s4+s19], $0x80, s28, s19, $0xb8;
	[tilespmem:$0x1E400] =	vst v63  }
0x44: {  	_ =	swait.ge [sflag:s23], $0x4000  }
0x45: {  	[sflag:s23] =	ssyncset.done $0x0  }
0x46: {  	s28 =	simm.s32 $0x1480;
	[sflag:s23] =	ssyncadd.s32 $0xFFFFC000  }
0x47: {  	[spmem:s1] =	stream.indirect.scatter.add.f32 [tilespmem:s21], [sflag:$0x3], $0x80, s28, s19, $0xb8;
	[tilespmem:$0x1E400] =	vst v63  }
0x48: {  	_ =	swait.ge [sflag:s17], $0x4000  }
0x49: {  	[sflag:s17] =	ssyncset.done $0x0  }
0x4a: {  	s29 =	simm.s32 $0x180;
	s28 =	simm.s32 $0x400;
	[sflag:s17] =	ssyncadd.s32 $0xFFFFC000  }
.LBB2_3:
0x4b: {  	[tilespmem:s21], [sflag:$0x2] =	stream.indirect.gather [hbm4b:s4+s19], $0x80, s29, s19, $0xb8;
	[tilespmem:$0x1E400] =	vst v63  }
0x4c: {  	s29 =	smov.u32 s28  }
0x4d: {  	p1 =	sne.s32 s28, $0x4800;
	s28 =	sadd.s32 $0x400, s28;
	_ =	swait.ge [sflag:s22], $0x4000  }
0x4e: {  	s29 =	sshra.s32 s29, $0x2;
	[sflag:s22] =	ssyncset.done $0x0  }
0x4f: {  	s30 =	sadd.s32 $0x1400, s29;
	[sflag:s22] =	ssyncadd.s32 $0xFFFFC000  }
0x50: {  	[spmem:s1] =	stream.indirect.scatter.add.f32 [tilespmem:s20], [sflag:$0x3], $0x80, s30, s19, $0xb8;
	[tilespmem:$0x1E400] =	vst v63  }
0x51: {  	_ =	swait.ge [sflag:s17], $0x4000  }
0x52: {  	[sflag:s17] =	ssyncset.done $0x0  }
0x53: {  	s30 =	sadd.s32 $0x100, s29;
	[sflag:s17] =	ssyncadd.s32 $0xFFFFC000  }
0x54: {  	[tilespmem:s20], [sflag:$0x1] =	stream.indirect.gather [hbm4b:s4+s19], $0x80, s30, s19, $0xb8;
	[tilespmem:$0x1E400] =	vst v63  }
0x55: {  	_ =	swait.ge [sflag:s23], $0x4000  }
0x56: {  	[sflag:s23] =	ssyncset.done $0x0  }
.Ltmp3:
0x57: {  	s30 =	sadd.s32 $0x1480, s29;
	[sflag:s23] =	ssyncadd.s32 $0xFFFFC000;
	(pc) =	sbr.rel @p1 .LBB2_3-.Ltmp3, $4  }
0x58: {  	[spmem:s1] =	stream.indirect.scatter.add.f32 [tilespmem:s21], [sflag:$0x3], $0x80, s30, s19, $0xb8;
	[tilespmem:$0x1E400] =	vst v63  }
0x59: {  	_ =	swait.ge [sflag:s17], $0x4000  }
0x5a: {  	[sflag:s17] =	ssyncset.done $0x0  }
0x5b: {  	s29 =	sadd.s32 $0x180, s29;
	[sflag:s17] =	ssyncadd.s32 $0xFFFFC000  }
0x5c: {  	[tilespmem:s21], [sflag:$0x2] =	stream.indirect.gather [hbm4b:s4+s19], $0x80, s29, s19, $0xb8;
	[tilespmem:$0x1E400] =	vst v63  }
0x5d: {  	_ =	swait.ge [sflag:s22], $0x4000  }
0x5e: {  	[sflag:s22] =	ssyncset.done $0x0  }
0x5f: {  	[sflag:s22] =	ssyncadd.s32 $0xFFFFC000  }
0x60: {  	[spmem:s1] =	stream.indirect.scatter.add.f32 [tilespmem:s20], [sflag:$0x3], $0x80, s25, s19, $0xb8;
	[tilespmem:$0x1E400] =	vst v63  }
0x61: {  	_ =	swait.ge [sflag:s17], $0x4000  }
0x62: {  	[sflag:s17] =	ssyncset.done $0x0  }
0x63: {  	[sflag:s17] =	ssyncadd.s32 $0xFFFFC000  }
0x64: {  	_ =	swait.ge [sflag:s23], $0x4000  }
0x65: {  	[sflag:s23] =	ssyncset.done $0x0  }
0x66: {  	[sflag:s23] =	ssyncadd.s32 $0xFFFFC000  }
0x67: {  	[spmem:s1] =	stream.indirect.scatter.add.f32 [tilespmem:s21], [sflag:$0x3], $0x80, s26, s19, $0xb8;
	[tilespmem:$0x1E400] =	vst v63  }
0x68: {  	_ =	swait.ge [sflag:s17], $0x4000  }
0x69: {  	[sflag:s17] =	ssyncset.done $0x0  }
0x6a: {  	s28 =	simm.s32 $0x0;
	[sflag:s17] =	ssyncadd.s32 $0xFFFFC000  }
0x6b: {  	[tilespmem:s28], [sflag:$0x3] =	stream.linear.gather [hbm4b:s9+s28], $0x1400, $0x38;
	[tilespmem:$0x1E400] =	vst v63  }
0x6c: {  	_ =	swait.ge [sflag:s17], $0x1400  }
0x6d: {  	[sflag:s17] =	ssyncset.done $0x0  }
0x6e: {  	[sflag:s17] =	ssyncadd.s32 $0xFFFFEC00  }
0x6f: {  	[tilespmem:s18], [sflag:$0x3] =	stream.linear.gather [hbm4b:s10+s28], $0x1400, $0x38;
	[tilespmem:$0x1E400] =	vst v63  }
0x70: {  	_ =	swait.ge [sflag:s17], $0x1400  }
0x71: {  	[sflag:s17] =	ssyncset.done $0x0  }
0x72: {  	[sflag:s17] =	ssyncadd.s32 $0xFFFFEC00  }
0x73: {  	[tilespmem:s20], [sflag:$0x1] =	stream.indirect.gather [hbm4b:s4+s19], $0x80, s28, s19, $0xb8;
	[tilespmem:$0x1E400] =	vst v63  }
0x74: {  	_ = 	snop  }
0x75: {  	[tilespmem:s21], [sflag:$0x2] =	stream.indirect.gather [hbm4b:s4+s19], $0x80, s19, s19, $0xb8;
	[tilespmem:$0x1E400] =	vst v63  }
0x76: {  	_ =	swait.ge [sflag:s22], $0x4000  }
0x77: {  	[sflag:s22] =	ssyncset.done $0x0  }
0x78: {  	s28 =	simm.s32 $0x1400;
	[sflag:s22] =	ssyncadd.s32 $0xFFFFC000  }
0x79: {  	[spmem:s1] =	stream.indirect.scatter.add.f32 [tilespmem:s20], [sflag:$0x3], $0x80, s28, s19, $0xb8;
	[tilespmem:$0x1E400] =	vst v63  }
0x7a: {  	_ =	swait.ge [sflag:s17], $0x4000  }
0x7b: {  	[sflag:s17] =	ssyncset.done $0x0  }
0x7c: {  	s28 =	simm.s32 $0x100;
	[sflag:s17] =	ssyncadd.s32 $0xFFFFC000  }
0x7d: {  	[tilespmem:s20], [sflag:$0x1] =	stream.indirect.gather [hbm4b:s4+s19], $0x80, s28, s19, $0xb8;
	[tilespmem:$0x1E400] =	vst v63  }
0x7e: {  	_ =	swait.ge [sflag:s23], $0x4000  }
0x7f: {  	[sflag:s23] =	ssyncset.done $0x0  }
0x80: {  	s28 =	simm.s32 $0x1480;
	[sflag:s23] =	ssyncadd.s32 $0xFFFFC000  }
0x81: {  	[spmem:s1] =	stream.indirect.scatter.add.f32 [tilespmem:s21], [sflag:$0x3], $0x80, s28, s19, $0xb8;
	[tilespmem:$0x1E400] =	vst v63  }
0x82: {  	_ =	swait.ge [sflag:s17], $0x4000  }
0x83: {  	[sflag:s17] =	ssyncset.done $0x0  }
0x84: {  	s29 =	simm.s32 $0x180;
	s28 =	simm.s32 $0x400;
	[sflag:s17] =	ssyncadd.s32 $0xFFFFC000  }
.LBB2_5:
0x85: {  	[tilespmem:s21], [sflag:$0x2] =	stream.indirect.gather [hbm4b:s4+s19], $0x80, s29, s19, $0xb8;
	[tilespmem:$0x1E400] =	vst v63  }
0x86: {  	s29 =	smov.u32 s28  }
0x87: {  	p1 =	sne.s32 s28, $0x4800;
	s28 =	sadd.s32 $0x400, s28;
	_ =	swait.ge [sflag:s22], $0x4000  }
0x88: {  	s29 =	sshra.s32 s29, $0x2;
	[sflag:s22] =	ssyncset.done $0x0  }
0x89: {  	s30 =	sadd.s32 $0x1400, s29;
	[sflag:s22] =	ssyncadd.s32 $0xFFFFC000  }
0x8a: {  	[spmem:s1] =	stream.indirect.scatter.add.f32 [tilespmem:s20], [sflag:$0x3], $0x80, s30, s19, $0xb8;
	[tilespmem:$0x1E400] =	vst v63  }
0x8b: {  	_ =	swait.ge [sflag:s17], $0x4000  }
0x8c: {  	[sflag:s17] =	ssyncset.done $0x0  }
0x8d: {  	s30 =	sadd.s32 $0x100, s29;
	[sflag:s17] =	ssyncadd.s32 $0xFFFFC000  }
0x8e: {  	[tilespmem:s20], [sflag:$0x1] =	stream.indirect.gather [hbm4b:s4+s19], $0x80, s30, s19, $0xb8;
	[tilespmem:$0x1E400] =	vst v63  }
0x8f: {  	_ =	swait.ge [sflag:s23], $0x4000  }
0x90: {  	[sflag:s23] =	ssyncset.done $0x0  }
.Ltmp4:
0x91: {  	s30 =	sadd.s32 $0x1480, s29;
	[sflag:s23] =	ssyncadd.s32 $0xFFFFC000;
	(pc) =	sbr.rel @p1 .LBB2_5-.Ltmp4, $4  }
0x92: {  	[spmem:s1] =	stream.indirect.scatter.add.f32 [tilespmem:s21], [sflag:$0x3], $0x80, s30, s19, $0xb8;
	[tilespmem:$0x1E400] =	vst v63  }
0x93: {  	_ =	swait.ge [sflag:s17], $0x4000  }
0x94: {  	[sflag:s17] =	ssyncset.done $0x0  }
0x95: {  	s29 =	sadd.s32 $0x180, s29;
	[sflag:s17] =	ssyncadd.s32 $0xFFFFC000  }
0x96: {  	[tilespmem:s21], [sflag:$0x2] =	stream.indirect.gather [hbm4b:s4+s19], $0x80, s29, s19, $0xb8;
	[tilespmem:$0x1E400] =	vst v63  }
0x97: {  	_ =	swait.ge [sflag:s22], $0x4000  }
0x98: {  	[sflag:s22] =	ssyncset.done $0x0  }
0x99: {  	[sflag:s22] =	ssyncadd.s32 $0xFFFFC000  }
0x9a: {  	[spmem:s1] =	stream.indirect.scatter.add.f32 [tilespmem:s20], [sflag:$0x3], $0x80, s25, s19, $0xb8;
	[tilespmem:$0x1E400] =	vst v63  }
0x9b: {  	_ =	swait.ge [sflag:s17], $0x4000  }
0x9c: {  	[sflag:s17] =	ssyncset.done $0x0  }
0x9d: {  	[sflag:s17] =	ssyncadd.s32 $0xFFFFC000  }
0x9e: {  	_ =	swait.ge [sflag:s23], $0x4000  }
0x9f: {  	[sflag:s23] =	ssyncset.done $0x0  }
0xa0: {  	[sflag:s23] =	ssyncadd.s32 $0xFFFFC000  }
0xa1: {  	[spmem:s1] =	stream.indirect.scatter.add.f32 [tilespmem:s21], [sflag:$0x3], $0x80, s26, s19, $0xb8;
	[tilespmem:$0x1E400] =	vst v63  }
0xa2: {  	_ =	swait.ge [sflag:s17], $0x4000  }
0xa3: {  	[sflag:s17] =	ssyncset.done $0x0  }
0xa4: {  	s28 =	simm.s32 $0x0;
	[sflag:s17] =	ssyncadd.s32 $0xFFFFC000  }
0xa5: {  	[tilespmem:s28], [sflag:$0x3] =	stream.linear.gather [hbm4b:s11+s28], $0x1400, $0x38;
	[tilespmem:$0x1E400] =	vst v63  }
0xa6: {  	_ =	swait.ge [sflag:s17], $0x1400  }
0xa7: {  	[sflag:s17] =	ssyncset.done $0x0  }
0xa8: {  	[sflag:s17] =	ssyncadd.s32 $0xFFFFEC00  }
0xa9: {  	[tilespmem:s18], [sflag:$0x3] =	stream.linear.gather [hbm4b:s12+s28], $0x1400, $0x38;
	[tilespmem:$0x1E400] =	vst v63  }
0xaa: {  	_ =	swait.ge [sflag:s17], $0x1400  }
0xab: {  	[sflag:s17] =	ssyncset.done $0x0  }
0xac: {  	[sflag:s17] =	ssyncadd.s32 $0xFFFFEC00  }
0xad: {  	[tilespmem:s20], [sflag:$0x1] =	stream.indirect.gather [hbm4b:s4+s19], $0x80, s28, s19, $0xb8;
	[tilespmem:$0x1E400] =	vst v63  }
0xae: {  	_ = 	snop  }
0xaf: {  	[tilespmem:s21], [sflag:$0x2] =	stream.indirect.gather [hbm4b:s4+s19], $0x80, s19, s19, $0xb8;
	[tilespmem:$0x1E400] =	vst v63  }
0xb0: {  	_ =	swait.ge [sflag:s22], $0x4000  }
0xb1: {  	[sflag:s22] =	ssyncset.done $0x0  }
0xb2: {  	s28 =	simm.s32 $0x1400;
	[sflag:s22] =	ssyncadd.s32 $0xFFFFC000  }
0xb3: {  	[spmem:s1] =	stream.indirect.scatter.add.f32 [tilespmem:s20], [sflag:$0x3], $0x80, s28, s19, $0xb8;
	[tilespmem:$0x1E400] =	vst v63  }
0xb4: {  	_ =	swait.ge [sflag:s17], $0x4000  }
0xb5: {  	[sflag:s17] =	ssyncset.done $0x0  }
0xb6: {  	s28 =	simm.s32 $0x100;
	[sflag:s17] =	ssyncadd.s32 $0xFFFFC000  }
0xb7: {  	[tilespmem:s20], [sflag:$0x1] =	stream.indirect.gather [hbm4b:s4+s19], $0x80, s28, s19, $0xb8;
	[tilespmem:$0x1E400] =	vst v63  }
0xb8: {  	_ =	swait.ge [sflag:s23], $0x4000  }
0xb9: {  	[sflag:s23] =	ssyncset.done $0x0  }
0xba: {  	s28 =	simm.s32 $0x1480;
	[sflag:s23] =	ssyncadd.s32 $0xFFFFC000  }
0xbb: {  	[spmem:s1] =	stream.indirect.scatter.add.f32 [tilespmem:s21], [sflag:$0x3], $0x80, s28, s19, $0xb8;
	[tilespmem:$0x1E400] =	vst v63  }
0xbc: {  	_ =	swait.ge [sflag:s17], $0x4000  }
0xbd: {  	[sflag:s17] =	ssyncset.done $0x0  }
0xbe: {  	s29 =	simm.s32 $0x180;
	s28 =	simm.s32 $0x400;
	[sflag:s17] =	ssyncadd.s32 $0xFFFFC000  }
.LBB2_7:
0xbf: {  	[tilespmem:s21], [sflag:$0x2] =	stream.indirect.gather [hbm4b:s4+s19], $0x80, s29, s19, $0xb8;
	[tilespmem:$0x1E400] =	vst v63  }
0xc0: {  	s29 =	smov.u32 s28  }
0xc1: {  	p1 =	sne.s32 s28, $0x4800;
	s28 =	sadd.s32 $0x400, s28;
	_ =	swait.ge [sflag:s22], $0x4000  }
0xc2: {  	s29 =	sshra.s32 s29, $0x2;
	[sflag:s22] =	ssyncset.done $0x0  }
0xc3: {  	s30 =	sadd.s32 $0x1400, s29;
	[sflag:s22] =	ssyncadd.s32 $0xFFFFC000  }
0xc4: {  	[spmem:s1] =	stream.indirect.scatter.add.f32 [tilespmem:s20], [sflag:$0x3], $0x80, s30, s19, $0xb8;
	[tilespmem:$0x1E400] =	vst v63  }
0xc5: {  	_ =	swait.ge [sflag:s17], $0x4000  }
0xc6: {  	[sflag:s17] =	ssyncset.done $0x0  }
0xc7: {  	s30 =	sadd.s32 $0x100, s29;
	[sflag:s17] =	ssyncadd.s32 $0xFFFFC000  }
0xc8: {  	[tilespmem:s20], [sflag:$0x1] =	stream.indirect.gather [hbm4b:s4+s19], $0x80, s30, s19, $0xb8;
	[tilespmem:$0x1E400] =	vst v63  }
0xc9: {  	_ =	swait.ge [sflag:s23], $0x4000  }
0xca: {  	[sflag:s23] =	ssyncset.done $0x0  }
.Ltmp5:
0xcb: {  	s30 =	sadd.s32 $0x1480, s29;
	[sflag:s23] =	ssyncadd.s32 $0xFFFFC000;
	(pc) =	sbr.rel @p1 .LBB2_7-.Ltmp5, $4  }
0xcc: {  	[spmem:s1] =	stream.indirect.scatter.add.f32 [tilespmem:s21], [sflag:$0x3], $0x80, s30, s19, $0xb8;
	[tilespmem:$0x1E400] =	vst v63  }
0xcd: {  	_ =	swait.ge [sflag:s17], $0x4000  }
0xce: {  	[sflag:s17] =	ssyncset.done $0x0  }
0xcf: {  	s29 =	sadd.s32 $0x180, s29;
	[sflag:s17] =	ssyncadd.s32 $0xFFFFC000  }
0xd0: {  	[tilespmem:s21], [sflag:$0x2] =	stream.indirect.gather [hbm4b:s4+s19], $0x80, s29, s19, $0xb8;
	[tilespmem:$0x1E400] =	vst v63  }
0xd1: {  	_ =	swait.ge [sflag:s22], $0x4000  }
0xd2: {  	[sflag:s22] =	ssyncset.done $0x0  }
0xd3: {  	[sflag:s22] =	ssyncadd.s32 $0xFFFFC000  }
0xd4: {  	[spmem:s1] =	stream.indirect.scatter.add.f32 [tilespmem:s20], [sflag:$0x3], $0x80, s25, s19, $0xb8;
	[tilespmem:$0x1E400] =	vst v63  }
0xd5: {  	_ =	swait.ge [sflag:s17], $0x4000  }
0xd6: {  	[sflag:s17] =	ssyncset.done $0x0  }
0xd7: {  	[sflag:s17] =	ssyncadd.s32 $0xFFFFC000  }
0xd8: {  	_ =	swait.ge [sflag:s23], $0x4000  }
0xd9: {  	[sflag:s23] =	ssyncset.done $0x0  }
0xda: {  	[sflag:s23] =	ssyncadd.s32 $0xFFFFC000  }
0xdb: {  	[spmem:s1] =	stream.indirect.scatter.add.f32 [tilespmem:s21], [sflag:$0x3], $0x80, s26, s19, $0xb8;
	[tilespmem:$0x1E400] =	vst v63  }
0xdc: {  	_ =	swait.ge [sflag:s17], $0x4000  }
0xdd: {  	[sflag:s17] =	ssyncset.done $0x0  }
0xde: {  	s28 =	simm.s32 $0x0;
	[sflag:s17] =	ssyncadd.s32 $0xFFFFC000  }
0xdf: {  	[tilespmem:s28], [sflag:$0x3] =	stream.linear.gather [hbm4b:s13+s28], $0x1400, $0x38;
	[tilespmem:$0x1E400] =	vst v63  }
0xe0: {  	_ =	swait.ge [sflag:s17], $0x1400  }
0xe1: {  	[sflag:s17] =	ssyncset.done $0x0  }
0xe2: {  	[sflag:s17] =	ssyncadd.s32 $0xFFFFEC00  }
0xe3: {  	[tilespmem:s18], [sflag:$0x3] =	stream.linear.gather [hbm4b:s14+s28], $0x1400, $0x38;
	[tilespmem:$0x1E400] =	vst v63  }
0xe4: {  	_ =	swait.ge [sflag:s17], $0x1400  }
0xe5: {  	[sflag:s17] =	ssyncset.done $0x0  }
0xe6: {  	[sflag:s17] =	ssyncadd.s32 $0xFFFFEC00  }
0xe7: {  	[tilespmem:s20], [sflag:$0x1] =	stream.indirect.gather [hbm4b:s4+s19], $0x80, s28, s19, $0xb8;
	[tilespmem:$0x1E400] =	vst v63  }
0xe8: {  	_ = 	snop  }
0xe9: {  	[tilespmem:s21], [sflag:$0x2] =	stream.indirect.gather [hbm4b:s4+s19], $0x80, s19, s19, $0xb8;
	[tilespmem:$0x1E400] =	vst v63  }
0xea: {  	_ =	swait.ge [sflag:s22], $0x4000  }
0xeb: {  	[sflag:s22] =	ssyncset.done $0x0  }
0xec: {  	s28 =	simm.s32 $0x1400;
	[sflag:s22] =	ssyncadd.s32 $0xFFFFC000  }
0xed: {  	[spmem:s1] =	stream.indirect.scatter.add.f32 [tilespmem:s20], [sflag:$0x3], $0x80, s28, s19, $0xb8;
	[tilespmem:$0x1E400] =	vst v63  }
0xee: {  	_ =	swait.ge [sflag:s17], $0x4000  }
0xef: {  	[sflag:s17] =	ssyncset.done $0x0  }
0xf0: {  	s28 =	simm.s32 $0x100;
	[sflag:s17] =	ssyncadd.s32 $0xFFFFC000  }
0xf1: {  	[tilespmem:s20], [sflag:$0x1] =	stream.indirect.gather [hbm4b:s4+s19], $0x80, s28, s19, $0xb8;
	[tilespmem:$0x1E400] =	vst v63  }
0xf2: {  	_ =	swait.ge [sflag:s23], $0x4000  }
0xf3: {  	[sflag:s23] =	ssyncset.done $0x0  }
0xf4: {  	s28 =	simm.s32 $0x1480;
	[sflag:s23] =	ssyncadd.s32 $0xFFFFC000  }
0xf5: {  	[spmem:s1] =	stream.indirect.scatter.add.f32 [tilespmem:s21], [sflag:$0x3], $0x80, s28, s19, $0xb8;
	[tilespmem:$0x1E400] =	vst v63  }
0xf6: {  	_ =	swait.ge [sflag:s17], $0x4000  }
0xf7: {  	[sflag:s17] =	ssyncset.done $0x0  }
0xf8: {  	s29 =	simm.s32 $0x180;
	s28 =	simm.s32 $0x400;
	[sflag:s17] =	ssyncadd.s32 $0xFFFFC000  }
.LBB2_9:
0xf9: {  	[tilespmem:s21], [sflag:$0x2] =	stream.indirect.gather [hbm4b:s4+s19], $0x80, s29, s19, $0xb8;
	[tilespmem:$0x1E400] =	vst v63  }
0xfa: {  	s29 =	smov.u32 s28  }
0xfb: {  	p1 =	sne.s32 s28, $0x4800;
	s28 =	sadd.s32 $0x400, s28;
	_ =	swait.ge [sflag:s22], $0x4000  }
0xfc: {  	s29 =	sshra.s32 s29, $0x2;
	[sflag:s22] =	ssyncset.done $0x0  }
0xfd: {  	s30 =	sadd.s32 $0x1400, s29;
	[sflag:s22] =	ssyncadd.s32 $0xFFFFC000  }
0xfe: {  	[spmem:s1] =	stream.indirect.scatter.add.f32 [tilespmem:s20], [sflag:$0x3], $0x80, s30, s19, $0xb8;
	[tilespmem:$0x1E400] =	vst v63  }
0xff: {  	_ =	swait.ge [sflag:s17], $0x4000  }
0x100: {  	[sflag:s17] =	ssyncset.done $0x0  }
0x101: {  	s30 =	sadd.s32 $0x100, s29;
	[sflag:s17] =	ssyncadd.s32 $0xFFFFC000  }
0x102: {  	[tilespmem:s20], [sflag:$0x1] =	stream.indirect.gather [hbm4b:s4+s19], $0x80, s30, s19, $0xb8;
	[tilespmem:$0x1E400] =	vst v63  }
0x103: {  	_ =	swait.ge [sflag:s23], $0x4000  }
0x104: {  	[sflag:s23] =	ssyncset.done $0x0  }
.Ltmp6:
0x105: {  	s30 =	sadd.s32 $0x1480, s29;
	[sflag:s23] =	ssyncadd.s32 $0xFFFFC000;
	(pc) =	sbr.rel @p1 .LBB2_9-.Ltmp6, $4  }
0x106: {  	[spmem:s1] =	stream.indirect.scatter.add.f32 [tilespmem:s21], [sflag:$0x3], $0x80, s30, s19, $0xb8;
	[tilespmem:$0x1E400] =	vst v63  }
0x107: {  	_ =	swait.ge [sflag:s17], $0x4000  }
0x108: {  	[sflag:s17] =	ssyncset.done $0x0  }
0x109: {  	s29 =	sadd.s32 $0x180, s29;
	[sflag:s17] =	ssyncadd.s32 $0xFFFFC000  }
.Ltmp7:
0x10a: {  	_ = 	snop;
	(pc) =	sbr.rel .LBB2_10-.Ltmp7, $1  }
0x10b: {  	_ =	sdelay $0x3  }
.LBB2_12:
0x10c: {  	_ =	sfence.sel $0x180000  }
0x10d: {  	[bflag:$0x0] =	sbarrier.arrive $0xFFFF  }
0x10e: {  	p0 =	sne.s32 s2, $0x0;
	_ =	strace $0x90000047  }
0x10f: {  	s0 =	sadd.s32 @!p0 $0x100000, s0;
	[bflag:$0x2] =	sbarrier.arrive $0xFFFF  }
0x110: {  	[sflag:s0] =	ssyncadd.tile.s32 @!p0 $0x1;
	_ =	shalt  }
.Lfunc_end2:
_tile_overlayer_lowered:
.L_overlay_start_2:
0x111: {  	(tag) =	ssettag $0x2  }
0x112: {  	s0 =	rddreg [dreg:$0x0];
	s2 =	stileid.u32  }
0x113: {  	s1 =	rddreg [dreg:$0x1];
	p0 =	sne.s32 s2, $0x0  }
0x114: {  	s3 =	rddreg [dreg:$0x2];
	[bflag:$0x3] =	sbarrier.arrive $0xFFFF;
	s2 =	simm.s32 @!p0 $0x1C03  }
0x115: {  	[timem:s3], [sflag:s2] =	dma.local @!p0 [hbm:s0], s1  }
0x116: {  	s0 =	simm.s32 @!p0 $0x3  }
0x117: {  	_ =	swait.ge @!p0 [sflag:s0], s1  }
0x118: {  	s1 =	ssub.s32 @!p0 $0x0, s1;
	[sflag:s0] =	ssyncset.done @!p0 $0x0  }
0x119: {  	[sflag:s0] =	ssyncadd.s32 @!p0 s1  }
0x11a: {  	[bflag:$0x3] =	sbarrier.arrive $0xFFFF  }
0x11b: {  	_ =	shalt  }

// kernel: kernel.16.cloned.1.call-start
scs
__scs_entry_jumppad:
0x0: {  	(pc) =	sbr.rel $0x88, $3  }
0x1: {  	(tag) =	ssettag $0x0;
	lr =	simm.s32 $0x1  }
0x2: {  	[smem:$0x3F94] =	sst lr;
	_ =	strace $0xD0000000  }
0x3: {  	_ = 	snop  }
0x4: {  	_ = 	snop  }
0x5: {  	_ = 	snop  }
0x6: {  	_ = 	snop  }
0x7: {  	_ = 	snop  }
__scs_overlays_trampoline_lowered:
0x8: {  	[smem:$0x3FA3] =	sst s0  }
0x9: {  	[smem:$0x3FA4] =	sst s1  }
0xa: {  	[smem:$0x3FA5] =	sst s2  }
0xb: {  	[smem:$0x3FA6] =	sst s3  }
0xc: {  	[smem:$0x3FA7] =	sst s4  }
0xd: {  	[smem:$0x3FA8] =	sst s5  }
0xe: {  	[smem:$0x3FA9] =	sst s6  }
0xf: {  	[smem:$0x3FAA] =	sst s7  }
0x10: {  	[smem:$0x3FAB] =	sst s8  }
0x11: {  	[smem:$0x3FAC] =	sst s9;
	s0 =	simm.s32 @!p0 $0x0  }
0x12: {  	s1 =	sld [smem:$0x3F92];
	s0 =	simm.s32 @p0 $0x1  }
0x13: {  	[smem:$0x3FAD] =	sst s0;
	s0 =	simm.s32 @!p1 $0x0  }
0x14: {  	s2 =	sld [smem:$0x3F91];
	s0 =	simm.s32 @p1 $0x1  }
0x15: {  	[smem:$0x3FAE] =	sst s0;
	s0 =	simm.s32 @!p2 $0x0  }
0x16: {  	s3 =	sld [smem:$0x3FDB];
	s0 =	simm.s32 @p2 $0x1  }
0x17: {  	s4 =	simm.s32 $0x1BF5;
	[smem:$0x3FB0] =	sst s0  }
0x18: {  	s0 =	sld [smem:$0x3F93];
	_ =	swait.ge [sflag:s4], $0x0  }
0x19: {  	s7 =	sld [smem:$0x3F94]  }
0x1a: {  	s8 =	sadd.s32 $0xFFFFE003, lr  }
0x1b: {  	s9 =	sadd.s32 $0xFFFFFEF7, lr;
	s5 =	simm.s32 $0xFFFFFFFF;
	p2 =	slt.u32 s8, $0xFFFFF086  }
0x1c: {  	p1 =	slt.u32 s9, $0xF7A;
	s5 =	simm.s32 @!p2 $0x0  }
0x1d: {  	s5 =	simm.s32 @p1 $0x1;
	p0 =	seq.s32 s7, s2  }
0x1e: {  	s7 =	smul.u32 @!p0 $0xF7A, s2;
	p2 =	seq.s32 @!p0 s5, $0x0  }
0x1f: {  	s9 =	smul.u32 $0xF7A, s1;
	s8 =	simm.s32 @!p0 $0x1BF5;
	p2 =	por !p2, p0  }
0x20: {  	[sflag:s8] =	ssyncset.s32 @!p0 $0xFFFFF086;
	s6 =	sadd.s32 @!p0 s3, s7;
	s7 =	simm.s32 @!p0 $0x108  }
0x21: {  	s3 =	sadd.s32 s3, s9;
	s6 =	sadd.s32 @!p0 $0x88, s6;
	s7 =	simm.s32 @p2 $0x1082  }
0x22: {  	[simem:s7], [sflag:s8] =	dma.local @!p0 [hbm:s6], $0xF7A  }
0x23: {  	s9 =	sor.u32 $0xD0000000, s2;
	s6 =	simm.s32 $0x108;
	_ =	swait.ge @!p0 [sflag:s8], $0x0  }
0x24: {  	s3 =	sadd.s32 $0x88, s3;
	s6 =	simm.s32 @!p1 $0x1082;
	[sflag:s4] =	ssyncset.s32 $0xFFFFF086  }
0x25: {  	[simem:s6], [sflag:s4] =	dma.local [hbm:s3], $0xF7A  }
0x26: {  	[smem:$0x3F94] =	sst s1;
	(tag) =	ssettag s2;
	_ =	strace s9  }
0x27: {  	s1 =	sld [smem:$0x3FA4]  }
0x28: {  	s2 =	sld [smem:$0x3FA5]  }
0x29: {  	s4 =	sld [smem:$0x3FA7]  }
0x2a: {  	p0 =	seq.s32 s5, $0x0;
	s5 =	sld [smem:$0x3FA8]  }
0x2b: {  	s6 =	sld [smem:$0x3FA9]  }
0x2c: {  	s7 =	sld [smem:$0x3FAA]  }
0x2d: {  	s3 =	simm.s32 $0x108;
	s8 =	sld [smem:$0x3FAB]  }
0x2e: {  	s3 =	simm.s32 @!p0 $0x1082;
	s9 =	sld [smem:$0x3FAC]  }
0x2f: {  	lr =	sadd.s32 s0, s3;
	s0 =	sld [smem:$0x3FA3]  }
0x30: {  	s3 =	sld [smem:$0x3FA6]  }
0x31: {  	[smem:$0x3FAF] =	sst s10  }
0x32: {  	s10 =	sld [smem:$0x3FAD];
	_ =	sdelay $0x3  }
0x33: {  	p0 =	seq.s32 s10, $0x1;
	s10 =	sld [smem:$0x3FAF];
	_ =	sdelay $0x3  }
0x34: {  	[smem:$0x3FAF] =	sst s10  }
0x35: {  	s10 =	sld [smem:$0x3FAE];
	_ =	sdelay $0x3  }
0x36: {  	p1 =	seq.s32 s10, $0x1;
	s10 =	sld [smem:$0x3FAF];
	_ =	sdelay $0x3  }
0x37: {  	[smem:$0x3FAF] =	sst s10  }
0x38: {  	s10 =	sld [smem:$0x3FB0]  }
0x39: {  	_ = 	snop;
	(pc) =	sbr.ind lr, $3  }
0x3a: {  	_ = 	snop  }
0x3b: {  	_ = 	snop  }
0x3c: {  	p2 =	seq.s32 s10, $0x1;
	s10 =	sld [smem:$0x3FAF]  }
0x3d: {  	_ =	shalt  }
0x3e: {  	_ =	shalt  }
0x3f: {  	_ =	shalt  }
0x40: {  	_ =	shalt  }
0x41: {  	_ =	shalt  }
0x42: {  	_ =	shalt  }
0x43: {  	_ =	shalt  }
0x44: {  	_ =	shalt  }
0x45: {  	_ =	shalt  }
0x46: {  	_ =	shalt  }
0x47: {  	_ =	shalt  }
0x48: {  	_ =	shalt  }
0x49: {  	_ =	shalt  }
0x4a: {  	_ =	shalt  }
0x4b: {  	_ =	shalt  }
0x4c: {  	_ =	shalt  }
0x4d: {  	_ =	shalt  }
0x4e: {  	_ =	shalt  }
0x4f: {  	_ =	shalt  }
0x50: {  	_ =	shalt  }
0x51: {  	_ =	shalt  }
0x52: {  	_ =	shalt  }
0x53: {  	_ =	shalt  }
0x54: {  	_ =	shalt  }
0x55: {  	_ =	shalt  }
0x56: {  	_ =	shalt  }
0x57: {  	_ =	shalt  }
0x58: {  	_ =	shalt  }
0x59: {  	_ =	shalt  }
0x5a: {  	_ =	shalt  }
0x5b: {  	_ =	shalt  }
0x5c: {  	_ =	shalt  }
0x5d: {  	_ =	shalt  }
0x5e: {  	_ =	shalt  }
0x5f: {  	_ =	shalt  }
0x60: {  	_ =	shalt  }
0x61: {  	_ =	shalt  }
0x62: {  	_ =	shalt  }
0x63: {  	_ =	shalt  }
0x64: {  	_ =	shalt  }
0x65: {  	_ =	shalt  }
0x66: {  	_ =	shalt  }
0x67: {  	_ =	shalt  }
0x68: {  	_ =	shalt  }
0x69: {  	_ =	shalt  }
0x6a: {  	_ =	shalt  }
0x6b: {  	_ =	shalt  }
0x6c: {  	_ =	shalt  }
0x6d: {  	_ =	shalt  }
0x6e: {  	_ =	shalt  }
0x6f: {  	_ =	shalt  }
0x70: {  	_ =	shalt  }
0x71: {  	_ =	shalt  }
0x72: {  	_ =	shalt  }
0x73: {  	_ =	shalt  }
0x74: {  	_ =	shalt  }
0x75: {  	_ =	shalt  }
0x76: {  	_ =	shalt  }
0x77: {  	_ =	shalt  }
0x78: {  	_ =	shalt  }
0x79: {  	_ =	shalt  }
0x7a: {  	_ =	shalt  }
0x7b: {  	_ =	shalt  }
0x7c: {  	_ =	shalt  }
0x7d: {  	_ =	shalt  }
0x7e: {  	_ =	shalt  }
0x7f: {  	_ =	shalt  }
0x80: {  	_ =	shalt  }
0x81: {  	_ =	shalt  }
0x82: {  	_ =	shalt  }
0x83: {  	_ =	shalt  }
0x84: {  	_ =	shalt  }
0x85: {  	_ =	shalt  }
0x86: {  	_ =	shalt  }
0x87: {  	_ =	shalt  }
.Lfunc_end0:
.L_simem_size_0:
called_computation.2_lowered:
.L_overlay_start_0:
0x88: {  	s2 =	sld [smem:$0x3FD9]  }
0x89: {  	s3 =	sld [smem:$0x3FFE];
	_ =	sdelay $0x1  }
0x8a: {  	s1 =	srdreg.scid  }
0x8b: {  	s0 =	sand.u32 $0x1, s1  }
0x8c: {  	s16 =	sshll.u32 s0, $0xA;
	s2 =	sadd.s32 s3, s2  }
0x8d: {  	s2 =	sadd.s32 s2, s16  }
0x8e: {  	[smem:$0x3FBB] =	sst s2  }
0x8f: {  	_ = 	snop  }
0x90: {  	(tm) =	ssettm $0x1  }
0x91: {  	s17 =	sld [smem:$0x3FFB];
	_ =	sdelay $0x3  }
0x92: {  	_ =	strace s17  }
0x93: {  	s2 =	sld [smem:$0x3FFC];
	_ =	sdelay $0x3  }
0x94: {  	_ =	strace s2  }
0x95: {  	s2 =	sld [smem:$0x3FFD];
	_ =	sdelay $0x3  }
0x96: {  	_ =	strace s2  }
0x97: {  	_ =	strace $0x8FFFFFFF  }
0x98: {  	s18 =	sld [smem:$0x3FDB];
	_ =	sdelay $0x1  }
0x99: {  	s19 =	simm.s32 $_scs_section_size  }
0x9a: {  	s4 =	simm.s32 $_size__tile_overlayer_lowered;
	s5 =	simm.s32 $_tile_overlayer_lowered  }
0x9b: {  	s22 =	simm.s32 $0x1BFF;
	s21 =	sshll.u32 s5, $0x1;
	s2 =	sadd.s32 s19, s18  }
0x9c: {  	s6 =	simm.s32 $0x0;
	s20 =	sshll.u32 s4, $0x1;
	s4 =	sadd.s32 s21, s2  }
0x9d: {  	[timem:s6], [sflag:s22] =	dma.local [hbm:s4], s20  }
0x9e: {  	_ =	swait.ge [sflag:s22], s20  }
0x9f: {  	s3 =	ssub.s32 $0x0, s20;
	[sflag:s22] =	ssyncset.done $0x0  }
0xa0: {  	[sflag:s22] =	ssyncadd.s32 s3;
	_ =	sdelay $0x1  }
0xa1: {  	s23 =	simm.s32 $0x1B8B  }
0xa2: {  	_ =	swait.ge [sflag:s23], $0x1  }
0xa3: {  	[sflag:s23] =	ssyncset.done $0x0  }
0xa4: {  	s25 =	simm.s32 $0x1B8E;
	s24 =	sld [smem:$0x3FFE];
	[sflag:s23] =	ssyncadd.s32 $0xFFFFFFFF  }
0xa5: {  	s26 =	simm.s32 $execute0_lowered;
	[smem:$0x3FD2] =	sst s25  }
0xa6: {  	s4 =	sshll.u32 s26, $0x1;
	_ =	strace $0x8000004C;
	[dreg:$0x1] =	wrdreg $0xFFFFFFFF  }
0xa7: {  	s28 =	simm.s32 $_size_execute0_lowered;
	s2 =	sadd.s32 s2, s4;
	[dreg:$0x0] =	wrdreg $0x0  }
0xa8: {  	s4 =	sshll.u32 s28, $0x1;
	[dreg:$0x2] =	wrdreg s2  }
0xa9: {  	[dreg:$0x3] =	wrdreg s4  }
0xaa: {  	[dreg:$0x4] =	wrdreg $0xC0  }
0xab: {  	_ =	task [dreg:s6], $0x5FFFF  }
0xac: {  	[dreg:$0x1] =	wrdreg $0xFFFFFFFF  }
0xad: {  	[dreg:$0x0] =	wrdreg $0x60  }
0xae: {  	[dreg:$0x2] =	wrdreg s24  }
0xaf: {  	[dreg:$0x3] =	wrdreg $0xA8000  }
0xb0: {  	[dreg:$0x4] =	wrdreg $0x9  }
0xb1: {  	_ =	task.clear_ibuf [dreg:s6], $0x5FFFF;
	_ =	strace $0x9000004C  }
0xb2: {  	s29 =	simm.s32 $0x9;
	_ =	strace $0x8000004E  }
0xb3: {  	_ =	swait.ge [sflag:s29], $0x1  }
0xb4: {  	[sflag:s29] =	ssyncadd.s32 $0xFFFFFFFF  }
0xb5: {  	_ =	strace $0x9000004E  }
0xb6: {  	_ =	sfence  }
0xb7: {  	s30 =	sld [smem:$0x0];
	_ =	sdelay $0x2  }
0xb8: {  	s31 =	sshll.u32 s1, $0xD;
	s1 =	sshrl.u32 s1, $0x2  }
0xb9: {  	s3 =	sand.u32 $0x4000, s31;
	s1 =	sadd.s32 s1, s30  }
0xba: {  	s0 =	sor.u32 s3, s0;
	s1 =	sshll.u32 s1, $0x11  }
0xbb: {  	s0 =	sor.u32 s1, s0  }
0xbc: {  	s0 =	sadd.s32 $0x8F2B, s0  }
0xbd: {  	[sflag:s0] =	ssyncadd.remote.s32 $0x1  }
0xbe: {  	_ =	sfence.sel $0xFFFF  }
0xbf: {  	[dreg:$0x0] =	wrdreg $0xFFFFFFFF;
	(pc) =	sbr.abs _section_cstart, $3  }
0xc0: {  	[dreg:$0x1] =	wrdreg $0xFFFFFFFF  }
0xc1: {  	_ =	task.clear_ibuf [dreg:s6], $0x2FFFF;
	_ =	strace $0x9FFFFFFF  }
0xc2: {  	(tm) =	ssettm $0x7FFFFFFF  }
0xc3: {  	_ =	shalt  }
tec
execute0_lowered:
.L_overlay_start_1:
0x0: {  	(tag) =	ssettag $0x1  }
0x1: {  	s5 =	rddreg [dreg:$0x0]  }
0x2: {  	s1 =	rddreg [dreg:$0x1]  }
0x3: {  	s0 =	rddreg [dreg:$0x2]  }
0x4: {  	s3 =	simm.s32 $0x0;
	s2 =	stileid.u32;
	s6 =	srdreg.scid  }
0x5: {  	s20 =	simm.s32 $0x2800;
	s21 =	simm.s32 $0x6800;
	s22 =	simm.s32 $0x1  }
0x6: {  	s23 =	simm.s32 $0x2;
	s26 =	simm.s32 $0x2780;
	s24 =	smul.u32 $0x2780, s2  }
0x7: {  	[smem:$0x7FF] =	sst s3;
	s4 =	sadd.s32 $0x3000, s5;
	s28 =	smul.u32 $0x4F000, s2  }
0x8: {  	s13 =	sadd.s32 $0x34200, s5;
	s14 =	sadd.s32 $0x2A200, s5;
	s11 =	smul.u32 $0x5000, s2  }
0x9: {  	s16 =	sand.u32 $0x1, s6;
	s29 =	sshll.u32 s2, $0x6;
	s30 =	smul.u32 $0xA00, s2  }
0xa: {  	_ =	strace $0x8000004D;
	s8 =	smul.u32 $0x27800, s16;
	s9 =	ssub.s32 $0x2, s16  }
0xb: {  	p0 =	sne.s32 s16, $0x0;
	s7 =	sadd.s32 s24, s5;
	s10 =	sshrl.u32 s9, $0x1  }
0xc: {  	s6 =	sshrl.u32 s28, $0x2;
	s11 =	sshrl.u32 s11, $0x3;
	s15 =	sadd.s32 s8, s5  }
0xd: {  	s17 =	ssub.s32 s9, s10;
	s18 =	sadd.s32 s6, s1;
	s5 =	sadd.s32 $0x3E200, s7  }
0xe: {  	s6 =	sor.u32 $0x1C03, s29;
	s31 =	sadd.s32 $0x280, s11;
	s7 =	sadd.s32 s13, s30  }
0xf: {  	s8 =	sadd.s32 s14, s30;
	s12 =	sadd.s32 $0x500, s11;
	s19 =	sadd.s32 $0x780, s11  }
.Ltmp0:
0x10: {  	s9 =	sadd.s32 s13, s31;
	s10 =	sadd.s32 s14, s31;
	(pc) =	sbr.rel .LBB2_1-.Ltmp0, $4  }
0x11: {  	s11 =	sadd.s32 s13, s12;
	s12 =	sadd.s32 s14, s12;
	s13 =	sadd.s32 s13, s19  }
0x12: {  	s14 =	sadd.s32 s14, s19;
	s25 =	sadd.s32 $0x65A00, s15;
	s15 =	smax.u32 s17, $0x1  }
0x13: {  	s16 =	sshrl.u32 s18, $0x3;
	s17 =	simm.s32 $0x3;
	s18 =	simm.s32 $0x1400  }
0x14: {  	s19 =	simm.s32 $0x80;
	s24 =	sadd.s32 s24, s25;
	s25 =	simm.s32 $0x2700  }
.LBB2_10:
0x15: {  	[tilespmem:s21], [sflag:$0x2] =	stream.indirect.gather [hbm4b:s4+s19], $0x80, s29, s19, $0xb8;
	[tilespmem:$0x1E400] =	vst v63  }
0x16: {  	_ =	swait.ge [sflag:s22], $0x4000  }
0x17: {  	[sflag:s22] =	ssyncset.done $0x0  }
0x18: {  	[sflag:s22] =	ssyncadd.s32 $0xFFFFC000  }
0x19: {  	[spmem:s1] =	stream.indirect.scatter.add.f32 [tilespmem:s20], [sflag:$0x3], $0x80, s25, s19, $0xb8;
	[tilespmem:$0x1E400] =	vst v63  }
0x1a: {  	_ =	swait.ge [sflag:s17], $0x4000  }
0x1b: {  	[sflag:s17] =	ssyncset.done $0x0  }
0x1c: {  	[sflag:s17] =	ssyncadd.s32 $0xFFFFC000  }
0x1d: {  	_ =	swait.ge [sflag:s23], $0x4000  }
0x1e: {  	[sflag:s23] =	ssyncset.done $0x0  }
0x1f: {  	[sflag:s23] =	ssyncadd.s32 $0xFFFFC000  }
0x20: {  	[spmem:s1] =	stream.indirect.scatter.add.f32 [tilespmem:s21], [sflag:$0x3], $0x80, s26, s19, $0xb8;
	[tilespmem:$0x1E400] =	vst v63  }
0x21: {  	_ =	swait.ge [sflag:s17], $0x4000  }
0x22: {  	[sflag:s17] =	ssyncset.done $0x0  }
0x23: {  	[sflag:s17] =	ssyncadd.s32 $0xFFFFC000  }
.LBB2_11:
0x24: {  	s3 =	sadd.s32 $0x1, s3  }
0x25: {  	p1 =	sne.s32 s3, s15  }
.Ltmp1:
0x26: {  	[bflag:$0x0] =	sbarrier.arrive $0xFFFF;
	(pc) =	sbr.rel @!p1 .LBB2_12-.Ltmp1, $4  }
0x27: {  	[hbm:s24], [sflag:s6] =	dma.local [spmem:s16], $0x2780  }
0x28: {  	_ =	swait.ge [sflag:s17], $0x2780  }
0x29: {  	[sflag:s17] =	ssyncset.done $0x0  }
0x2a: {  	[sflag:s17] =	ssyncadd.s32 $0xFFFFD880  }
.LBB2_1:
0x2b: {  	[spmem:s16], [sflag:s6] =	dma.local [hbm:s5], $0x2780  }
.Ltmp2:
0x2c: {  	_ =	swait.ge [sflag:s17], $0x2780;
	(pc) =	sbr.rel @p0 .LBB2_11-.Ltmp2, $3  }
0x2d: {  	[sflag:s17] =	ssyncset.done $0x0  }
0x2e: {  	[sflag:s17] =	ssyncadd.s32 $0xFFFFD880  }
0x2f: {  	[bflag:$0x0] =	sbarrier.arrive $0xFFFF;
	_ =	sdelay $0x1  }
0x30: {  	s28 =	simm.s32 $0x0  }
0x31: {  	[tilespmem:s28], [sflag:$0x3] =	stream.linear.gather [hbm4b:s7+s28], $0x1400, $0x38;
	[tilespmem:$0x1E400] =	vst v63  }
0x32: {  	_ =	swait.ge [sflag:s17], $0x1400  }
0x33: {  	[sflag:s17] =	ssyncset.done $0x0  }
0x34: {  	[sflag:s17] =	ssyncadd.s32 $0xFFFFEC00  }
0x35: {  	[tilespmem:s18], [sflag:$0x3] =	stream.linear.gather [hbm4b:s8+s28], $0x1400, $0x38;
	[tilespmem:$0x1E400] =	vst v63  }
0x36: {  	_ =	swait.ge [sflag:s17], $0x1400  }
0x37: {  	[sflag:s17] =	ssyncset.done $0x0  }
0x38: {  	[sflag:s17] =	ssyncadd.s32 $0xFFFFEC00  }
0x39: {  	[tilespmem:s20], [sflag:$0x1] =	stream.indirect.gather [hbm4b:s4+s19], $0x80, s28, s19, $0xb8;
	[tilespmem:$0x1E400] =	vst v63  }
0x3a: {  	_ = 	snop  }
0x3b: {  	[tilespmem:s21], [sflag:$0x2] =	stream.indirect.gather [hbm4b:s4+s19], $0x80, s19, s19, $0xb8;
	[tilespmem:$0x1E400] =	vst v63  }
0x3c: {  	_ =	swait.ge [sflag:s22], $0x4000  }
0x3d: {  	[sflag:s22] =	ssyncset.done $0x0  }
0x3e: {  	s28 =	simm.s32 $0x1400;
	[sflag:s22] =	ssyncadd.s32 $0xFFFFC000  }
0x3f: {  	[spmem:s1] =	stream.indirect.scatter.add.f32 [tilespmem:s20], [sflag:$0x3], $0x80, s28, s19, $0xb8;
	[tilespmem:$0x1E400] =	vst v63  }
0x40: {  	_ =	swait.ge [sflag:s17], $0x4000  }
0x41: {  	[sflag:s17] =	ssyncset.done $0x0  }
0x42: {  	s28 =	simm.s32 $0x100;
	[sflag:s17] =	ssyncadd.s32 $0xFFFFC000  }
0x43: {  	[tilespmem:s20], [sflag:$0x1] =	stream.indirect.gather [hbm4b:s4+s19], $0x80, s28, s19, $0xb8;
	[tilespmem:$0x1E400] =	vst v63  }
0x44: {  	_ =	swait.ge [sflag:s23], $0x4000  }
0x45: {  	[sflag:s23] =	ssyncset.done $0x0  }
0x46: {  	s28 =	simm.s32 $0x1480;
	[sflag:s23] =	ssyncadd.s32 $0xFFFFC000  }
0x47: {  	[spmem:s1] =	stream.indirect.scatter.add.f32 [tilespmem:s21], [sflag:$0x3], $0x80, s28, s19, $0xb8;
	[tilespmem:$0x1E400] =	vst v63  }
0x48: {  	_ =	swait.ge [sflag:s17], $0x4000  }
0x49: {  	[sflag:s17] =	ssyncset.done $0x0  }
0x4a: {  	s29 =	simm.s32 $0x180;
	s28 =	simm.s32 $0x400;
	[sflag:s17] =	ssyncadd.s32 $0xFFFFC000  }
.LBB2_3:
0x4b: {  	[tilespmem:s21], [sflag:$0x2] =	stream.indirect.gather [hbm4b:s4+s19], $0x80, s29, s19, $0xb8;
	[tilespmem:$0x1E400] =	vst v63  }
0x4c: {  	s29 =	smov.u32 s28  }
0x4d: {  	p1 =	sne.s32 s28, $0x4800;
	s28 =	sadd.s32 $0x400, s28;
	_ =	swait.ge [sflag:s22], $0x4000  }
0x4e: {  	s29 =	sshra.s32 s29, $0x2;
	[sflag:s22] =	ssyncset.done $0x0  }
0x4f: {  	s30 =	sadd.s32 $0x1400, s29;
	[sflag:s22] =	ssyncadd.s32 $0xFFFFC000  }
0x50: {  	[spmem:s1] =	stream.indirect.scatter.add.f32 [tilespmem:s20], [sflag:$0x3], $0x80, s30, s19, $0xb8;
	[tilespmem:$0x1E400] =	vst v63  }
0x51: {  	_ =	swait.ge [sflag:s17], $0x4000  }
0x52: {  	[sflag:s17] =	ssyncset.done $0x0  }
0x53: {  	s30 =	sadd.s32 $0x100, s29;
	[sflag:s17] =	ssyncadd.s32 $0xFFFFC000  }
0x54: {  	[tilespmem:s20], [sflag:$0x1] =	stream.indirect.gather [hbm4b:s4+s19], $0x80, s30, s19, $0xb8;
	[tilespmem:$0x1E400] =	vst v63  }
0x55: {  	_ =	swait.ge [sflag:s23], $0x4000  }
0x56: {  	[sflag:s23] =	ssyncset.done $0x0  }
.Ltmp3:
0x57: {  	s30 =	sadd.s32 $0x1480, s29;
	[sflag:s23] =	ssyncadd.s32 $0xFFFFC000;
	(pc) =	sbr.rel @p1 .LBB2_3-.Ltmp3, $4  }
0x58: {  	[spmem:s1] =	stream.indirect.scatter.add.f32 [tilespmem:s21], [sflag:$0x3], $0x80, s30, s19, $0xb8;
	[tilespmem:$0x1E400] =	vst v63  }
0x59: {  	_ =	swait.ge [sflag:s17], $0x4000  }
0x5a: {  	[sflag:s17] =	ssyncset.done $0x0  }
0x5b: {  	s29 =	sadd.s32 $0x180, s29;
	[sflag:s17] =	ssyncadd.s32 $0xFFFFC000  }
0x5c: {  	[tilespmem:s21], [sflag:$0x2] =	stream.indirect.gather [hbm4b:s4+s19], $0x80, s29, s19, $0xb8;
	[tilespmem:$0x1E400] =	vst v63  }
0x5d: {  	_ =	swait.ge [sflag:s22], $0x4000  }
0x5e: {  	[sflag:s22] =	ssyncset.done $0x0  }
0x5f: {  	[sflag:s22] =	ssyncadd.s32 $0xFFFFC000  }
0x60: {  	[spmem:s1] =	stream.indirect.scatter.add.f32 [tilespmem:s20], [sflag:$0x3], $0x80, s25, s19, $0xb8;
	[tilespmem:$0x1E400] =	vst v63  }
0x61: {  	_ =	swait.ge [sflag:s17], $0x4000  }
0x62: {  	[sflag:s17] =	ssyncset.done $0x0  }
0x63: {  	[sflag:s17] =	ssyncadd.s32 $0xFFFFC000  }
0x64: {  	_ =	swait.ge [sflag:s23], $0x4000  }
0x65: {  	[sflag:s23] =	ssyncset.done $0x0  }
0x66: {  	[sflag:s23] =	ssyncadd.s32 $0xFFFFC000  }
0x67: {  	[spmem:s1] =	stream.indirect.scatter.add.f32 [tilespmem:s21], [sflag:$0x3], $0x80, s26, s19, $0xb8;
	[tilespmem:$0x1E400] =	vst v63  }
0x68: {  	_ =	swait.ge [sflag:s17], $0x4000  }
0x69: {  	[sflag:s17] =	ssyncset.done $0x0  }
0x6a: {  	s28 =	simm.s32 $0x0;
	[sflag:s17] =	ssyncadd.s32 $0xFFFFC000  }
0x6b: {  	[tilespmem:s28], [sflag:$0x3] =	stream.linear.gather [hbm4b:s9+s28], $0x1400, $0x38;
	[tilespmem:$0x1E400] =	vst v63  }
0x6c: {  	_ =	swait.ge [sflag:s17], $0x1400  }
0x6d: {  	[sflag:s17] =	ssyncset.done $0x0  }
0x6e: {  	[sflag:s17] =	ssyncadd.s32 $0xFFFFEC00  }
0x6f: {  	[tilespmem:s18], [sflag:$0x3] =	stream.linear.gather [hbm4b:s10+s28], $0x1400, $0x38;
	[tilespmem:$0x1E400] =	vst v63  }
0x70: {  	_ =	swait.ge [sflag:s17], $0x1400  }
0x71: {  	[sflag:s17] =	ssyncset.done $0x0  }
0x72: {  	[sflag:s17] =	ssyncadd.s32 $0xFFFFEC00  }
0x73: {  	[tilespmem:s20], [sflag:$0x1] =	stream.indirect.gather [hbm4b:s4+s19], $0x80, s28, s19, $0xb8;
	[tilespmem:$0x1E400] =	vst v63  }
0x74: {  	_ = 	snop  }
0x75: {  	[tilespmem:s21], [sflag:$0x2] =	stream.indirect.gather [hbm4b:s4+s19], $0x80, s19, s19, $0xb8;
	[tilespmem:$0x1E400] =	vst v63  }
0x76: {  	_ =	swait.ge [sflag:s22], $0x4000  }
0x77: {  	[sflag:s22] =	ssyncset.done $0x0  }
0x78: {  	s28 =	simm.s32 $0x1400;
	[sflag:s22] =	ssyncadd.s32 $0xFFFFC000  }
0x79: {  	[spmem:s1] =	stream.indirect.scatter.add.f32 [tilespmem:s20], [sflag:$0x3], $0x80, s28, s19, $0xb8;
	[tilespmem:$0x1E400] =	vst v63  }
0x7a: {  	_ =	swait.ge [sflag:s17], $0x4000  }
0x7b: {  	[sflag:s17] =	ssyncset.done $0x0  }
0x7c: {  	s28 =	simm.s32 $0x100;
	[sflag:s17] =	ssyncadd.s32 $0xFFFFC000  }
0x7d: {  	[tilespmem:s20], [sflag:$0x1] =	stream.indirect.gather [hbm4b:s4+s19], $0x80, s28, s19, $0xb8;
	[tilespmem:$0x1E400] =	vst v63  }
0x7e: {  	_ =	swait.ge [sflag:s23], $0x4000  }
0x7f: {  	[sflag:s23] =	ssyncset.done $0x0  }
0x80: {  	s28 =	simm.s32 $0x1480;
	[sflag:s23] =	ssyncadd.s32 $0xFFFFC000  }
0x81: {  	[spmem:s1] =	stream.indirect.scatter.add.f32 [tilespmem:s21], [sflag:$0x3], $0x80, s28, s19, $0xb8;
	[tilespmem:$0x1E400] =	vst v63  }
0x82: {  	_ =	swait.ge [sflag:s17], $0x4000  }
0x83: {  	[sflag:s17] =	ssyncset.done $0x0  }
0x84: {  	s29 =	simm.s32 $0x180;
	s28 =	simm.s32 $0x400;
	[sflag:s17] =	ssyncadd.s32 $0xFFFFC000  }
.LBB2_5:
0x85: {  	[tilespmem:s21], [sflag:$0x2] =	stream.indirect.gather [hbm4b:s4+s19], $0x80, s29, s19, $0xb8;
	[tilespmem:$0x1E400] =	vst v63  }
0x86: {  	s29 =	smov.u32 s28  }
0x87: {  	p1 =	sne.s32 s28, $0x4800;
	s28 =	sadd.s32 $0x400, s28;
	_ =	swait.ge [sflag:s22], $0x4000  }
0x88: {  	s29 =	sshra.s32 s29, $0x2;
	[sflag:s22] =	ssyncset.done $0x0  }
0x89: {  	s30 =	sadd.s32 $0x1400, s29;
	[sflag:s22] =	ssyncadd.s32 $0xFFFFC000  }
0x8a: {  	[spmem:s1] =	stream.indirect.scatter.add.f32 [tilespmem:s20], [sflag:$0x3], $0x80, s30, s19, $0xb8;
	[tilespmem:$0x1E400] =	vst v63  }
0x8b: {  	_ =	swait.ge [sflag:s17], $0x4000  }
0x8c: {  	[sflag:s17] =	ssyncset.done $0x0  }
0x8d: {  	s30 =	sadd.s32 $0x100, s29;
	[sflag:s17] =	ssyncadd.s32 $0xFFFFC000  }
0x8e: {  	[tilespmem:s20], [sflag:$0x1] =	stream.indirect.gather [hbm4b:s4+s19], $0x80, s30, s19, $0xb8;
	[tilespmem:$0x1E400] =	vst v63  }
0x8f: {  	_ =	swait.ge [sflag:s23], $0x4000  }
0x90: {  	[sflag:s23] =	ssyncset.done $0x0  }
.Ltmp4:
0x91: {  	s30 =	sadd.s32 $0x1480, s29;
	[sflag:s23] =	ssyncadd.s32 $0xFFFFC000;
	(pc) =	sbr.rel @p1 .LBB2_5-.Ltmp4, $4  }
0x92: {  	[spmem:s1] =	stream.indirect.scatter.add.f32 [tilespmem:s21], [sflag:$0x3], $0x80, s30, s19, $0xb8;
	[tilespmem:$0x1E400] =	vst v63  }
0x93: {  	_ =	swait.ge [sflag:s17], $0x4000  }
0x94: {  	[sflag:s17] =	ssyncset.done $0x0  }
0x95: {  	s29 =	sadd.s32 $0x180, s29;
	[sflag:s17] =	ssyncadd.s32 $0xFFFFC000  }
0x96: {  	[tilespmem:s21], [sflag:$0x2] =	stream.indirect.gather [hbm4b:s4+s19], $0x80, s29, s19, $0xb8;
	[tilespmem:$0x1E400] =	vst v63  }
0x97: {  	_ =	swait.ge [sflag:s22], $0x4000  }
0x98: {  	[sflag:s22] =	ssyncset.done $0x0  }
0x99: {  	[sflag:s22] =	ssyncadd.s32 $0xFFFFC000  }
0x9a: {  	[spmem:s1] =	stream.indirect.scatter.add.f32 [tilespmem:s20], [sflag:$0x3], $0x80, s25, s19, $0xb8;
	[tilespmem:$0x1E400] =	vst v63  }
0x9b: {  	_ =	swait.ge [sflag:s17], $0x4000  }
0x9c: {  	[sflag:s17] =	ssyncset.done $0x0  }
0x9d: {  	[sflag:s17] =	ssyncadd.s32 $0xFFFFC000  }
0x9e: {  	_ =	swait.ge [sflag:s23], $0x4000  }
0x9f: {  	[sflag:s23] =	ssyncset.done $0x0  }
0xa0: {  	[sflag:s23] =	ssyncadd.s32 $0xFFFFC000  }
0xa1: {  	[spmem:s1] =	stream.indirect.scatter.add.f32 [tilespmem:s21], [sflag:$0x3], $0x80, s26, s19, $0xb8;
	[tilespmem:$0x1E400] =	vst v63  }
0xa2: {  	_ =	swait.ge [sflag:s17], $0x4000  }
0xa3: {  	[sflag:s17] =	ssyncset.done $0x0  }
0xa4: {  	s28 =	simm.s32 $0x0;
	[sflag:s17] =	ssyncadd.s32 $0xFFFFC000  }
0xa5: {  	[tilespmem:s28], [sflag:$0x3] =	stream.linear.gather [hbm4b:s11+s28], $0x1400, $0x38;
	[tilespmem:$0x1E400] =	vst v63  }
0xa6: {  	_ =	swait.ge [sflag:s17], $0x1400  }
0xa7: {  	[sflag:s17] =	ssyncset.done $0x0  }
0xa8: {  	[sflag:s17] =	ssyncadd.s32 $0xFFFFEC00  }
0xa9: {  	[tilespmem:s18], [sflag:$0x3] =	stream.linear.gather [hbm4b:s12+s28], $0x1400, $0x38;
	[tilespmem:$0x1E400] =	vst v63  }
0xaa: {  	_ =	swait.ge [sflag:s17], $0x1400  }
0xab: {  	[sflag:s17] =	ssyncset.done $0x0  }
0xac: {  	[sflag:s17] =	ssyncadd.s32 $0xFFFFEC00  }
0xad: {  	[tilespmem:s20], [sflag:$0x1] =	stream.indirect.gather [hbm4b:s4+s19], $0x80, s28, s19, $0xb8;
	[tilespmem:$0x1E400] =	vst v63  }
0xae: {  	_ = 	snop  }
0xaf: {  	[tilespmem:s21], [sflag:$0x2] =	stream.indirect.gather [hbm4b:s4+s19], $0x80, s19, s19, $0xb8;
	[tilespmem:$0x1E400] =	vst v63  }
0xb0: {  	_ =	swait.ge [sflag:s22], $0x4000  }
0xb1: {  	[sflag:s22] =	ssyncset.done $0x0  }
0xb2: {  	s28 =	simm.s32 $0x1400;
	[sflag:s22] =	ssyncadd.s32 $0xFFFFC000  }
0xb3: {  	[spmem:s1] =	stream.indirect.scatter.add.f32 [tilespmem:s20], [sflag:$0x3], $0x80, s28, s19, $0xb8;
	[tilespmem:$0x1E400] =	vst v63  }
0xb4: {  	_ =	swait.ge [sflag:s17], $0x4000  }
0xb5: {  	[sflag:s17] =	ssyncset.done $0x0  }
0xb6: {  	s28 =	simm.s32 $0x100;
	[sflag:s17] =	ssyncadd.s32 $0xFFFFC000  }
0xb7: {  	[tilespmem:s20], [sflag:$0x1] =	stream.indirect.gather [hbm4b:s4+s19], $0x80, s28, s19, $0xb8;
	[tilespmem:$0x1E400] =	vst v63  }
0xb8: {  	_ =	swait.ge [sflag:s23], $0x4000  }
0xb9: {  	[sflag:s23] =	ssyncset.done $0x0  }
0xba: {  	s28 =	simm.s32 $0x1480;
	[sflag:s23] =	ssyncadd.s32 $0xFFFFC000  }
0xbb: {  	[spmem:s1] =	stream.indirect.scatter.add.f32 [tilespmem:s21], [sflag:$0x3], $0x80, s28, s19, $0xb8;
	[tilespmem:$0x1E400] =	vst v63  }
0xbc: {  	_ =	swait.ge [sflag:s17], $0x4000  }
0xbd: {  	[sflag:s17] =	ssyncset.done $0x0  }
0xbe: {  	s29 =	simm.s32 $0x180;
	s28 =	simm.s32 $0x400;
	[sflag:s17] =	ssyncadd.s32 $0xFFFFC000  }
.LBB2_7:
0xbf: {  	[tilespmem:s21], [sflag:$0x2] =	stream.indirect.gather [hbm4b:s4+s19], $0x80, s29, s19, $0xb8;
	[tilespmem:$0x1E400] =	vst v63  }
0xc0: {  	s29 =	smov.u32 s28  }
0xc1: {  	p1 =	sne.s32 s28, $0x4800;
	s28 =	sadd.s32 $0x400, s28;
	_ =	swait.ge [sflag:s22], $0x4000  }
0xc2: {  	s29 =	sshra.s32 s29, $0x2;
	[sflag:s22] =	ssyncset.done $0x0  }
0xc3: {  	s30 =	sadd.s32 $0x1400, s29;
	[sflag:s22] =	ssyncadd.s32 $0xFFFFC000  }
0xc4: {  	[spmem:s1] =	stream.indirect.scatter.add.f32 [tilespmem:s20], [sflag:$0x3], $0x80, s30, s19, $0xb8;
	[tilespmem:$0x1E400] =	vst v63  }
0xc5: {  	_ =	swait.ge [sflag:s17], $0x4000  }
0xc6: {  	[sflag:s17] =	ssyncset.done $0x0  }
0xc7: {  	s30 =	sadd.s32 $0x100, s29;
	[sflag:s17] =	ssyncadd.s32 $0xFFFFC000  }
0xc8: {  	[tilespmem:s20], [sflag:$0x1] =	stream.indirect.gather [hbm4b:s4+s19], $0x80, s30, s19, $0xb8;
	[tilespmem:$0x1E400] =	vst v63  }
0xc9: {  	_ =	swait.ge [sflag:s23], $0x4000  }
0xca: {  	[sflag:s23] =	ssyncset.done $0x0  }
.Ltmp5:
0xcb: {  	s30 =	sadd.s32 $0x1480, s29;
	[sflag:s23] =	ssyncadd.s32 $0xFFFFC000;
	(pc) =	sbr.rel @p1 .LBB2_7-.Ltmp5, $4  }
0xcc: {  	[spmem:s1] =	stream.indirect.scatter.add.f32 [tilespmem:s21], [sflag:$0x3], $0x80, s30, s19, $0xb8;
	[tilespmem:$0x1E400] =	vst v63  }
0xcd: {  	_ =	swait.ge [sflag:s17], $0x4000  }
0xce: {  	[sflag:s17] =	ssyncset.done $0x0  }
0xcf: {  	s29 =	sadd.s32 $0x180, s29;
	[sflag:s17] =	ssyncadd.s32 $0xFFFFC000  }
0xd0: {  	[tilespmem:s21], [sflag:$0x2] =	stream.indirect.gather [hbm4b:s4+s19], $0x80, s29, s19, $0xb8;
	[tilespmem:$0x1E400] =	vst v63  }
0xd1: {  	_ =	swait.ge [sflag:s22], $0x4000  }
0xd2: {  	[sflag:s22] =	ssyncset.done $0x0  }
0xd3: {  	[sflag:s22] =	ssyncadd.s32 $0xFFFFC000  }
0xd4: {  	[spmem:s1] =	stream.indirect.scatter.add.f32 [tilespmem:s20], [sflag:$0x3], $0x80, s25, s19, $0xb8;
	[tilespmem:$0x1E400] =	vst v63  }
0xd5: {  	_ =	swait.ge [sflag:s17], $0x4000  }
0xd6: {  	[sflag:s17] =	ssyncset.done $0x0  }
0xd7: {  	[sflag:s17] =	ssyncadd.s32 $0xFFFFC000  }
0xd8: {  	_ =	swait.ge [sflag:s23], $0x4000  }
0xd9: {  	[sflag:s23] =	ssyncset.done $0x0  }
0xda: {  	[sflag:s23] =	ssyncadd.s32 $0xFFFFC000  }
0xdb: {  	[spmem:s1] =	stream.indirect.scatter.add.f32 [tilespmem:s21], [sflag:$0x3], $0x80, s26, s19, $0xb8;
	[tilespmem:$0x1E400] =	vst v63  }
0xdc: {  	_ =	swait.ge [sflag:s17], $0x4000  }
0xdd: {  	[sflag:s17] =	ssyncset.done $0x0  }
0xde: {  	s28 =	simm.s32 $0x0;
	[sflag:s17] =	ssyncadd.s32 $0xFFFFC000  }
0xdf: {  	[tilespmem:s28], [sflag:$0x3] =	stream.linear.gather [hbm4b:s13+s28], $0x1400, $0x38;
	[tilespmem:$0x1E400] =	vst v63  }
0xe0: {  	_ =	swait.ge [sflag:s17], $0x1400  }
0xe1: {  	[sflag:s17] =	ssyncset.done $0x0  }
0xe2: {  	[sflag:s17] =	ssyncadd.s32 $0xFFFFEC00  }
0xe3: {  	[tilespmem:s18], [sflag:$0x3] =	stream.linear.gather [hbm4b:s14+s28], $0x1400, $0x38;
	[tilespmem:$0x1E400] =	vst v63  }
0xe4: {  	_ =	swait.ge [sflag:s17], $0x1400  }
0xe5: {  	[sflag:s17] =	ssyncset.done $0x0  }
0xe6: {  	[sflag:s17] =	ssyncadd.s32 $0xFFFFEC00  }
0xe7: {  	[tilespmem:s20], [sflag:$0x1] =	stream.indirect.gather [hbm4b:s4+s19], $0x80, s28, s19, $0xb8;
	[tilespmem:$0x1E400] =	vst v63  }
0xe8: {  	_ = 	snop  }
0xe9: {  	[tilespmem:s21], [sflag:$0x2] =	stream.indirect.gather [hbm4b:s4+s19], $0x80, s19, s19, $0xb8;
	[tilespmem:$0x1E400] =	vst v63  }
0xea: {  	_ =	swait.ge [sflag:s22], $0x4000  }
0xeb: {  	[sflag:s22] =	ssyncset.done $0x0  }
0xec: {  	s28 =	simm.s32 $0x1400;
	[sflag:s22] =	ssyncadd.s32 $0xFFFFC000  }
0xed: {  	[spmem:s1] =	stream.indirect.scatter.add.f32 [tilespmem:s20], [sflag:$0x3], $0x80, s28, s19, $0xb8;
	[tilespmem:$0x1E400] =	vst v63  }
0xee: {  	_ =	swait.ge [sflag:s17], $0x4000  }
0xef: {  	[sflag:s17] =	ssyncset.done $0x0  }
0xf0: {  	s28 =	simm.s32 $0x100;
	[sflag:s17] =	ssyncadd.s32 $0xFFFFC000  }
0xf1: {  	[tilespmem:s20], [sflag:$0x1] =	stream.indirect.gather [hbm4b:s4+s19], $0x80, s28, s19, $0xb8;
	[tilespmem:$0x1E400] =	vst v63  }
0xf2: {  	_ =	swait.ge [sflag:s23], $0x4000  }
0xf3: {  	[sflag:s23] =	ssyncset.done $0x0  }
0xf4: {  	s28 =	simm.s32 $0x1480;
	[sflag:s23] =	ssyncadd.s32 $0xFFFFC000  }
0xf5: {  	[spmem:s1] =	stream.indirect.scatter.add.f32 [tilespmem:s21], [sflag:$0x3], $0x80, s28, s19, $0xb8;
	[tilespmem:$0x1E400] =	vst v63  }
0xf6: {  	_ =	swait.ge [sflag:s17], $0x4000  }
0xf7: {  	[sflag:s17] =	ssyncset.done $0x0  }
0xf8: {  	s29 =	simm.s32 $0x180;
	s28 =	simm.s32 $0x400;
	[sflag:s17] =	ssyncadd.s32 $0xFFFFC000  }
.LBB2_9:
0xf9: {  	[tilespmem:s21], [sflag:$0x2] =	stream.indirect.gather [hbm4b:s4+s19], $0x80, s29, s19, $0xb8;
	[tilespmem:$0x1E400] =	vst v63  }
0xfa: {  	s29 =	smov.u32 s28  }
0xfb: {  	p1 =	sne.s32 s28, $0x4800;
	s28 =	sadd.s32 $0x400, s28;
	_ =	swait.ge [sflag:s22], $0x4000  }
0xfc: {  	s29 =	sshra.s32 s29, $0x2;
	[sflag:s22] =	ssyncset.done $0x0  }
0xfd: {  	s30 =	sadd.s32 $0x1400, s29;
	[sflag:s22] =	ssyncadd.s32 $0xFFFFC000  }
0xfe: {  	[spmem:s1] =	stream.indirect.scatter.add.f32 [tilespmem:s20], [sflag:$0x3], $0x80, s30, s19, $0xb8;
	[tilespmem:$0x1E400] =	vst v63  }
0xff: {  	_ =	swait.ge [sflag:s17], $0x4000  }
0x100: {  	[sflag:s17] =	ssyncset.done $0x0  }
0x101: {  	s30 =	sadd.s32 $0x100, s29;
	[sflag:s17] =	ssyncadd.s32 $0xFFFFC000  }
0x102: {  	[tilespmem:s20], [sflag:$0x1] =	stream.indirect.gather [hbm4b:s4+s19], $0x80, s30, s19, $0xb8;
	[tilespmem:$0x1E400] =	vst v63  }
0x103: {  	_ =	swait.ge [sflag:s23], $0x4000  }
0x104: {  	[sflag:s23] =	ssyncset.done $0x0  }
.Ltmp6:
0x105: {  	s30 =	sadd.s32 $0x1480, s29;
	[sflag:s23] =	ssyncadd.s32 $0xFFFFC000;
	(pc) =	sbr.rel @p1 .LBB2_9-.Ltmp6, $4  }
0x106: {  	[spmem:s1] =	stream.indirect.scatter.add.f32 [tilespmem:s21], [sflag:$0x3], $0x80, s30, s19, $0xb8;
	[tilespmem:$0x1E400] =	vst v63  }
0x107: {  	_ =	swait.ge [sflag:s17], $0x4000  }
0x108: {  	[sflag:s17] =	ssyncset.done $0x0  }
0x109: {  	s29 =	sadd.s32 $0x180, s29;
	[sflag:s17] =	ssyncadd.s32 $0xFFFFC000  }
.Ltmp7:
0x10a: {  	_ = 	snop;
	(pc) =	sbr.rel .LBB2_10-.Ltmp7, $1  }
0x10b: {  	_ =	sdelay $0x3  }
.LBB2_12:
0x10c: {  	_ =	sfence.sel $0x180000  }
0x10d: {  	[bflag:$0x0] =	sbarrier.arrive $0xFFFF  }
0x10e: {  	p0 =	sne.s32 s2, $0x0;
	_ =	strace $0x9000004D  }
0x10f: {  	s0 =	sadd.s32 @!p0 $0x100000, s0;
	[bflag:$0x2] =	sbarrier.arrive $0xFFFF  }
0x110: {  	[sflag:s0] =	ssyncadd.tile.s32 @!p0 $0x1;
	_ =	shalt  }
.Lfunc_end2:
_tile_overlayer_lowered:
.L_overlay_start_2:
0x111: {  	(tag) =	ssettag $0x2  }
0x112: {  	s0 =	rddreg [dreg:$0x0];
	s2 =	stileid.u32  }
0x113: {  	s1 =	rddreg [dreg:$0x1];
	p0 =	sne.s32 s2, $0x0  }
0x114: {  	s3 =	rddreg [dreg:$0x2];
	[bflag:$0x3] =	sbarrier.arrive $0xFFFF;
	s2 =	simm.s32 @!p0 $0x1C03  }
0x115: {  	[timem:s3], [sflag:s2] =	dma.local @!p0 [hbm:s0], s1  }
0x116: {  	s0 =	simm.s32 @!p0 $0x3  }
0x117: {  	_ =	swait.ge @!p0 [sflag:s0], s1  }
0x118: {  	s1 =	ssub.s32 @!p0 $0x0, s1;
	[sflag:s0] =	ssyncset.done @!p0 $0x0  }
0x119: {  	[sflag:s0] =	ssyncadd.s32 @!p0 s1  }
0x11a: {  	[bflag:$0x3] =	sbarrier.arrive $0xFFFF  }
0x11b: {  	_ =	shalt  }

</sc_bundles>
